<compile_context>
chip_gen: v7x
topology: tpu7x:2x2x1
jax: 0.10.2.dev20260603
libtpu: 0.0.44.dev20260713+nightly
codegen_flags: <defaults>
</compile_context>

<pallas_src>
import functools

import jax
import jax.numpy as jnp
from jax import lax
from jax.experimental import pallas as pl
from jax.experimental.pallas import tpu as pltpu
from jax.experimental.pallas import tpu_sc as plsc

B = 8
N = 20000
C = 92
LANE = 128
NW = 32
SC_CHUNKS = 64
SC_COLS = SC_CHUNKS * LANE
TC_COLS = N - SC_COLS
BN = 2048


def _sc_body(logit_hbm, score_hbm, label_hbm, buf, sbuf, lbuf, sem, osem):
    cid = lax.axis_index("c")
    sid = lax.axis_index("s")
    w = sid * 2 + cid

    def chunk_loop(k, carry):
        chunk = w + NW * k

        @pl.when(chunk < SC_CHUNKS)
        def _():
            base = chunk * LANE
            pltpu.async_copy(logit_hbm.at[:, pl.ds(base, LANE)], buf,
                             sem).wait()

            def group_loop(idx, carry2):
                g = idx % 8
                b0 = (idx // 8) * 4
                col = g * 16

                m91 = [buf[b0 + u, pl.ds(col, 16)] for u in range(4)]
                lbl = [jnp.zeros((16,), jnp.int32) for _ in range(4)]

                def cls_loop(c, st):
                    m, l = st
                    cvec = lax.broadcast(c, (16,))
                    m_new, l_new = [], []
                    for u in range(4):
                        x = buf[c * B + b0 + u, pl.ds(col, 16)]
                        gt = x > m[u]
                        m_new.append(jnp.where(gt, x, m[u]))
                        l_new.append(jnp.where(gt, cvec, l[u]))
                    return (tuple(m_new), tuple(l_new))

                m91, lbl = lax.fori_loop(1, C - 1, cls_loop,
                                         (tuple(m91), tuple(lbl)),
                                         unroll=7)
                m_all = [jnp.maximum(m91[u],
                                     buf[(C - 1) * B + b0 + u,
                                         pl.ds(col, 16)])
                         for u in range(4)]

                def den_loop(c, d):
                    return tuple(
                        d[u] + jnp.exp(buf[c * B + b0 + u, pl.ds(col, 16)]
                                       - m_all[u])
                        for u in range(4))

                den = lax.fori_loop(0, C, den_loop,
                                    tuple(jnp.zeros((16,), jnp.float32)
                                          for _ in range(4)),
                                    unroll=4)
                for u in range(4):
                    sbuf[b0 + u, pl.ds(col, 16)] = (
                        jnp.exp(m91[u] - m_all[u]) / den[u])
                    lbuf[b0 + u, pl.ds(col, 16)] = lbl[u]
                return carry2

            lax.fori_loop(0, 16, group_loop, 0)
            pltpu.async_copy(sbuf, score_hbm.at[chunk], osem).wait()
            pltpu.async_copy(lbuf, label_hbm.at[chunk], osem).wait()

        return carry

    lax.fori_loop(0, (SC_CHUNKS + NW - 1) // NW, chunk_loop, 0)


def _sc_scores(logits2d):
    mesh = plsc.VectorSubcoreMesh(core_axis_name="c", subcore_axis_name="s")
    fn = functools.partial(
        pl.kernel,
        mesh=mesh,
        out_type=[
            jax.ShapeDtypeStruct((SC_CHUNKS, B, LANE), jnp.float32),
            jax.ShapeDtypeStruct((SC_CHUNKS, B, LANE), jnp.int32),
        ],
        scratch_types=[
            pltpu.VMEM((C * B, LANE), jnp.float32),
            pltpu.VMEM((B, LANE), jnp.float32),
            pltpu.VMEM((B, LANE), jnp.int32),
            pltpu.SemaphoreType.DMA,
            pltpu.SemaphoreType.DMA,
        ],
        compiler_params=pltpu.CompilerParams(use_tc_tiling_on_sc=True),
    )(_sc_body)
    return fn(logits2d)


def _tc_scores_body(logit_ref, score_ref, label_ref):
    m91 = logit_ref[0]
    lbl = jnp.zeros((B, BN), jnp.int32)
    for c in range(1, C - 1):
        xc = logit_ref[c]
        gt = xc > m91
        m91 = jnp.where(gt, xc, m91)
        lbl = jnp.where(gt, c, lbl)
    m_all = jnp.maximum(m91, logit_ref[C - 1])
    denom = jnp.zeros((B, BN), jnp.float32)
    for c in range(C):
        denom = denom + jnp.exp(logit_ref[c] - m_all)
    score_ref[...] = jnp.exp(m91 - m_all) / denom
    label_ref[...] = lbl


def _tc_scores(logits_t):
    off = SC_COLS // BN
    grid = (pl.cdiv(TC_COLS, BN),)
    return pl.pallas_call(
        _tc_scores_body,
        grid=grid,
        in_specs=[pl.BlockSpec((C, B, BN), lambda i: (0, 0, i + off))],
        out_specs=(
            pl.BlockSpec((B, BN), lambda i: (0, i)),
            pl.BlockSpec((B, BN), lambda i: (0, i)),
        ),
        out_shape=(
            jax.ShapeDtypeStruct((B, TC_COLS), jnp.float32),
            jax.ShapeDtypeStruct((B, TC_COLS), jnp.int32),
        ),
        compiler_params=pltpu.CompilerParams(
            dimension_semantics=("arbitrary",),
        ),
    )(logits_t)


def _tc_boxes_body(scale_ref, box_ref, obox_ref, idx_ref):
    i = pl.program_id(0)
    ws = scale_ref[:, 0:1]
    hs = scale_ref[:, 1:2]
    cx = box_ref[:, 0]
    cy = box_ref[:, 1]
    hw = 0.5 * box_ref[:, 2]
    hh = 0.5 * box_ref[:, 3]
    obox_ref[:, 0] = (cx - hw) * ws
    obox_ref[:, 1] = (cy - hh) * hs
    obox_ref[:, 2] = (cx + hw) * ws
    obox_ref[:, 3] = (cy + hh) * hs
    idx_ref[...] = (i * BN + jax.lax.broadcasted_iota(
        jnp.int32, (B, BN), 1)).astype(jnp.float32)


def _tc_boxes(scale, boxes_t):
    grid = (pl.cdiv(N, BN),)
    return pl.pallas_call(
        _tc_boxes_body,
        grid=grid,
        in_specs=[
            pl.BlockSpec((B, 4), lambda i: (0, 0)),
            pl.BlockSpec((B, 4, BN), lambda i: (0, 0, i)),
        ],
        out_specs=(
            pl.BlockSpec((B, 4, BN), lambda i: (0, 0, i)),
            pl.BlockSpec((B, BN), lambda i: (0, i)),
        ),
        out_shape=(
            jax.ShapeDtypeStruct((B, 4, N), jnp.float32),
            jax.ShapeDtypeStruct((B, N), jnp.float32),
        ),
        compiler_params=pltpu.CompilerParams(
            dimension_semantics=("arbitrary",),
        ),
    )(scale, boxes_t)


def kernel(pred_logits, pred_boxes, target_sizes):
    logits_t = jnp.transpose(pred_logits, (2, 0, 1))
    logits2d = logits_t.reshape(C * B, N)
    boxes_t = jnp.transpose(pred_boxes, (0, 2, 1))
    ts = target_sizes.astype(jnp.float32)
    img_h = ts[:, 0]
    img_w = ts[:, 1]
    scale = jnp.stack([img_w, img_h, img_w, img_h], axis=1)

    sc_scores, sc_labels = _sc_scores(logits2d)
    t_scores, t_labels = _tc_scores(logits_t)
    oboxes, indices = _tc_boxes(scale, boxes_t)

    head_scores = jnp.transpose(sc_scores, (1, 0, 2)).reshape(B, SC_COLS)
    head_labels = jnp.transpose(sc_labels, (1, 0, 2)).reshape(B, SC_COLS)
    scores = jnp.concatenate([head_scores, t_scores], axis=1)
    labels = jnp.concatenate([head_labels, t_labels], axis=1)

    return (
        scores,
        labels,
        jnp.transpose(oboxes, (0, 2, 1)),
        indices,
    )

# --- scband reference (transcript-rebuilt; emitter-appended) ---
"""Pipeline reference for scband-post-process-4226247819682 (READ-ONLY COPY).

The authoritative reference and input builder live on the scoring server;
editing this copy changes nothing except your own understanding.
"""

import jax, jax.numpy as jnp
import numpy as np


def box_cxcywh_to_xyxy(b):
    cx, cy, w, h = jnp.split(b, 4, axis=-1)
    return jnp.concatenate([cx - 0.5 * w, cy - 0.5 * h, cx + 0.5 * w, cy + 0.5 * h], axis=-1)


def setup_inputs(seed: int = 0) -> dict:
    key = jax.random.key(seed)
    k1, k2, k3 = jax.random.split(key, 3)
    pred_logits = jax.random.normal(k1, (8, 20000, 92), dtype=jnp.float32)
    pred_boxes = jax.random.uniform(k2, (8, 20000, 4), dtype=jnp.float32)
    target_sizes = jax.random.randint(k3, (8, 2), 1, 1333, dtype=jnp.int64)
    return {"pred_logits": pred_logits, "pred_boxes": pred_boxes, "target_sizes": target_sizes}


def reference(pred_logits, pred_boxes, target_sizes):
    # PostProcess.forward with nms=False (default), outputs dict flattened to two tensors.
    prob = jax.nn.softmax(pred_logits, axis=-1)
    scores = jnp.max(prob[..., :-1], axis=-1)
    labels = jnp.argmax(prob[..., :-1], axis=-1)
    boxes = box_cxcywh_to_xyxy(pred_boxes)
    img_h = target_sizes[:, 0].astype(jnp.float32)
    img_w = target_sizes[:, 1].astype(jnp.float32)
    scale_fct = jnp.stack([img_w, img_h, img_w, img_h], axis=1)
    boxes = boxes * scale_fct[:, None, :]
    B, N = boxes.shape[0], boxes.shape[1]
    indices = jnp.broadcast_to(jnp.arange(N, dtype=jnp.float32), (B, N))
    return (scores, labels, boxes, indices)

if __name__ == "__main__":
    import jax
    _d = setup_inputs()
    print(jax.jit(kernel)(*tuple(_d.values())))

</pallas_src>

<mosaic_0001>
#map = affine_map<(d0, d1) -> (0, 0)>
#map1 = affine_map<(d0, d1) -> (0, 0, 0)>
module attributes {stable_mosaic.version = 14 : i64} {
  func.func @_sc_body(%arg0: i32, %arg1: i32, %arg2: memref<736x20000xf32, #tpu.memory_space<hbm>>, %arg3: memref<64x8x128xf32, #tpu.memory_space<hbm>>, %arg4: memref<64x8x128xi32, #tpu.memory_space<hbm>>, %arg5: memref<736x128xf32, #tpu.memory_space<vmem>>, %arg6: memref<8x128xf32, #tpu.memory_space<vmem>>, %arg7: memref<8x128xi32, #tpu.memory_space<vmem>>, %arg8: memref<!tpu.dma_semaphore, #tpu.memory_space<semaphore_mem>>, %arg9: memref<!tpu.dma_semaphore, #tpu.memory_space<semaphore_mem>>) attributes {dimension_semantics = [#tpu.dimension_semantics<core_parallel>, #tpu.dimension_semantics<subcore_parallel>], iteration_bounds = array<i64: 2, 16>, scalar_prefetch = 0 : i64, scratch_operands = 5 : i64, tpu.core_type = #tpu.core_type<sc_vector_subcore>, window_params = [{transform_indices = #map}, {transform_indices = #map1}, {transform_indices = #map1}]} {
    %mul3A = arith.constant 2 : i32
    %mul3A_0 = arith.muli %arg1, %mul3A : i32
    %add3A = arith.addi %mul3A_0, %arg0 : i32
    %scan3A = arith.constant 0 : i32
    %scan3A_1 = arith.constant 0 : i32
    %scan3A_2 = arith.constant 2 : i32
    %scan3A_3 = arith.addi %scan3A_1, %scan3A_2 : i32
    %scan3A_4 = arith.constant 1 : i32
    scf.for %scan3A_6 = %scan3A_1 to %scan3A_3 step %scan3A_4  : i32 {
      %mul3A_7 = arith.constant 32 : i32
      %mul3A_8 = arith.muli %mul3A_7, %scan3A_6 : i32
      %add3A_9 = arith.addi %add3A, %mul3A_8 : i32
      %lt3A = arith.constant 64 : i32
      %lt3A_10 = arith.cmpi slt, %add3A_9, %lt3A : i32
      %convert_element_type3A = arith.extui %lt3A_10 : i1 to i32
      %cond3A = arith.constant 0 : i32
      %cond3A_11 = arith.cmpi ne, %convert_element_type3A, %cond3A : i32
      scf.if %cond3A_11 {
        %mul3A_12 = arith.constant 128 : i32
        %mul3A_13 = arith.muli %add3A_9, %mul3A_12 : i32
        %dma_start3A = arith.constant 0 : i32
        %dma_start3A_14 = tpu.memref_slice %arg2[%dma_start3A, %mul3A_13] : memref<736x20000xf32, #tpu.memory_space<hbm>> -> memref<736x128xf32, #tpu.memory_space<hbm>>
        %dma_start3A_15 = arith.constant 0 : i32
        %dma_start3A_16 = tpu.memref_slice %arg2[%dma_start3A_15, %mul3A_13] : memref<736x20000xf32, #tpu.memory_space<hbm>> -> memref<736x128xf32, #tpu.memory_space<hbm>>
        tpu.enqueue_dma source(%dma_start3A_16 : memref<736x128xf32, #tpu.memory_space<hbm>>) target(%arg5 : memref<736x128xf32, #tpu.memory_space<vmem>>) target_semaphore(%arg8 : memref<!tpu.dma_semaphore, #tpu.memory_space<semaphore_mem>>)
        %dma_wait3A = arith.constant 0 : i32
        %dma_wait3A_17 = tpu.memref_slice %arg2[%dma_wait3A, %mul3A_13] : memref<736x20000xf32, #tpu.memory_space<hbm>> -> memref<736x128xf32, #tpu.memory_space<hbm>>
        %dma_wait3A_18 = arith.constant 0 : i32
        %dma_wait3A_19 = tpu.memref_slice %arg2[%dma_wait3A_18, %mul3A_13] : memref<736x20000xf32, #tpu.memory_space<hbm>> -> memref<736x128xf32, #tpu.memory_space<hbm>>
        tpu.wait_dma2 semaphore(%arg8 : memref<!tpu.dma_semaphore, #tpu.memory_space<semaphore_mem>>) src(%dma_wait3A_19 : memref<736x128xf32, #tpu.memory_space<hbm>>) dst(%arg5 : memref<736x128xf32, #tpu.memory_space<vmem>>)
        %scan3A_20 = arith.constant 0 : i32
        %scan3A_21 = arith.constant 0 : i32
        %scan3A_22 = arith.constant 16 : i32
        %scan3A_23 = arith.addi %scan3A_21, %scan3A_22 : i32
        %scan3A_24 = arith.constant 1 : i32
        scf.for %scan3A_58 = %scan3A_21 to %scan3A_23 step %scan3A_24  : i32 {
          %jit3A = arith.constant 8 : i32
          %eq3A = arith.constant 0 : i32
          %eq3A_59 = arith.cmpi eq, %jit3A, %eq3A : i32
          %jit3A_60 = arith.constant 1 : i32
          %select_n3A = arith.select %eq3A_59, %jit3A_60, %jit3A : i32
          %rem3A = arith.remsi %scan3A_58, %select_n3A : i32
          %ne3A = arith.constant 0 : i32
          %ne3A_61 = arith.cmpi ne, %rem3A, %ne3A : i32
          %lt3A_62 = arith.constant 0 : i32
          %lt3A_63 = arith.cmpi slt, %rem3A, %lt3A_62 : i32
          %lt3A_64 = arith.constant 0 : i32
          %lt3A_65 = arith.cmpi slt, %select_n3A, %lt3A_64 : i32
          %ne3A_66 = arith.xori %lt3A_63, %lt3A_65 : i1
          %and3A = arith.andi %ne3A_66, %ne3A_61 : i1
          %add3A_67 = arith.addi %rem3A, %select_n3A : i32
          %select_n3A_68 = arith.select %and3A, %add3A_67, %rem3A : i32
          %jit3A_69 = arith.constant 8 : i32
          %div3A = arith.divsi %scan3A_58, %jit3A_69 : i32
          %sign3A = arith.constant 0 : i32
          %sign3A_70 = arith.cmpi sgt, %scan3A_58, %sign3A : i32
          %sign3A_71 = arith.extui %sign3A_70 : i1 to i32
          %sign3A_72 = arith.constant 0 : i32
          %sign3A_73 = arith.cmpi slt, %scan3A_58, %sign3A_72 : i32
          %sign3A_74 = arith.extui %sign3A_73 : i1 to i32
          %sign3A_75 = arith.subi %sign3A_71, %sign3A_74 : i32
          %sign3A_76 = arith.constant 0 : i32
          %sign3A_77 = arith.cmpi sgt, %jit3A_69, %sign3A_76 : i32
          %sign3A_78 = arith.extui %sign3A_77 : i1 to i32
          %sign3A_79 = arith.constant 0 : i32
          %sign3A_80 = arith.cmpi slt, %jit3A_69, %sign3A_79 : i32
          %sign3A_81 = arith.extui %sign3A_80 : i1 to i32
          %sign3A_82 = arith.subi %sign3A_78, %sign3A_81 : i32
          %ne3A_83 = arith.cmpi ne, %sign3A_75, %sign3A_82 : i32
          %rem3A_84 = arith.remsi %scan3A_58, %jit3A_69 : i32
          %ne3A_85 = arith.constant 0 : i32
          %ne3A_86 = arith.cmpi ne, %rem3A_84, %ne3A_85 : i32
          %and3A_87 = arith.andi %ne3A_83, %ne3A_86 : i1
          %sub3A = arith.constant 1 : i32
          %sub3A_88 = arith.subi %div3A, %sub3A : i32
          %select_n3A_89 = arith.select %and3A_87, %sub3A_88, %div3A : i32
          %mul3A_90 = arith.constant 4 : i32
          %mul3A_91 = arith.muli %select_n3A_89, %mul3A_90 : i32
          %mul3A_92 = arith.constant 16 : i32
          %mul3A_93 = arith.muli %select_n3A_68, %mul3A_92 : i32
          %add3A_94 = arith.constant 0 : i32
          %add3A_95 = arith.addi %mul3A_91, %add3A_94 : i32
          %get3A = arith.index_cast %add3A_95 : i32 to index
          %get3A_96 = arith.index_cast %mul3A_93 : i32 to index
          %get3A_97 = tpu.vector_load %arg5[%get3A, %get3A_96] {strides = array<i32>} : memref<736x128xf32, #tpu.memory_space<vmem>>, vector<1x16xf32>,
          %get3A_98 = vector.shape_cast %get3A_97 : vector<1x16xf32> to vector<16xf32>
          %add3A_99 = arith.constant 1 : i32
          %add3A_100 = arith.addi %mul3A_91, %add3A_99 : i32
          %get3A_101 = arith.index_cast %add3A_100 : i32 to index
          %get3A_102 = arith.index_cast %mul3A_93 : i32 to index
          %get3A_103 = tpu.vector_load %arg5[%get3A_101, %get3A_102] {strides = array<i32>} : memref<736x128xf32, #tpu.memory_space<vmem>>, vector<1x16xf32>,
          %get3A_104 = vector.shape_cast %get3A_103 : vector<1x16xf32> to vector<16xf32>
          %add3A_105 = arith.constant 2 : i32
          %add3A_106 = arith.addi %mul3A_91, %add3A_105 : i32
          %get3A_107 = arith.index_cast %add3A_106 : i32 to index
          %get3A_108 = arith.index_cast %mul3A_93 : i32 to index
          %get3A_109 = tpu.vector_load %arg5[%get3A_107, %get3A_108] {strides = array<i32>} : memref<736x128xf32, #tpu.memory_space<vmem>>, vector<1x16xf32>,
          %get3A_110 = vector.shape_cast %get3A_109 : vector<1x16xf32> to vector<16xf32>
          %add3A_111 = arith.constant 3 : i32
          %add3A_112 = arith.addi %mul3A_91, %add3A_111 : i32
          %get3A_113 = arith.index_cast %add3A_112 : i32 to index
          %get3A_114 = arith.index_cast %mul3A_93 : i32 to index
          %get3A_115 = tpu.vector_load %arg5[%get3A_113, %get3A_114] {strides = array<i32>} : memref<736x128xf32, #tpu.memory_space<vmem>>, vector<1x16xf32>,
          %get3A_116 = vector.shape_cast %get3A_115 : vector<1x16xf32> to vector<16xf32>
          %broadcast_in_dim3A = arith.constant 0 : i32
          %broadcast_in_dim3A_117 = vector.broadcast %broadcast_in_dim3A : i32 to vector<16xi32>
          %broadcast_in_dim3A_118 = arith.constant 0 : i32
          %broadcast_in_dim3A_119 = vector.broadcast %broadcast_in_dim3A_118 : i32 to vector<16xi32>
          %broadcast_in_dim3A_120 = arith.constant 0 : i32
          %broadcast_in_dim3A_121 = vector.broadcast %broadcast_in_dim3A_120 : i32 to vector<16xi32>
          %broadcast_in_dim3A_122 = arith.constant 0 : i32
          %broadcast_in_dim3A_123 = vector.broadcast %broadcast_in_dim3A_122 : i32 to vector<16xi32>
          %scan3A_124 = arith.constant 1 : i32
          %scan3A_125 = arith.constant 84 : i32
          %scan3A_126 = arith.addi %scan3A_124, %scan3A_125 : i32
          %scan3A_127 = arith.constant 7 : i32
          %scan3A_128:8 = scf.for %scan3A_550 = %scan3A_124 to %scan3A_126 step %scan3A_127 iter_args(%scan3A_551 = %get3A_98, %scan3A_552 = %get3A_104, %scan3A_553 = %get3A_110, %scan3A_554 = %get3A_116, %scan3A_555 = %broadcast_in_dim3A_117, %scan3A_556 = %broadcast_in_dim3A_119, %scan3A_557 = %broadcast_in_dim3A_121, %scan3A_558 = %broadcast_in_dim3A_123) -> (vector<16xf32>, vector<16xf32>, vector<16xf32>, vector<16xf32>, vector<16xi32>, vector<16xi32>, vector<16xi32>, vector<16xi32>)  : i32 {
            %broadcast_in_dim3A_559 = vector.broadcast %scan3A_550 : i32 to vector<16xi32>
            %mul3A_560 = arith.constant 8 : i32
            %mul3A_561 = arith.muli %scan3A_550, %mul3A_560 : i32
            %add3A_562 = arith.addi %mul3A_561, %mul3A_91 : i32
            %add3A_563 = arith.constant 0 : i32
            %add3A_564 = arith.addi %add3A_562, %add3A_563 : i32
            %get3A_565 = arith.index_cast %add3A_564 : i32 to index
            %get3A_566 = arith.index_cast %mul3A_93 : i32 to index
            %get3A_567 = tpu.vector_load %arg5[%get3A_565, %get3A_566] {strides = array<i32>} : memref<736x128xf32, #tpu.memory_space<vmem>>, vector<1x16xf32>,
            %get3A_568 = vector.shape_cast %get3A_567 : vector<1x16xf32> to vector<16xf32>
            %gt3A_569 = arith.cmpf ogt, %get3A_568, %scan3A_551 : vector<16xf32>
            %select_n3A_570 = arith.select %gt3A_569, %get3A_568, %scan3A_551 : vector<16xi1>, vector<16xf32>
            %select_n3A_571 = arith.select %gt3A_569, %broadcast_in_dim3A_559, %scan3A_555 : vector<16xi1>, vector<16xi32>
            %mul3A_572 = arith.constant 8 : i32
            %mul3A_573 = arith.muli %scan3A_550, %mul3A_572 : i32
            %add3A_574 = arith.addi %mul3A_573, %mul3A_91 : i32
            %add3A_575 = arith.constant 1 : i32
            %add3A_576 = arith.addi %add3A_574, %add3A_575 : i32
            %get3A_577 = arith.index_cast %add3A_576 : i32 to index
            %get3A_578 = arith.index_cast %mul3A_93 : i32 to index
            %get3A_579 = tpu.vector_load %arg5[%get3A_577, %get3A_578] {strides = array<i32>} : memref<736x128xf32, #tpu.memory_space<vmem>>, vector<1x16xf32>,
            %get3A_580 = vector.shape_cast %get3A_579 : vector<1x16xf32> to vector<16xf32>
            %gt3A_581 = arith.cmpf ogt, %get3A_580, %scan3A_552 : vector<16xf32>
            %select_n3A_582 = arith.select %gt3A_581, %get3A_580, %scan3A_552 : vector<16xi1>, vector<16xf32>
            %select_n3A_583 = arith.select %gt3A_581, %broadcast_in_dim3A_559, %scan3A_556 : vector<16xi1>, vector<16xi32>
            %mul3A_584 = arith.constant 8 : i32
            %mul3A_585 = arith.muli %scan3A_550, %mul3A_584 : i32
            %add3A_586 = arith.addi %mul3A_585, %mul3A_91 : i32
            %add3A_587 = arith.constant 2 : i32
            %add3A_588 = arith.addi %add3A_586, %add3A_587 : i32
            %get3A_589 = arith.index_cast %add3A_588 : i32 to index
            %get3A_590 = arith.index_cast %mul3A_93 : i32 to index
            %get3A_591 = tpu.vector_load %arg5[%get3A_589, %get3A_590] {strides = array<i32>} : memref<736x128xf32, #tpu.memory_space<vmem>>, vector<1x16xf32>,
            %get3A_592 = vector.shape_cast %get3A_591 : vector<1x16xf32> to vector<16xf32>
            %gt3A_593 = arith.cmpf ogt, %get3A_592, %scan3A_553 : vector<16xf32>
            %select_n3A_594 = arith.select %gt3A_593, %get3A_592, %scan3A_553 : vector<16xi1>, vector<16xf32>
            %select_n3A_595 = arith.select %gt3A_593, %broadcast_in_dim3A_559, %scan3A_557 : vector<16xi1>, vector<16xi32>
            %mul3A_596 = arith.constant 8 : i32
            %mul3A_597 = arith.muli %scan3A_550, %mul3A_596 : i32
            %add3A_598 = arith.addi %mul3A_597, %mul3A_91 : i32
            %add3A_599 = arith.constant 3 : i32
            %add3A_600 = arith.addi %add3A_598, %add3A_599 : i32
            %get3A_601 = arith.index_cast %add3A_600 : i32 to index
            %get3A_602 = arith.index_cast %mul3A_93 : i32 to index
            %get3A_603 = tpu.vector_load %arg5[%get3A_601, %get3A_602] {strides = array<i32>} : memref<736x128xf32, #tpu.memory_space<vmem>>, vector<1x16xf32>,
            %get3A_604 = vector.shape_cast %get3A_603 : vector<1x16xf32> to vector<16xf32>
            %gt3A_605 = arith.cmpf ogt, %get3A_604, %scan3A_554 : vector<16xf32>
            %select_n3A_606 = arith.select %gt3A_605, %get3A_604, %scan3A_554 : vector<16xi1>, vector<16xf32>
            %select_n3A_607 = arith.select %gt3A_605, %broadcast_in_dim3A_559, %scan3A_558 : vector<16xi1>, vector<16xi32>
            %scan3A_608 = arith.constant 1 : i32
            %scan3A_609 = arith.addi %scan3A_550, %scan3A_608 : i32
            %broadcast_in_dim3A_610 = vector.broadcast %scan3A_609 : i32 to vector<16xi32>
            %mul3A_611 = arith.constant 8 : i32
            %mul3A_612 = arith.muli %scan3A_609, %mul3A_611 : i32
            %add3A_613 = arith.addi %mul3A_612, %mul3A_91 : i32
            %add3A_614 = arith.constant 0 : i32
            %add3A_615 = arith.addi %add3A_613, %add3A_614 : i32
            %get3A_616 = arith.index_cast %add3A_615 : i32 to index
            %get3A_617 = arith.index_cast %mul3A_93 : i32 to index
            %get3A_618 = tpu.vector_load %arg5[%get3A_616, %get3A_617] {strides = array<i32>} : memref<736x128xf32, #tpu.memory_space<vmem>>, vector<1x16xf32>,
            %get3A_619 = vector.shape_cast %get3A_618 : vector<1x16xf32> to vector<16xf32>
            %gt3A_620 = arith.cmpf ogt, %get3A_619, %select_n3A_570 : vector<16xf32>
            %select_n3A_621 = arith.select %gt3A_620, %get3A_619, %select_n3A_570 : vector<16xi1>, vector<16xf32>
            %select_n3A_622 = arith.select %gt3A_620, %broadcast_in_dim3A_610, %select_n3A_571 : vector<16xi1>, vector<16xi32>
            %mul3A_623 = arith.constant 8 : i32
            %mul3A_624 = arith.muli %scan3A_609, %mul3A_623 : i32
            %add3A_625 = arith.addi %mul3A_624, %mul3A_91 : i32
            %add3A_626 = arith.constant 1 : i32
            %add3A_627 = arith.addi %add3A_625, %add3A_626 : i32
            %get3A_628 = arith.index_cast %add3A_627 : i32 to index
            %get3A_629 = arith.index_cast %mul3A_93 : i32 to index
            %get3A_630 = tpu.vector_load %arg5[%get3A_628, %get3A_629] {strides = array<i32>} : memref<736x128xf32, #tpu.memory_space<vmem>>, vector<1x16xf32>,
            %get3A_631 = vector.shape_cast %get3A_630 : vector<1x16xf32> to vector<16xf32>
            %gt3A_632 = arith.cmpf ogt, %get3A_631, %select_n3A_582 : vector<16xf32>
            %select_n3A_633 = arith.select %gt3A_632, %get3A_631, %select_n3A_582 : vector<16xi1>, vector<16xf32>
            %select_n3A_634 = arith.select %gt3A_632, %broadcast_in_dim3A_610, %select_n3A_583 : vector<16xi1>, vector<16xi32>
            %mul3A_635 = arith.constant 8 : i32
            %mul3A_636 = arith.muli %scan3A_609, %mul3A_635 : i32
            %add3A_637 = arith.addi %mul3A_636, %mul3A_91 : i32
            %add3A_638 = arith.constant 2 : i32
            %add3A_639 = arith.addi %add3A_637, %add3A_638 : i32
            %get3A_640 = arith.index_cast %add3A_639 : i32 to index
            %get3A_641 = arith.index_cast %mul3A_93 : i32 to index
            %get3A_642 = tpu.vector_load %arg5[%get3A_640, %get3A_641] {strides = array<i32>} : memref<736x128xf32, #tpu.memory_space<vmem>>, vector<1x16xf32>,
            %get3A_643 = vector.shape_cast %get3A_642 : vector<1x16xf32> to vector<16xf32>
            %gt3A_644 = arith.cmpf ogt, %get3A_643, %select_n3A_594 : vector<16xf32>
            %select_n3A_645 = arith.select %gt3A_644, %get3A_643, %select_n3A_594 : vector<16xi1>, vector<16xf32>
            %select_n3A_646 = arith.select %gt3A_644, %broadcast_in_dim3A_610, %select_n3A_595 : vector<16xi1>, vector<16xi32>
            %mul3A_647 = arith.constant 8 : i32
            %mul3A_648 = arith.muli %scan3A_609, %mul3A_647 : i32
            %add3A_649 = arith.addi %mul3A_648, %mul3A_91 : i32
            %add3A_650 = arith.constant 3 : i32
            %add3A_651 = arith.addi %add3A_649, %add3A_650 : i32
            %get3A_652 = arith.index_cast %add3A_651 : i32 to index
            %get3A_653 = arith.index_cast %mul3A_93 : i32 to index
            %get3A_654 = tpu.vector_load %arg5[%get3A_652, %get3A_653] {strides = array<i32>} : memref<736x128xf32, #tpu.memory_space<vmem>>, vector<1x16xf32>,
            %get3A_655 = vector.shape_cast %get3A_654 : vector<1x16xf32> to vector<16xf32>
            %gt3A_656 = arith.cmpf ogt, %get3A_655, %select_n3A_606 : vector<16xf32>
            %select_n3A_657 = arith.select %gt3A_656, %get3A_655, %select_n3A_606 : vector<16xi1>, vector<16xf32>
            %select_n3A_658 = arith.select %gt3A_656, %broadcast_in_dim3A_610, %select_n3A_607 : vector<16xi1>, vector<16xi32>
            %scan3A_659 = arith.constant 2 : i32
            %scan3A_660 = arith.addi %scan3A_550, %scan3A_659 : i32
            %broadcast_in_dim3A_661 = vector.broadcast %scan3A_660 : i32 to vector<16xi32>
            %mul3A_662 = arith.constant 8 : i32
            %mul3A_663 = arith.muli %scan3A_660, %mul3A_662 : i32
            %add3A_664 = arith.addi %mul3A_663, %mul3A_91 : i32
            %add3A_665 = arith.constant 0 : i32
            %add3A_666 = arith.addi %add3A_664, %add3A_665 : i32
            %get3A_667 = arith.index_cast %add3A_666 : i32 to index
            %get3A_668 = arith.index_cast %mul3A_93 : i32 to index
            %get3A_669 = tpu.vector_load %arg5[%get3A_667, %get3A_668] {strides = array<i32>} : memref<736x128xf32, #tpu.memory_space<vmem>>, vector<1x16xf32>,
            %get3A_670 = vector.shape_cast %get3A_669 : vector<1x16xf32> to vector<16xf32>
            %gt3A_671 = arith.cmpf ogt, %get3A_670, %select_n3A_621 : vector<16xf32>
            %select_n3A_672 = arith.select %gt3A_671, %get3A_670, %select_n3A_621 : vector<16xi1>, vector<16xf32>
            %select_n3A_673 = arith.select %gt3A_671, %broadcast_in_dim3A_661, %select_n3A_622 : vector<16xi1>, vector<16xi32>
            %mul3A_674 = arith.constant 8 : i32
            %mul3A_675 = arith.muli %scan3A_660, %mul3A_674 : i32
            %add3A_676 = arith.addi %mul3A_675, %mul3A_91 : i32
            %add3A_677 = arith.constant 1 : i32
            %add3A_678 = arith.addi %add3A_676, %add3A_677 : i32
            %get3A_679 = arith.index_cast %add3A_678 : i32 to index
            %get3A_680 = arith.index_cast %mul3A_93 : i32 to index
            %get3A_681 = tpu.vector_load %arg5[%get3A_679, %get3A_680] {strides = array<i32>} : memref<736x128xf32, #tpu.memory_space<vmem>>, vector<1x16xf32>,
            %get3A_682 = vector.shape_cast %get3A_681 : vector<1x16xf32> to vector<16xf32>
            %gt3A_683 = arith.cmpf ogt, %get3A_682, %select_n3A_633 : vector<16xf32>
            %select_n3A_684 = arith.select %gt3A_683, %get3A_682, %select_n3A_633 : vector<16xi1>, vector<16xf32>
            %select_n3A_685 = arith.select %gt3A_683, %broadcast_in_dim3A_661, %select_n3A_634 : vector<16xi1>, vector<16xi32>
            %mul3A_686 = arith.constant 8 : i32
            %mul3A_687 = arith.muli %scan3A_660, %mul3A_686 : i32
            %add3A_688 = arith.addi %mul3A_687, %mul3A_91 : i32
            %add3A_689 = arith.constant 2 : i32
            %add3A_690 = arith.addi %add3A_688, %add3A_689 : i32
            %get3A_691 = arith.index_cast %add3A_690 : i32 to index
            %get3A_692 = arith.index_cast %mul3A_93 : i32 to index
            %get3A_693 = tpu.vector_load %arg5[%get3A_691, %get3A_692] {strides = array<i32>} : memref<736x128xf32, #tpu.memory_space<vmem>>, vector<1x16xf32>,
            %get3A_694 = vector.shape_cast %get3A_693 : vector<1x16xf32> to vector<16xf32>
            %gt3A_695 = arith.cmpf ogt, %get3A_694, %select_n3A_645 : vector<16xf32>
            %select_n3A_696 = arith.select %gt3A_695, %get3A_694, %select_n3A_645 : vector<16xi1>, vector<16xf32>
            %select_n3A_697 = arith.select %gt3A_695, %broadcast_in_dim3A_661, %select_n3A_646 : vector<16xi1>, vector<16xi32>
            %mul3A_698 = arith.constant 8 : i32
            %mul3A_699 = arith.muli %scan3A_660, %mul3A_698 : i32
            %add3A_700 = arith.addi %mul3A_699, %mul3A_91 : i32
            %add3A_701 = arith.constant 3 : i32
            %add3A_702 = arith.addi %add3A_700, %add3A_701 : i32
            %get3A_703 = arith.index_cast %add3A_702 : i32 to index
            %get3A_704 = arith.index_cast %mul3A_93 : i32 to index
            %get3A_705 = tpu.vector_load %arg5[%get3A_703, %get3A_704] {strides = array<i32>} : memref<736x128xf32, #tpu.memory_space<vmem>>, vector<1x16xf32>,
            %get3A_706 = vector.shape_cast %get3A_705 : vector<1x16xf32> to vector<16xf32>
            %gt3A_707 = arith.cmpf ogt, %get3A_706, %select_n3A_657 : vector<16xf32>
            %select_n3A_708 = arith.select %gt3A_707, %get3A_706, %select_n3A_657 : vector<16xi1>, vector<16xf32>
            %select_n3A_709 = arith.select %gt3A_707, %broadcast_in_dim3A_661, %select_n3A_658 : vector<16xi1>, vector<16xi32>
            %scan3A_710 = arith.constant 3 : i32
            %scan3A_711 = arith.addi %scan3A_550, %scan3A_710 : i32
            %broadcast_in_dim3A_712 = vector.broadcast %scan3A_711 : i32 to vector<16xi32>
            %mul3A_713 = arith.constant 8 : i32
            %mul3A_714 = arith.muli %scan3A_711, %mul3A_713 : i32
            %add3A_715 = arith.addi %mul3A_714, %mul3A_91 : i32
            %add3A_716 = arith.constant 0 : i32
            %add3A_717 = arith.addi %add3A_715, %add3A_716 : i32
            %get3A_718 = arith.index_cast %add3A_717 : i32 to index
            %get3A_719 = arith.index_cast %mul3A_93 : i32 to index
            %get3A_720 = tpu.vector_load %arg5[%get3A_718, %get3A_719] {strides = array<i32>} : memref<736x128xf32, #tpu.memory_space<vmem>>, vector<1x16xf32>,
            %get3A_721 = vector.shape_cast %get3A_720 : vector<1x16xf32> to vector<16xf32>
            %gt3A_722 = arith.cmpf ogt, %get3A_721, %select_n3A_672 : vector<16xf32>
            %select_n3A_723 = arith.select %gt3A_722, %get3A_721, %select_n3A_672 : vector<16xi1>, vector<16xf32>
            %select_n3A_724 = arith.select %gt3A_722, %broadcast_in_dim3A_712, %select_n3A_673 : vector<16xi1>, vector<16xi32>
            %mul3A_725 = arith.constant 8 : i32
            %mul3A_726 = arith.muli %scan3A_711, %mul3A_725 : i32
            %add3A_727 = arith.addi %mul3A_726, %mul3A_91 : i32
            %add3A_728 = arith.constant 1 : i32
            %add3A_729 = arith.addi %add3A_727, %add3A_728 : i32
            %get3A_730 = arith.index_cast %add3A_729 : i32 to index
            %get3A_731 = arith.index_cast %mul3A_93 : i32 to index
            %get3A_732 = tpu.vector_load %arg5[%get3A_730, %get3A_731] {strides = array<i32>} : memref<736x128xf32, #tpu.memory_space<vmem>>, vector<1x16xf32>,
            %get3A_733 = vector.shape_cast %get3A_732 : vector<1x16xf32> to vector<16xf32>
            %gt3A_734 = arith.cmpf ogt, %get3A_733, %select_n3A_684 : vector<16xf32>
            %select_n3A_735 = arith.select %gt3A_734, %get3A_733, %select_n3A_684 : vector<16xi1>, vector<16xf32>
            %select_n3A_736 = arith.select %gt3A_734, %broadcast_in_dim3A_712, %select_n3A_685 : vector<16xi1>, vector<16xi32>
            %mul3A_737 = arith.constant 8 : i32
            %mul3A_738 = arith.muli %scan3A_711, %mul3A_737 : i32
            %add3A_739 = arith.addi %mul3A_738, %mul3A_91 : i32
            %add3A_740 = arith.constant 2 : i32
            %add3A_741 = arith.addi %add3A_739, %add3A_740 : i32
            %get3A_742 = arith.index_cast %add3A_741 : i32 to index
            %get3A_743 = arith.index_cast %mul3A_93 : i32 to index
            %get3A_744 = tpu.vector_load %arg5[%get3A_742, %get3A_743] {strides = array<i32>} : memref<736x128xf32, #tpu.memory_space<vmem>>, vector<1x16xf32>,
            %get3A_745 = vector.shape_cast %get3A_744 : vector<1x16xf32> to vector<16xf32>
            %gt3A_746 = arith.cmpf ogt, %get3A_745, %select_n3A_696 : vector<16xf32>
            %select_n3A_747 = arith.select %gt3A_746, %get3A_745, %select_n3A_696 : vector<16xi1>, vector<16xf32>
            %select_n3A_748 = arith.select %gt3A_746, %broadcast_in_dim3A_712, %select_n3A_697 : vector<16xi1>, vector<16xi32>
            %mul3A_749 = arith.constant 8 : i32
            %mul3A_750 = arith.muli %scan3A_711, %mul3A_749 : i32
            %add3A_751 = arith.addi %mul3A_750, %mul3A_91 : i32
            %add3A_752 = arith.constant 3 : i32
            %add3A_753 = arith.addi %add3A_751, %add3A_752 : i32
            %get3A_754 = arith.index_cast %add3A_753 : i32 to index
            %get3A_755 = arith.index_cast %mul3A_93 : i32 to index
            %get3A_756 = tpu.vector_load %arg5[%get3A_754, %get3A_755] {strides = array<i32>} : memref<736x128xf32, #tpu.memory_space<vmem>>, vector<1x16xf32>,
            %get3A_757 = vector.shape_cast %get3A_756 : vector<1x16xf32> to vector<16xf32>
            %gt3A_758 = arith.cmpf ogt, %get3A_757, %select_n3A_708 : vector<16xf32>
            %select_n3A_759 = arith.select %gt3A_758, %get3A_757, %select_n3A_708 : vector<16xi1>, vector<16xf32>
            %select_n3A_760 = arith.select %gt3A_758, %broadcast_in_dim3A_712, %select_n3A_709 : vector<16xi1>, vector<16xi32>
            %scan3A_761 = arith.constant 4 : i32
            %scan3A_762 = arith.addi %scan3A_550, %scan3A_761 : i32
            %broadcast_in_dim3A_763 = vector.broadcast %scan3A_762 : i32 to vector<16xi32>
            %mul3A_764 = arith.constant 8 : i32
            %mul3A_765 = arith.muli %scan3A_762, %mul3A_764 : i32
            %add3A_766 = arith.addi %mul3A_765, %mul3A_91 : i32
            %add3A_767 = arith.constant 0 : i32
            %add3A_768 = arith.addi %add3A_766, %add3A_767 : i32
            %get3A_769 = arith.index_cast %add3A_768 : i32 to index
            %get3A_770 = arith.index_cast %mul3A_93 : i32 to index
            %get3A_771 = tpu.vector_load %arg5[%get3A_769, %get3A_770] {strides = array<i32>} : memref<736x128xf32, #tpu.memory_space<vmem>>, vector<1x16xf32>,
            %get3A_772 = vector.shape_cast %get3A_771 : vector<1x16xf32> to vector<16xf32>
            %gt3A_773 = arith.cmpf ogt, %get3A_772, %select_n3A_723 : vector<16xf32>
            %select_n3A_774 = arith.select %gt3A_773, %get3A_772, %select_n3A_723 : vector<16xi1>, vector<16xf32>
            %select_n3A_775 = arith.select %gt3A_773, %broadcast_in_dim3A_763, %select_n3A_724 : vector<16xi1>, vector<16xi32>
            %mul3A_776 = arith.constant 8 : i32
            %mul3A_777 = arith.muli %scan3A_762, %mul3A_776 : i32
            %add3A_778 = arith.addi %mul3A_777, %mul3A_91 : i32
            %add3A_779 = arith.constant 1 : i32
            %add3A_780 = arith.addi %add3A_778, %add3A_779 : i32
            %get3A_781 = arith.index_cast %add3A_780 : i32 to index
            %get3A_782 = arith.index_cast %mul3A_93 : i32 to index
            %get3A_783 = tpu.vector_load %arg5[%get3A_781, %get3A_782] {strides = array<i32>} : memref<736x128xf32, #tpu.memory_space<vmem>>, vector<1x16xf32>,
            %get3A_784 = vector.shape_cast %get3A_783 : vector<1x16xf32> to vector<16xf32>
            %gt3A_785 = arith.cmpf ogt, %get3A_784, %select_n3A_735 : vector<16xf32>
            %select_n3A_786 = arith.select %gt3A_785, %get3A_784, %select_n3A_735 : vector<16xi1>, vector<16xf32>
            %select_n3A_787 = arith.select %gt3A_785, %broadcast_in_dim3A_763, %select_n3A_736 : vector<16xi1>, vector<16xi32>
            %mul3A_788 = arith.constant 8 : i32
            %mul3A_789 = arith.muli %scan3A_762, %mul3A_788 : i32
            %add3A_790 = arith.addi %mul3A_789, %mul3A_91 : i32
            %add3A_791 = arith.constant 2 : i32
            %add3A_792 = arith.addi %add3A_790, %add3A_791 : i32
            %get3A_793 = arith.index_cast %add3A_792 : i32 to index
            %get3A_794 = arith.index_cast %mul3A_93 : i32 to index
            %get3A_795 = tpu.vector_load %arg5[%get3A_793, %get3A_794] {strides = array<i32>} : memref<736x128xf32, #tpu.memory_space<vmem>>, vector<1x16xf32>,
            %get3A_796 = vector.shape_cast %get3A_795 : vector<1x16xf32> to vector<16xf32>
            %gt3A_797 = arith.cmpf ogt, %get3A_796, %select_n3A_747 : vector<16xf32>
            %select_n3A_798 = arith.select %gt3A_797, %get3A_796, %select_n3A_747 : vector<16xi1>, vector<16xf32>
            %select_n3A_799 = arith.select %gt3A_797, %broadcast_in_dim3A_763, %select_n3A_748 : vector<16xi1>, vector<16xi32>
            %mul3A_800 = arith.constant 8 : i32
            %mul3A_801 = arith.muli %scan3A_762, %mul3A_800 : i32
            %add3A_802 = arith.addi %mul3A_801, %mul3A_91 : i32
            %add3A_803 = arith.constant 3 : i32
            %add3A_804 = arith.addi %add3A_802, %add3A_803 : i32
            %get3A_805 = arith.index_cast %add3A_804 : i32 to index
            %get3A_806 = arith.index_cast %mul3A_93 : i32 to index
            %get3A_807 = tpu.vector_load %arg5[%get3A_805, %get3A_806] {strides = array<i32>} : memref<736x128xf32, #tpu.memory_space<vmem>>, vector<1x16xf32>,
            %get3A_808 = vector.shape_cast %get3A_807 : vector<1x16xf32> to vector<16xf32>
            %gt3A_809 = arith.cmpf ogt, %get3A_808, %select_n3A_759 : vector<16xf32>
            %select_n3A_810 = arith.select %gt3A_809, %get3A_808, %select_n3A_759 : vector<16xi1>, vector<16xf32>
            %select_n3A_811 = arith.select %gt3A_809, %broadcast_in_dim3A_763, %select_n3A_760 : vector<16xi1>, vector<16xi32>
            %scan3A_812 = arith.constant 5 : i32
            %scan3A_813 = arith.addi %scan3A_550, %scan3A_812 : i32
            %broadcast_in_dim3A_814 = vector.broadcast %scan3A_813 : i32 to vector<16xi32>
            %mul3A_815 = arith.constant 8 : i32
            %mul3A_816 = arith.muli %scan3A_813, %mul3A_815 : i32
            %add3A_817 = arith.addi %mul3A_816, %mul3A_91 : i32
            %add3A_818 = arith.constant 0 : i32
            %add3A_819 = arith.addi %add3A_817, %add3A_818 : i32
            %get3A_820 = arith.index_cast %add3A_819 : i32 to index
            %get3A_821 = arith.index_cast %mul3A_93 : i32 to index
            %get3A_822 = tpu.vector_load %arg5[%get3A_820, %get3A_821] {strides = array<i32>} : memref<736x128xf32, #tpu.memory_space<vmem>>, vector<1x16xf32>,
            %get3A_823 = vector.shape_cast %get3A_822 : vector<1x16xf32> to vector<16xf32>
            %gt3A_824 = arith.cmpf ogt, %get3A_823, %select_n3A_774 : vector<16xf32>
            %select_n3A_825 = arith.select %gt3A_824, %get3A_823, %select_n3A_774 : vector<16xi1>, vector<16xf32>
            %select_n3A_826 = arith.select %gt3A_824, %broadcast_in_dim3A_814, %select_n3A_775 : vector<16xi1>, vector<16xi32>
            %mul3A_827 = arith.constant 8 : i32
            %mul3A_828 = arith.muli %scan3A_813, %mul3A_827 : i32
            %add3A_829 = arith.addi %mul3A_828, %mul3A_91 : i32
            %add3A_830 = arith.constant 1 : i32
            %add3A_831 = arith.addi %add3A_829, %add3A_830 : i32
            %get3A_832 = arith.index_cast %add3A_831 : i32 to index
            %get3A_833 = arith.index_cast %mul3A_93 : i32 to index
            %get3A_834 = tpu.vector_load %arg5[%get3A_832, %get3A_833] {strides = array<i32>} : memref<736x128xf32, #tpu.memory_space<vmem>>, vector<1x16xf32>,
            %get3A_835 = vector.shape_cast %get3A_834 : vector<1x16xf32> to vector<16xf32>
            %gt3A_836 = arith.cmpf ogt, %get3A_835, %select_n3A_786 : vector<16xf32>
            %select_n3A_837 = arith.select %gt3A_836, %get3A_835, %select_n3A_786 : vector<16xi1>, vector<16xf32>
            %select_n3A_838 = arith.select %gt3A_836, %broadcast_in_dim3A_814, %select_n3A_787 : vector<16xi1>, vector<16xi32>
            %mul3A_839 = arith.constant 8 : i32
            %mul3A_840 = arith.muli %scan3A_813, %mul3A_839 : i32
            %add3A_841 = arith.addi %mul3A_840, %mul3A_91 : i32
            %add3A_842 = arith.constant 2 : i32
            %add3A_843 = arith.addi %add3A_841, %add3A_842 : i32
            %get3A_844 = arith.index_cast %add3A_843 : i32 to index
            %get3A_845 = arith.index_cast %mul3A_93 : i32 to index
            %get3A_846 = tpu.vector_load %arg5[%get3A_844, %get3A_845] {strides = array<i32>} : memref<736x128xf32, #tpu.memory_space<vmem>>, vector<1x16xf32>,
            %get3A_847 = vector.shape_cast %get3A_846 : vector<1x16xf32> to vector<16xf32>
            %gt3A_848 = arith.cmpf ogt, %get3A_847, %select_n3A_798 : vector<16xf32>
            %select_n3A_849 = arith.select %gt3A_848, %get3A_847, %select_n3A_798 : vector<16xi1>, vector<16xf32>
            %select_n3A_850 = arith.select %gt3A_848, %broadcast_in_dim3A_814, %select_n3A_799 : vector<16xi1>, vector<16xi32>
            %mul3A_851 = arith.constant 8 : i32
            %mul3A_852 = arith.muli %scan3A_813, %mul3A_851 : i32
            %add3A_853 = arith.addi %mul3A_852, %mul3A_91 : i32
            %add3A_854 = arith.constant 3 : i32
            %add3A_855 = arith.addi %add3A_853, %add3A_854 : i32
            %get3A_856 = arith.index_cast %add3A_855 : i32 to index
            %get3A_857 = arith.index_cast %mul3A_93 : i32 to index
            %get3A_858 = tpu.vector_load %arg5[%get3A_856, %get3A_857] {strides = array<i32>} : memref<736x128xf32, #tpu.memory_space<vmem>>, vector<1x16xf32>,
            %get3A_859 = vector.shape_cast %get3A_858 : vector<1x16xf32> to vector<16xf32>
            %gt3A_860 = arith.cmpf ogt, %get3A_859, %select_n3A_810 : vector<16xf32>
            %select_n3A_861 = arith.select %gt3A_860, %get3A_859, %select_n3A_810 : vector<16xi1>, vector<16xf32>
            %select_n3A_862 = arith.select %gt3A_860, %broadcast_in_dim3A_814, %select_n3A_811 : vector<16xi1>, vector<16xi32>
            %scan3A_863 = arith.constant 6 : i32
            %scan3A_864 = arith.addi %scan3A_550, %scan3A_863 : i32
            %broadcast_in_dim3A_865 = vector.broadcast %scan3A_864 : i32 to vector<16xi32>
            %mul3A_866 = arith.constant 8 : i32
            %mul3A_867 = arith.muli %scan3A_864, %mul3A_866 : i32
            %add3A_868 = arith.addi %mul3A_867, %mul3A_91 : i32
            %add3A_869 = arith.constant 0 : i32
            %add3A_870 = arith.addi %add3A_868, %add3A_869 : i32
            %get3A_871 = arith.index_cast %add3A_870 : i32 to index
            %get3A_872 = arith.index_cast %mul3A_93 : i32 to index
            %get3A_873 = tpu.vector_load %arg5[%get3A_871, %get3A_872] {strides = array<i32>} : memref<736x128xf32, #tpu.memory_space<vmem>>, vector<1x16xf32>,
            %get3A_874 = vector.shape_cast %get3A_873 : vector<1x16xf32> to vector<16xf32>
            %gt3A_875 = arith.cmpf ogt, %get3A_874, %select_n3A_825 : vector<16xf32>
            %select_n3A_876 = arith.select %gt3A_875, %get3A_874, %select_n3A_825 : vector<16xi1>, vector<16xf32>
            %select_n3A_877 = arith.select %gt3A_875, %broadcast_in_dim3A_865, %select_n3A_826 : vector<16xi1>, vector<16xi32>
            %mul3A_878 = arith.constant 8 : i32
            %mul3A_879 = arith.muli %scan3A_864, %mul3A_878 : i32
            %add3A_880 = arith.addi %mul3A_879, %mul3A_91 : i32
            %add3A_881 = arith.constant 1 : i32
            %add3A_882 = arith.addi %add3A_880, %add3A_881 : i32
            %get3A_883 = arith.index_cast %add3A_882 : i32 to index
            %get3A_884 = arith.index_cast %mul3A_93 : i32 to index
            %get3A_885 = tpu.vector_load %arg5[%get3A_883, %get3A_884] {strides = array<i32>} : memref<736x128xf32, #tpu.memory_space<vmem>>, vector<1x16xf32>,
            %get3A_886 = vector.shape_cast %get3A_885 : vector<1x16xf32> to vector<16xf32>
            %gt3A_887 = arith.cmpf ogt, %get3A_886, %select_n3A_837 : vector<16xf32>
            %select_n3A_888 = arith.select %gt3A_887, %get3A_886, %select_n3A_837 : vector<16xi1>, vector<16xf32>
            %select_n3A_889 = arith.select %gt3A_887, %broadcast_in_dim3A_865, %select_n3A_838 : vector<16xi1>, vector<16xi32>
            %mul3A_890 = arith.constant 8 : i32
            %mul3A_891 = arith.muli %scan3A_864, %mul3A_890 : i32
            %add3A_892 = arith.addi %mul3A_891, %mul3A_91 : i32
            %add3A_893 = arith.constant 2 : i32
            %add3A_894 = arith.addi %add3A_892, %add3A_893 : i32
            %get3A_895 = arith.index_cast %add3A_894 : i32 to index
            %get3A_896 = arith.index_cast %mul3A_93 : i32 to index
            %get3A_897 = tpu.vector_load %arg5[%get3A_895, %get3A_896] {strides = array<i32>} : memref<736x128xf32, #tpu.memory_space<vmem>>, vector<1x16xf32>,
            %get3A_898 = vector.shape_cast %get3A_897 : vector<1x16xf32> to vector<16xf32>
            %gt3A_899 = arith.cmpf ogt, %get3A_898, %select_n3A_849 : vector<16xf32>
            %select_n3A_900 = arith.select %gt3A_899, %get3A_898, %select_n3A_849 : vector<16xi1>, vector<16xf32>
            %select_n3A_901 = arith.select %gt3A_899, %broadcast_in_dim3A_865, %select_n3A_850 : vector<16xi1>, vector<16xi32>
            %mul3A_902 = arith.constant 8 : i32
            %mul3A_903 = arith.muli %scan3A_864, %mul3A_902 : i32
            %add3A_904 = arith.addi %mul3A_903, %mul3A_91 : i32
            %add3A_905 = arith.constant 3 : i32
            %add3A_906 = arith.addi %add3A_904, %add3A_905 : i32
            %get3A_907 = arith.index_cast %add3A_906 : i32 to index
            %get3A_908 = arith.index_cast %mul3A_93 : i32 to index
            %get3A_909 = tpu.vector_load %arg5[%get3A_907, %get3A_908] {strides = array<i32>} : memref<736x128xf32, #tpu.memory_space<vmem>>, vector<1x16xf32>,
            %get3A_910 = vector.shape_cast %get3A_909 : vector<1x16xf32> to vector<16xf32>
            %gt3A_911 = arith.cmpf ogt, %get3A_910, %select_n3A_861 : vector<16xf32>
            %select_n3A_912 = arith.select %gt3A_911, %get3A_910, %select_n3A_861 : vector<16xi1>, vector<16xf32>
            %select_n3A_913 = arith.select %gt3A_911, %broadcast_in_dim3A_865, %select_n3A_862 : vector<16xi1>, vector<16xi32>
            scf.yield %select_n3A_876, %select_n3A_888, %select_n3A_900, %select_n3A_912, %select_n3A_877, %select_n3A_889, %select_n3A_901, %select_n3A_913 : vector<16xf32>, vector<16xf32>, vector<16xf32>, vector<16xf32>, vector<16xi32>, vector<16xi32>, vector<16xi32>, vector<16xi32>
          }
          %scan3A_129 = arith.constant 84 : i32
          %scan3A_130 = arith.addi %scan3A_124, %scan3A_129 : i32
          %broadcast_in_dim3A_131 = vector.broadcast %scan3A_130 : i32 to vector<16xi32>
          %mul3A_132 = arith.constant 8 : i32
          %mul3A_133 = arith.muli %scan3A_130, %mul3A_132 : i32
          %add3A_134 = arith.addi %mul3A_133, %mul3A_91 : i32
          %add3A_135 = arith.constant 0 : i32
          %add3A_136 = arith.addi %add3A_134, %add3A_135 : i32
          %get3A_137 = arith.index_cast %add3A_136 : i32 to index
          %get3A_138 = arith.index_cast %mul3A_93 : i32 to index
          %get3A_139 = tpu.vector_load %arg5[%get3A_137, %get3A_138] {strides = array<i32>} : memref<736x128xf32, #tpu.memory_space<vmem>>, vector<1x16xf32>,
          %get3A_140 = vector.shape_cast %get3A_139 : vector<1x16xf32> to vector<16xf32>
          %gt3A = arith.cmpf ogt, %get3A_140, %scan3A_128#0 : vector<16xf32>
          %select_n3A_141 = arith.select %gt3A, %get3A_140, %scan3A_128#0 : vector<16xi1>, vector<16xf32>
          %select_n3A_142 = arith.select %gt3A, %broadcast_in_dim3A_131, %scan3A_128#4 : vector<16xi1>, vector<16xi32>
          %mul3A_143 = arith.constant 8 : i32
          %mul3A_144 = arith.muli %scan3A_130, %mul3A_143 : i32
          %add3A_145 = arith.addi %mul3A_144, %mul3A_91 : i32
          %add3A_146 = arith.constant 1 : i32
          %add3A_147 = arith.addi %add3A_145, %add3A_146 : i32
          %get3A_148 = arith.index_cast %add3A_147 : i32 to index
          %get3A_149 = arith.index_cast %mul3A_93 : i32 to index
          %get3A_150 = tpu.vector_load %arg5[%get3A_148, %get3A_149] {strides = array<i32>} : memref<736x128xf32, #tpu.memory_space<vmem>>, vector<1x16xf32>,
          %get3A_151 = vector.shape_cast %get3A_150 : vector<1x16xf32> to vector<16xf32>
          %gt3A_152 = arith.cmpf ogt, %get3A_151, %scan3A_128#1 : vector<16xf32>
          %select_n3A_153 = arith.select %gt3A_152, %get3A_151, %scan3A_128#1 : vector<16xi1>, vector<16xf32>
          %select_n3A_154 = arith.select %gt3A_152, %broadcast_in_dim3A_131, %scan3A_128#5 : vector<16xi1>, vector<16xi32>
          %mul3A_155 = arith.constant 8 : i32
          %mul3A_156 = arith.muli %scan3A_130, %mul3A_155 : i32
          %add3A_157 = arith.addi %mul3A_156, %mul3A_91 : i32
          %add3A_158 = arith.constant 2 : i32
          %add3A_159 = arith.addi %add3A_157, %add3A_158 : i32
          %get3A_160 = arith.index_cast %add3A_159 : i32 to index
          %get3A_161 = arith.index_cast %mul3A_93 : i32 to index
          %get3A_162 = tpu.vector_load %arg5[%get3A_160, %get3A_161] {strides = array<i32>} : memref<736x128xf32, #tpu.memory_space<vmem>>, vector<1x16xf32>,
          %get3A_163 = vector.shape_cast %get3A_162 : vector<1x16xf32> to vector<16xf32>
          %gt3A_164 = arith.cmpf ogt, %get3A_163, %scan3A_128#2 : vector<16xf32>
          %select_n3A_165 = arith.select %gt3A_164, %get3A_163, %scan3A_128#2 : vector<16xi1>, vector<16xf32>
          %select_n3A_166 = arith.select %gt3A_164, %broadcast_in_dim3A_131, %scan3A_128#6 : vector<16xi1>, vector<16xi32>
          %mul3A_167 = arith.constant 8 : i32
          %mul3A_168 = arith.muli %scan3A_130, %mul3A_167 : i32
          %add3A_169 = arith.addi %mul3A_168, %mul3A_91 : i32
          %add3A_170 = arith.constant 3 : i32
          %add3A_171 = arith.addi %add3A_169, %add3A_170 : i32
          %get3A_172 = arith.index_cast %add3A_171 : i32 to index
          %get3A_173 = arith.index_cast %mul3A_93 : i32 to index
          %get3A_174 = tpu.vector_load %arg5[%get3A_172, %get3A_173] {strides = array<i32>} : memref<736x128xf32, #tpu.memory_space<vmem>>, vector<1x16xf32>,
          %get3A_175 = vector.shape_cast %get3A_174 : vector<1x16xf32> to vector<16xf32>
          %gt3A_176 = arith.cmpf ogt, %get3A_175, %scan3A_128#3 : vector<16xf32>
          %select_n3A_177 = arith.select %gt3A_176, %get3A_175, %scan3A_128#3 : vector<16xi1>, vector<16xf32>
          %select_n3A_178 = arith.select %gt3A_176, %broadcast_in_dim3A_131, %scan3A_128#7 : vector<16xi1>, vector<16xi32>
          %scan3A_179 = arith.constant 85 : i32
          %scan3A_180 = arith.addi %scan3A_124, %scan3A_179 : i32
          %broadcast_in_dim3A_181 = vector.broadcast %scan3A_180 : i32 to vector<16xi32>
          %mul3A_182 = arith.constant 8 : i32
          %mul3A_183 = arith.muli %scan3A_180, %mul3A_182 : i32
          %add3A_184 = arith.addi %mul3A_183, %mul3A_91 : i32
          %add3A_185 = arith.constant 0 : i32
          %add3A_186 = arith.addi %add3A_184, %add3A_185 : i32
          %get3A_187 = arith.index_cast %add3A_186 : i32 to index
          %get3A_188 = arith.index_cast %mul3A_93 : i32 to index
          %get3A_189 = tpu.vector_load %arg5[%get3A_187, %get3A_188] {strides = array<i32>} : memref<736x128xf32, #tpu.memory_space<vmem>>, vector<1x16xf32>,
          %get3A_190 = vector.shape_cast %get3A_189 : vector<1x16xf32> to vector<16xf32>
          %gt3A_191 = arith.cmpf ogt, %get3A_190, %select_n3A_141 : vector<16xf32>
          %select_n3A_192 = arith.select %gt3A_191, %get3A_190, %select_n3A_141 : vector<16xi1>, vector<16xf32>
          %select_n3A_193 = arith.select %gt3A_191, %broadcast_in_dim3A_181, %select_n3A_142 : vector<16xi1>, vector<16xi32>
          %mul3A_194 = arith.constant 8 : i32
          %mul3A_195 = arith.muli %scan3A_180, %mul3A_194 : i32
          %add3A_196 = arith.addi %mul3A_195, %mul3A_91 : i32
          %add3A_197 = arith.constant 1 : i32
          %add3A_198 = arith.addi %add3A_196, %add3A_197 : i32
          %get3A_199 = arith.index_cast %add3A_198 : i32 to index
          %get3A_200 = arith.index_cast %mul3A_93 : i32 to index
          %get3A_201 = tpu.vector_load %arg5[%get3A_199, %get3A_200] {strides = array<i32>} : memref<736x128xf32, #tpu.memory_space<vmem>>, vector<1x16xf32>,
          %get3A_202 = vector.shape_cast %get3A_201 : vector<1x16xf32> to vector<16xf32>
          %gt3A_203 = arith.cmpf ogt, %get3A_202, %select_n3A_153 : vector<16xf32>
          %select_n3A_204 = arith.select %gt3A_203, %get3A_202, %select_n3A_153 : vector<16xi1>, vector<16xf32>
          %select_n3A_205 = arith.select %gt3A_203, %broadcast_in_dim3A_181, %select_n3A_154 : vector<16xi1>, vector<16xi32>
          %mul3A_206 = arith.constant 8 : i32
          %mul3A_207 = arith.muli %scan3A_180, %mul3A_206 : i32
          %add3A_208 = arith.addi %mul3A_207, %mul3A_91 : i32
          %add3A_209 = arith.constant 2 : i32
          %add3A_210 = arith.addi %add3A_208, %add3A_209 : i32
          %get3A_211 = arith.index_cast %add3A_210 : i32 to index
          %get3A_212 = arith.index_cast %mul3A_93 : i32 to index
          %get3A_213 = tpu.vector_load %arg5[%get3A_211, %get3A_212] {strides = array<i32>} : memref<736x128xf32, #tpu.memory_space<vmem>>, vector<1x16xf32>,
          %get3A_214 = vector.shape_cast %get3A_213 : vector<1x16xf32> to vector<16xf32>
          %gt3A_215 = arith.cmpf ogt, %get3A_214, %select_n3A_165 : vector<16xf32>
          %select_n3A_216 = arith.select %gt3A_215, %get3A_214, %select_n3A_165 : vector<16xi1>, vector<16xf32>
          %select_n3A_217 = arith.select %gt3A_215, %broadcast_in_dim3A_181, %select_n3A_166 : vector<16xi1>, vector<16xi32>
          %mul3A_218 = arith.constant 8 : i32
          %mul3A_219 = arith.muli %scan3A_180, %mul3A_218 : i32
          %add3A_220 = arith.addi %mul3A_219, %mul3A_91 : i32
          %add3A_221 = arith.constant 3 : i32
          %add3A_222 = arith.addi %add3A_220, %add3A_221 : i32
          %get3A_223 = arith.index_cast %add3A_222 : i32 to index
          %get3A_224 = arith.index_cast %mul3A_93 : i32 to index
          %get3A_225 = tpu.vector_load %arg5[%get3A_223, %get3A_224] {strides = array<i32>} : memref<736x128xf32, #tpu.memory_space<vmem>>, vector<1x16xf32>,
          %get3A_226 = vector.shape_cast %get3A_225 : vector<1x16xf32> to vector<16xf32>
          %gt3A_227 = arith.cmpf ogt, %get3A_226, %select_n3A_177 : vector<16xf32>
          %select_n3A_228 = arith.select %gt3A_227, %get3A_226, %select_n3A_177 : vector<16xi1>, vector<16xf32>
          %select_n3A_229 = arith.select %gt3A_227, %broadcast_in_dim3A_181, %select_n3A_178 : vector<16xi1>, vector<16xi32>
          %scan3A_230 = arith.constant 86 : i32
          %scan3A_231 = arith.addi %scan3A_124, %scan3A_230 : i32
          %broadcast_in_dim3A_232 = vector.broadcast %scan3A_231 : i32 to vector<16xi32>
          %mul3A_233 = arith.constant 8 : i32
          %mul3A_234 = arith.muli %scan3A_231, %mul3A_233 : i32
          %add3A_235 = arith.addi %mul3A_234, %mul3A_91 : i32
          %add3A_236 = arith.constant 0 : i32
          %add3A_237 = arith.addi %add3A_235, %add3A_236 : i32
          %get3A_238 = arith.index_cast %add3A_237 : i32 to index
          %get3A_239 = arith.index_cast %mul3A_93 : i32 to index
          %get3A_240 = tpu.vector_load %arg5[%get3A_238, %get3A_239] {strides = array<i32>} : memref<736x128xf32, #tpu.memory_space<vmem>>, vector<1x16xf32>,
          %get3A_241 = vector.shape_cast %get3A_240 : vector<1x16xf32> to vector<16xf32>
          %gt3A_242 = arith.cmpf ogt, %get3A_241, %select_n3A_192 : vector<16xf32>
          %select_n3A_243 = arith.select %gt3A_242, %get3A_241, %select_n3A_192 : vector<16xi1>, vector<16xf32>
          %select_n3A_244 = arith.select %gt3A_242, %broadcast_in_dim3A_232, %select_n3A_193 : vector<16xi1>, vector<16xi32>
          %mul3A_245 = arith.constant 8 : i32
          %mul3A_246 = arith.muli %scan3A_231, %mul3A_245 : i32
          %add3A_247 = arith.addi %mul3A_246, %mul3A_91 : i32
          %add3A_248 = arith.constant 1 : i32
          %add3A_249 = arith.addi %add3A_247, %add3A_248 : i32
          %get3A_250 = arith.index_cast %add3A_249 : i32 to index
          %get3A_251 = arith.index_cast %mul3A_93 : i32 to index
          %get3A_252 = tpu.vector_load %arg5[%get3A_250, %get3A_251] {strides = array<i32>} : memref<736x128xf32, #tpu.memory_space<vmem>>, vector<1x16xf32>,
          %get3A_253 = vector.shape_cast %get3A_252 : vector<1x16xf32> to vector<16xf32>
          %gt3A_254 = arith.cmpf ogt, %get3A_253, %select_n3A_204 : vector<16xf32>
          %select_n3A_255 = arith.select %gt3A_254, %get3A_253, %select_n3A_204 : vector<16xi1>, vector<16xf32>
          %select_n3A_256 = arith.select %gt3A_254, %broadcast_in_dim3A_232, %select_n3A_205 : vector<16xi1>, vector<16xi32>
          %mul3A_257 = arith.constant 8 : i32
          %mul3A_258 = arith.muli %scan3A_231, %mul3A_257 : i32
          %add3A_259 = arith.addi %mul3A_258, %mul3A_91 : i32
          %add3A_260 = arith.constant 2 : i32
          %add3A_261 = arith.addi %add3A_259, %add3A_260 : i32
          %get3A_262 = arith.index_cast %add3A_261 : i32 to index
          %get3A_263 = arith.index_cast %mul3A_93 : i32 to index
          %get3A_264 = tpu.vector_load %arg5[%get3A_262, %get3A_263] {strides = array<i32>} : memref<736x128xf32, #tpu.memory_space<vmem>>, vector<1x16xf32>,
          %get3A_265 = vector.shape_cast %get3A_264 : vector<1x16xf32> to vector<16xf32>
          %gt3A_266 = arith.cmpf ogt, %get3A_265, %select_n3A_216 : vector<16xf32>
          %select_n3A_267 = arith.select %gt3A_266, %get3A_265, %select_n3A_216 : vector<16xi1>, vector<16xf32>
          %select_n3A_268 = arith.select %gt3A_266, %broadcast_in_dim3A_232, %select_n3A_217 : vector<16xi1>, vector<16xi32>
          %mul3A_269 = arith.constant 8 : i32
          %mul3A_270 = arith.muli %scan3A_231, %mul3A_269 : i32
          %add3A_271 = arith.addi %mul3A_270, %mul3A_91 : i32
          %add3A_272 = arith.constant 3 : i32
          %add3A_273 = arith.addi %add3A_271, %add3A_272 : i32
          %get3A_274 = arith.index_cast %add3A_273 : i32 to index
          %get3A_275 = arith.index_cast %mul3A_93 : i32 to index
          %get3A_276 = tpu.vector_load %arg5[%get3A_274, %get3A_275] {strides = array<i32>} : memref<736x128xf32, #tpu.memory_space<vmem>>, vector<1x16xf32>,
          %get3A_277 = vector.shape_cast %get3A_276 : vector<1x16xf32> to vector<16xf32>
          %gt3A_278 = arith.cmpf ogt, %get3A_277, %select_n3A_228 : vector<16xf32>
          %select_n3A_279 = arith.select %gt3A_278, %get3A_277, %select_n3A_228 : vector<16xi1>, vector<16xf32>
          %select_n3A_280 = arith.select %gt3A_278, %broadcast_in_dim3A_232, %select_n3A_229 : vector<16xi1>, vector<16xi32>
          %scan3A_281 = arith.constant 87 : i32
          %scan3A_282 = arith.addi %scan3A_124, %scan3A_281 : i32
          %broadcast_in_dim3A_283 = vector.broadcast %scan3A_282 : i32 to vector<16xi32>
          %mul3A_284 = arith.constant 8 : i32
          %mul3A_285 = arith.muli %scan3A_282, %mul3A_284 : i32
          %add3A_286 = arith.addi %mul3A_285, %mul3A_91 : i32
          %add3A_287 = arith.constant 0 : i32
          %add3A_288 = arith.addi %add3A_286, %add3A_287 : i32
          %get3A_289 = arith.index_cast %add3A_288 : i32 to index
          %get3A_290 = arith.index_cast %mul3A_93 : i32 to index
          %get3A_291 = tpu.vector_load %arg5[%get3A_289, %get3A_290] {strides = array<i32>} : memref<736x128xf32, #tpu.memory_space<vmem>>, vector<1x16xf32>,
          %get3A_292 = vector.shape_cast %get3A_291 : vector<1x16xf32> to vector<16xf32>
          %gt3A_293 = arith.cmpf ogt, %get3A_292, %select_n3A_243 : vector<16xf32>
          %select_n3A_294 = arith.select %gt3A_293, %get3A_292, %select_n3A_243 : vector<16xi1>, vector<16xf32>
          %select_n3A_295 = arith.select %gt3A_293, %broadcast_in_dim3A_283, %select_n3A_244 : vector<16xi1>, vector<16xi32>
          %mul3A_296 = arith.constant 8 : i32
          %mul3A_297 = arith.muli %scan3A_282, %mul3A_296 : i32
          %add3A_298 = arith.addi %mul3A_297, %mul3A_91 : i32
          %add3A_299 = arith.constant 1 : i32
          %add3A_300 = arith.addi %add3A_298, %add3A_299 : i32
          %get3A_301 = arith.index_cast %add3A_300 : i32 to index
          %get3A_302 = arith.index_cast %mul3A_93 : i32 to index
          %get3A_303 = tpu.vector_load %arg5[%get3A_301, %get3A_302] {strides = array<i32>} : memref<736x128xf32, #tpu.memory_space<vmem>>, vector<1x16xf32>,
          %get3A_304 = vector.shape_cast %get3A_303 : vector<1x16xf32> to vector<16xf32>
          %gt3A_305 = arith.cmpf ogt, %get3A_304, %select_n3A_255 : vector<16xf32>
          %select_n3A_306 = arith.select %gt3A_305, %get3A_304, %select_n3A_255 : vector<16xi1>, vector<16xf32>
          %select_n3A_307 = arith.select %gt3A_305, %broadcast_in_dim3A_283, %select_n3A_256 : vector<16xi1>, vector<16xi32>
          %mul3A_308 = arith.constant 8 : i32
          %mul3A_309 = arith.muli %scan3A_282, %mul3A_308 : i32
          %add3A_310 = arith.addi %mul3A_309, %mul3A_91 : i32
          %add3A_311 = arith.constant 2 : i32
          %add3A_312 = arith.addi %add3A_310, %add3A_311 : i32
          %get3A_313 = arith.index_cast %add3A_312 : i32 to index
          %get3A_314 = arith.index_cast %mul3A_93 : i32 to index
          %get3A_315 = tpu.vector_load %arg5[%get3A_313, %get3A_314] {strides = array<i32>} : memref<736x128xf32, #tpu.memory_space<vmem>>, vector<1x16xf32>,
          %get3A_316 = vector.shape_cast %get3A_315 : vector<1x16xf32> to vector<16xf32>
          %gt3A_317 = arith.cmpf ogt, %get3A_316, %select_n3A_267 : vector<16xf32>
          %select_n3A_318 = arith.select %gt3A_317, %get3A_316, %select_n3A_267 : vector<16xi1>, vector<16xf32>
          %select_n3A_319 = arith.select %gt3A_317, %broadcast_in_dim3A_283, %select_n3A_268 : vector<16xi1>, vector<16xi32>
          %mul3A_320 = arith.constant 8 : i32
          %mul3A_321 = arith.muli %scan3A_282, %mul3A_320 : i32
          %add3A_322 = arith.addi %mul3A_321, %mul3A_91 : i32
          %add3A_323 = arith.constant 3 : i32
          %add3A_324 = arith.addi %add3A_322, %add3A_323 : i32
          %get3A_325 = arith.index_cast %add3A_324 : i32 to index
          %get3A_326 = arith.index_cast %mul3A_93 : i32 to index
          %get3A_327 = tpu.vector_load %arg5[%get3A_325, %get3A_326] {strides = array<i32>} : memref<736x128xf32, #tpu.memory_space<vmem>>, vector<1x16xf32>,
          %get3A_328 = vector.shape_cast %get3A_327 : vector<1x16xf32> to vector<16xf32>
          %gt3A_329 = arith.cmpf ogt, %get3A_328, %select_n3A_279 : vector<16xf32>
          %select_n3A_330 = arith.select %gt3A_329, %get3A_328, %select_n3A_279 : vector<16xi1>, vector<16xf32>
          %select_n3A_331 = arith.select %gt3A_329, %broadcast_in_dim3A_283, %select_n3A_280 : vector<16xi1>, vector<16xi32>
          %scan3A_332 = arith.constant 88 : i32
          %scan3A_333 = arith.addi %scan3A_124, %scan3A_332 : i32
          %broadcast_in_dim3A_334 = vector.broadcast %scan3A_333 : i32 to vector<16xi32>
          %mul3A_335 = arith.constant 8 : i32
          %mul3A_336 = arith.muli %scan3A_333, %mul3A_335 : i32
          %add3A_337 = arith.addi %mul3A_336, %mul3A_91 : i32
          %add3A_338 = arith.constant 0 : i32
          %add3A_339 = arith.addi %add3A_337, %add3A_338 : i32
          %get3A_340 = arith.index_cast %add3A_339 : i32 to index
          %get3A_341 = arith.index_cast %mul3A_93 : i32 to index
          %get3A_342 = tpu.vector_load %arg5[%get3A_340, %get3A_341] {strides = array<i32>} : memref<736x128xf32, #tpu.memory_space<vmem>>, vector<1x16xf32>,
          %get3A_343 = vector.shape_cast %get3A_342 : vector<1x16xf32> to vector<16xf32>
          %gt3A_344 = arith.cmpf ogt, %get3A_343, %select_n3A_294 : vector<16xf32>
          %select_n3A_345 = arith.select %gt3A_344, %get3A_343, %select_n3A_294 : vector<16xi1>, vector<16xf32>
          %select_n3A_346 = arith.select %gt3A_344, %broadcast_in_dim3A_334, %select_n3A_295 : vector<16xi1>, vector<16xi32>
          %mul3A_347 = arith.constant 8 : i32
          %mul3A_348 = arith.muli %scan3A_333, %mul3A_347 : i32
          %add3A_349 = arith.addi %mul3A_348, %mul3A_91 : i32
          %add3A_350 = arith.constant 1 : i32
          %add3A_351 = arith.addi %add3A_349, %add3A_350 : i32
          %get3A_352 = arith.index_cast %add3A_351 : i32 to index
          %get3A_353 = arith.index_cast %mul3A_93 : i32 to index
          %get3A_354 = tpu.vector_load %arg5[%get3A_352, %get3A_353] {strides = array<i32>} : memref<736x128xf32, #tpu.memory_space<vmem>>, vector<1x16xf32>,
          %get3A_355 = vector.shape_cast %get3A_354 : vector<1x16xf32> to vector<16xf32>
          %gt3A_356 = arith.cmpf ogt, %get3A_355, %select_n3A_306 : vector<16xf32>
          %select_n3A_357 = arith.select %gt3A_356, %get3A_355, %select_n3A_306 : vector<16xi1>, vector<16xf32>
          %select_n3A_358 = arith.select %gt3A_356, %broadcast_in_dim3A_334, %select_n3A_307 : vector<16xi1>, vector<16xi32>
          %mul3A_359 = arith.constant 8 : i32
          %mul3A_360 = arith.muli %scan3A_333, %mul3A_359 : i32
          %add3A_361 = arith.addi %mul3A_360, %mul3A_91 : i32
          %add3A_362 = arith.constant 2 : i32
          %add3A_363 = arith.addi %add3A_361, %add3A_362 : i32
          %get3A_364 = arith.index_cast %add3A_363 : i32 to index
          %get3A_365 = arith.index_cast %mul3A_93 : i32 to index
          %get3A_366 = tpu.vector_load %arg5[%get3A_364, %get3A_365] {strides = array<i32>} : memref<736x128xf32, #tpu.memory_space<vmem>>, vector<1x16xf32>,
          %get3A_367 = vector.shape_cast %get3A_366 : vector<1x16xf32> to vector<16xf32>
          %gt3A_368 = arith.cmpf ogt, %get3A_367, %select_n3A_318 : vector<16xf32>
          %select_n3A_369 = arith.select %gt3A_368, %get3A_367, %select_n3A_318 : vector<16xi1>, vector<16xf32>
          %select_n3A_370 = arith.select %gt3A_368, %broadcast_in_dim3A_334, %select_n3A_319 : vector<16xi1>, vector<16xi32>
          %mul3A_371 = arith.constant 8 : i32
          %mul3A_372 = arith.muli %scan3A_333, %mul3A_371 : i32
          %add3A_373 = arith.addi %mul3A_372, %mul3A_91 : i32
          %add3A_374 = arith.constant 3 : i32
          %add3A_375 = arith.addi %add3A_373, %add3A_374 : i32
          %get3A_376 = arith.index_cast %add3A_375 : i32 to index
          %get3A_377 = arith.index_cast %mul3A_93 : i32 to index
          %get3A_378 = tpu.vector_load %arg5[%get3A_376, %get3A_377] {strides = array<i32>} : memref<736x128xf32, #tpu.memory_space<vmem>>, vector<1x16xf32>,
          %get3A_379 = vector.shape_cast %get3A_378 : vector<1x16xf32> to vector<16xf32>
          %gt3A_380 = arith.cmpf ogt, %get3A_379, %select_n3A_330 : vector<16xf32>
          %select_n3A_381 = arith.select %gt3A_380, %get3A_379, %select_n3A_330 : vector<16xi1>, vector<16xf32>
          %select_n3A_382 = arith.select %gt3A_380, %broadcast_in_dim3A_334, %select_n3A_331 : vector<16xi1>, vector<16xi32>
          %scan3A_383 = arith.constant 89 : i32
          %scan3A_384 = arith.addi %scan3A_124, %scan3A_383 : i32
          %broadcast_in_dim3A_385 = vector.broadcast %scan3A_384 : i32 to vector<16xi32>
          %mul3A_386 = arith.constant 8 : i32
          %mul3A_387 = arith.muli %scan3A_384, %mul3A_386 : i32
          %add3A_388 = arith.addi %mul3A_387, %mul3A_91 : i32
          %add3A_389 = arith.constant 0 : i32
          %add3A_390 = arith.addi %add3A_388, %add3A_389 : i32
          %get3A_391 = arith.index_cast %add3A_390 : i32 to index
          %get3A_392 = arith.index_cast %mul3A_93 : i32 to index
          %get3A_393 = tpu.vector_load %arg5[%get3A_391, %get3A_392] {strides = array<i32>} : memref<736x128xf32, #tpu.memory_space<vmem>>, vector<1x16xf32>,
          %get3A_394 = vector.shape_cast %get3A_393 : vector<1x16xf32> to vector<16xf32>
          %gt3A_395 = arith.cmpf ogt, %get3A_394, %select_n3A_345 : vector<16xf32>
          %select_n3A_396 = arith.select %gt3A_395, %get3A_394, %select_n3A_345 : vector<16xi1>, vector<16xf32>
          %select_n3A_397 = arith.select %gt3A_395, %broadcast_in_dim3A_385, %select_n3A_346 : vector<16xi1>, vector<16xi32>
          %mul3A_398 = arith.constant 8 : i32
          %mul3A_399 = arith.muli %scan3A_384, %mul3A_398 : i32
          %add3A_400 = arith.addi %mul3A_399, %mul3A_91 : i32
          %add3A_401 = arith.constant 1 : i32
          %add3A_402 = arith.addi %add3A_400, %add3A_401 : i32
          %get3A_403 = arith.index_cast %add3A_402 : i32 to index
          %get3A_404 = arith.index_cast %mul3A_93 : i32 to index
          %get3A_405 = tpu.vector_load %arg5[%get3A_403, %get3A_404] {strides = array<i32>} : memref<736x128xf32, #tpu.memory_space<vmem>>, vector<1x16xf32>,
          %get3A_406 = vector.shape_cast %get3A_405 : vector<1x16xf32> to vector<16xf32>
          %gt3A_407 = arith.cmpf ogt, %get3A_406, %select_n3A_357 : vector<16xf32>
          %select_n3A_408 = arith.select %gt3A_407, %get3A_406, %select_n3A_357 : vector<16xi1>, vector<16xf32>
          %select_n3A_409 = arith.select %gt3A_407, %broadcast_in_dim3A_385, %select_n3A_358 : vector<16xi1>, vector<16xi32>
          %mul3A_410 = arith.constant 8 : i32
          %mul3A_411 = arith.muli %scan3A_384, %mul3A_410 : i32
          %add3A_412 = arith.addi %mul3A_411, %mul3A_91 : i32
          %add3A_413 = arith.constant 2 : i32
          %add3A_414 = arith.addi %add3A_412, %add3A_413 : i32
          %get3A_415 = arith.index_cast %add3A_414 : i32 to index
          %get3A_416 = arith.index_cast %mul3A_93 : i32 to index
          %get3A_417 = tpu.vector_load %arg5[%get3A_415, %get3A_416] {strides = array<i32>} : memref<736x128xf32, #tpu.memory_space<vmem>>, vector<1x16xf32>,
          %get3A_418 = vector.shape_cast %get3A_417 : vector<1x16xf32> to vector<16xf32>
          %gt3A_419 = arith.cmpf ogt, %get3A_418, %select_n3A_369 : vector<16xf32>
          %select_n3A_420 = arith.select %gt3A_419, %get3A_418, %select_n3A_369 : vector<16xi1>, vector<16xf32>
          %select_n3A_421 = arith.select %gt3A_419, %broadcast_in_dim3A_385, %select_n3A_370 : vector<16xi1>, vector<16xi32>
          %mul3A_422 = arith.constant 8 : i32
          %mul3A_423 = arith.muli %scan3A_384, %mul3A_422 : i32
          %add3A_424 = arith.addi %mul3A_423, %mul3A_91 : i32
          %add3A_425 = arith.constant 3 : i32
          %add3A_426 = arith.addi %add3A_424, %add3A_425 : i32
          %get3A_427 = arith.index_cast %add3A_426 : i32 to index
          %get3A_428 = arith.index_cast %mul3A_93 : i32 to index
          %get3A_429 = tpu.vector_load %arg5[%get3A_427, %get3A_428] {strides = array<i32>} : memref<736x128xf32, #tpu.memory_space<vmem>>, vector<1x16xf32>,
          %get3A_430 = vector.shape_cast %get3A_429 : vector<1x16xf32> to vector<16xf32>
          %gt3A_431 = arith.cmpf ogt, %get3A_430, %select_n3A_381 : vector<16xf32>
          %select_n3A_432 = arith.select %gt3A_431, %get3A_430, %select_n3A_381 : vector<16xi1>, vector<16xf32>
          %select_n3A_433 = arith.select %gt3A_431, %broadcast_in_dim3A_385, %select_n3A_382 : vector<16xi1>, vector<16xi32>
          %scan3A_434 = arith.constant 90 : i32
          %add3A_435 = arith.constant 728 : i32
          %add3A_436 = arith.addi %add3A_435, %mul3A_91 : i32
          %add3A_437 = arith.constant 0 : i32
          %add3A_438 = arith.addi %add3A_436, %add3A_437 : i32
          %get3A_439 = arith.index_cast %add3A_438 : i32 to index
          %get3A_440 = arith.index_cast %mul3A_93 : i32 to index
          %get3A_441 = tpu.vector_load %arg5[%get3A_439, %get3A_440] {strides = array<i32>} : memref<736x128xf32, #tpu.memory_space<vmem>>, vector<1x16xf32>,
          %get3A_442 = vector.shape_cast %get3A_441 : vector<1x16xf32> to vector<16xf32>
          %max3A = arith.maximumf %select_n3A_396, %get3A_442 : vector<16xf32>
          %add3A_443 = arith.constant 728 : i32
          %add3A_444 = arith.addi %add3A_443, %mul3A_91 : i32
          %add3A_445 = arith.constant 1 : i32
          %add3A_446 = arith.addi %add3A_444, %add3A_445 : i32
          %get3A_447 = arith.index_cast %add3A_446 : i32 to index
          %get3A_448 = arith.index_cast %mul3A_93 : i32 to index
          %get3A_449 = tpu.vector_load %arg5[%get3A_447, %get3A_448] {strides = array<i32>} : memref<736x128xf32, #tpu.memory_space<vmem>>, vector<1x16xf32>,
          %get3A_450 = vector.shape_cast %get3A_449 : vector<1x16xf32> to vector<16xf32>
          %max3A_451 = arith.maximumf %select_n3A_408, %get3A_450 : vector<16xf32>
          %add3A_452 = arith.constant 728 : i32
          %add3A_453 = arith.addi %add3A_452, %mul3A_91 : i32
          %add3A_454 = arith.constant 2 : i32
          %add3A_455 = arith.addi %add3A_453, %add3A_454 : i32
          %get3A_456 = arith.index_cast %add3A_455 : i32 to index
          %get3A_457 = arith.index_cast %mul3A_93 : i32 to index
          %get3A_458 = tpu.vector_load %arg5[%get3A_456, %get3A_457] {strides = array<i32>} : memref<736x128xf32, #tpu.memory_space<vmem>>, vector<1x16xf32>,
          %get3A_459 = vector.shape_cast %get3A_458 : vector<1x16xf32> to vector<16xf32>
          %max3A_460 = arith.maximumf %select_n3A_420, %get3A_459 : vector<16xf32>
          %add3A_461 = arith.constant 728 : i32
          %add3A_462 = arith.addi %add3A_461, %mul3A_91 : i32
          %add3A_463 = arith.constant 3 : i32
          %add3A_464 = arith.addi %add3A_462, %add3A_463 : i32
          %get3A_465 = arith.index_cast %add3A_464 : i32 to index
          %get3A_466 = arith.index_cast %mul3A_93 : i32 to index
          %get3A_467 = tpu.vector_load %arg5[%get3A_465, %get3A_466] {strides = array<i32>} : memref<736x128xf32, #tpu.memory_space<vmem>>, vector<1x16xf32>,
          %get3A_468 = vector.shape_cast %get3A_467 : vector<1x16xf32> to vector<16xf32>
          %max3A_469 = arith.maximumf %select_n3A_432, %get3A_468 : vector<16xf32>
          %broadcast_in_dim3A_470 = arith.constant 0.000000e+00 : f32
          %broadcast_in_dim3A_471 = vector.broadcast %broadcast_in_dim3A_470 : f32 to vector<16xf32>
          %broadcast_in_dim3A_472 = arith.constant 0.000000e+00 : f32
          %broadcast_in_dim3A_473 = vector.broadcast %broadcast_in_dim3A_472 : f32 to vector<16xf32>
          %broadcast_in_dim3A_474 = arith.constant 0.000000e+00 : f32
          %broadcast_in_dim3A_475 = vector.broadcast %broadcast_in_dim3A_474 : f32 to vector<16xf32>
          %broadcast_in_dim3A_476 = arith.constant 0.000000e+00 : f32
          %broadcast_in_dim3A_477 = vector.broadcast %broadcast_in_dim3A_476 : f32 to vector<16xf32>
          %scan3A_478 = arith.constant 0 : i32
          %scan3A_479 = arith.constant 92 : i32
          %scan3A_480 = arith.addi %scan3A_478, %scan3A_479 : i32
          %scan3A_481 = arith.constant 4 : i32
          %scan3A_482:4 = scf.for %scan3A_550 = %scan3A_478 to %scan3A_480 step %scan3A_481 iter_args(%scan3A_551 = %broadcast_in_dim3A_471, %scan3A_552 = %broadcast_in_dim3A_473, %scan3A_553 = %broadcast_in_dim3A_475, %scan3A_554 = %broadcast_in_dim3A_477) -> (vector<16xf32>, vector<16xf32>, vector<16xf32>, vector<16xf32>)  : i32 {
            %mul3A_555 = arith.constant 8 : i32
            %mul3A_556 = arith.muli %scan3A_550, %mul3A_555 : i32
            %add3A_557 = arith.addi %mul3A_556, %mul3A_91 : i32
            %add3A_558 = arith.constant 0 : i32
            %add3A_559 = arith.addi %add3A_557, %add3A_558 : i32
            %get3A_560 = arith.index_cast %add3A_559 : i32 to index
            %get3A_561 = arith.index_cast %mul3A_93 : i32 to index
            %get3A_562 = tpu.vector_load %arg5[%get3A_560, %get3A_561] {strides = array<i32>} : memref<736x128xf32, #tpu.memory_space<vmem>>, vector<1x16xf32>,
            %get3A_563 = vector.shape_cast %get3A_562 : vector<1x16xf32> to vector<16xf32>
            %sub3A_564 = arith.subf %get3A_563, %max3A : vector<16xf32>
            %exp3A_565 = math.exp %sub3A_564 : vector<16xf32>
            %add3A_566 = arith.addf %scan3A_551, %exp3A_565 : vector<16xf32>
            %mul3A_567 = arith.constant 8 : i32
            %mul3A_568 = arith.muli %scan3A_550, %mul3A_567 : i32
            %add3A_569 = arith.addi %mul3A_568, %mul3A_91 : i32
            %add3A_570 = arith.constant 1 : i32
            %add3A_571 = arith.addi %add3A_569, %add3A_570 : i32
            %get3A_572 = arith.index_cast %add3A_571 : i32 to index
            %get3A_573 = arith.index_cast %mul3A_93 : i32 to index
            %get3A_574 = tpu.vector_load %arg5[%get3A_572, %get3A_573] {strides = array<i32>} : memref<736x128xf32, #tpu.memory_space<vmem>>, vector<1x16xf32>,
            %get3A_575 = vector.shape_cast %get3A_574 : vector<1x16xf32> to vector<16xf32>
            %sub3A_576 = arith.subf %get3A_575, %max3A_451 : vector<16xf32>
            %exp3A_577 = math.exp %sub3A_576 : vector<16xf32>
            %add3A_578 = arith.addf %scan3A_552, %exp3A_577 : vector<16xf32>
            %mul3A_579 = arith.constant 8 : i32
            %mul3A_580 = arith.muli %scan3A_550, %mul3A_579 : i32
            %add3A_581 = arith.addi %mul3A_580, %mul3A_91 : i32
            %add3A_582 = arith.constant 2 : i32
            %add3A_583 = arith.addi %add3A_581, %add3A_582 : i32
            %get3A_584 = arith.index_cast %add3A_583 : i32 to index
            %get3A_585 = arith.index_cast %mul3A_93 : i32 to index
            %get3A_586 = tpu.vector_load %arg5[%get3A_584, %get3A_585] {strides = array<i32>} : memref<736x128xf32, #tpu.memory_space<vmem>>, vector<1x16xf32>,
            %get3A_587 = vector.shape_cast %get3A_586 : vector<1x16xf32> to vector<16xf32>
            %sub3A_588 = arith.subf %get3A_587, %max3A_460 : vector<16xf32>
            %exp3A_589 = math.exp %sub3A_588 : vector<16xf32>
            %add3A_590 = arith.addf %scan3A_553, %exp3A_589 : vector<16xf32>
            %mul3A_591 = arith.constant 8 : i32
            %mul3A_592 = arith.muli %scan3A_550, %mul3A_591 : i32
            %add3A_593 = arith.addi %mul3A_592, %mul3A_91 : i32
            %add3A_594 = arith.constant 3 : i32
            %add3A_595 = arith.addi %add3A_593, %add3A_594 : i32
            %get3A_596 = arith.index_cast %add3A_595 : i32 to index
            %get3A_597 = arith.index_cast %mul3A_93 : i32 to index
            %get3A_598 = tpu.vector_load %arg5[%get3A_596, %get3A_597] {strides = array<i32>} : memref<736x128xf32, #tpu.memory_space<vmem>>, vector<1x16xf32>,
            %get3A_599 = vector.shape_cast %get3A_598 : vector<1x16xf32> to vector<16xf32>
            %sub3A_600 = arith.subf %get3A_599, %max3A_469 : vector<16xf32>
            %exp3A_601 = math.exp %sub3A_600 : vector<16xf32>
            %add3A_602 = arith.addf %scan3A_554, %exp3A_601 : vector<16xf32>
            %scan3A_603 = arith.constant 1 : i32
            %scan3A_604 = arith.addi %scan3A_550, %scan3A_603 : i32
            %mul3A_605 = arith.constant 8 : i32
            %mul3A_606 = arith.muli %scan3A_604, %mul3A_605 : i32
            %add3A_607 = arith.addi %mul3A_606, %mul3A_91 : i32
            %add3A_608 = arith.constant 0 : i32
            %add3A_609 = arith.addi %add3A_607, %add3A_608 : i32
            %get3A_610 = arith.index_cast %add3A_609 : i32 to index
            %get3A_611 = arith.index_cast %mul3A_93 : i32 to index
            %get3A_612 = tpu.vector_load %arg5[%get3A_610, %get3A_611] {strides = array<i32>} : memref<736x128xf32, #tpu.memory_space<vmem>>, vector<1x16xf32>,
            %get3A_613 = vector.shape_cast %get3A_612 : vector<1x16xf32> to vector<16xf32>
            %sub3A_614 = arith.subf %get3A_613, %max3A : vector<16xf32>
            %exp3A_615 = math.exp %sub3A_614 : vector<16xf32>
            %add3A_616 = arith.addf %add3A_566, %exp3A_615 : vector<16xf32>
            %mul3A_617 = arith.constant 8 : i32
            %mul3A_618 = arith.muli %scan3A_604, %mul3A_617 : i32
            %add3A_619 = arith.addi %mul3A_618, %mul3A_91 : i32
            %add3A_620 = arith.constant 1 : i32
            %add3A_621 = arith.addi %add3A_619, %add3A_620 : i32
            %get3A_622 = arith.index_cast %add3A_621 : i32 to index
            %get3A_623 = arith.index_cast %mul3A_93 : i32 to index
            %get3A_624 = tpu.vector_load %arg5[%get3A_622, %get3A_623] {strides = array<i32>} : memref<736x128xf32, #tpu.memory_space<vmem>>, vector<1x16xf32>,
            %get3A_625 = vector.shape_cast %get3A_624 : vector<1x16xf32> to vector<16xf32>
            %sub3A_626 = arith.subf %get3A_625, %max3A_451 : vector<16xf32>
            %exp3A_627 = math.exp %sub3A_626 : vector<16xf32>
            %add3A_628 = arith.addf %add3A_578, %exp3A_627 : vector<16xf32>
            %mul3A_629 = arith.constant 8 : i32
            %mul3A_630 = arith.muli %scan3A_604, %mul3A_629 : i32
            %add3A_631 = arith.addi %mul3A_630, %mul3A_91 : i32
            %add3A_632 = arith.constant 2 : i32
            %add3A_633 = arith.addi %add3A_631, %add3A_632 : i32
            %get3A_634 = arith.index_cast %add3A_633 : i32 to index
            %get3A_635 = arith.index_cast %mul3A_93 : i32 to index
            %get3A_636 = tpu.vector_load %arg5[%get3A_634, %get3A_635] {strides = array<i32>} : memref<736x128xf32, #tpu.memory_space<vmem>>, vector<1x16xf32>,
            %get3A_637 = vector.shape_cast %get3A_636 : vector<1x16xf32> to vector<16xf32>
            %sub3A_638 = arith.subf %get3A_637, %max3A_460 : vector<16xf32>
            %exp3A_639 = math.exp %sub3A_638 : vector<16xf32>
            %add3A_640 = arith.addf %add3A_590, %exp3A_639 : vector<16xf32>
            %mul3A_641 = arith.constant 8 : i32
            %mul3A_642 = arith.muli %scan3A_604, %mul3A_641 : i32
            %add3A_643 = arith.addi %mul3A_642, %mul3A_91 : i32
            %add3A_644 = arith.constant 3 : i32
            %add3A_645 = arith.addi %add3A_643, %add3A_644 : i32
            %get3A_646 = arith.index_cast %add3A_645 : i32 to index
            %get3A_647 = arith.index_cast %mul3A_93 : i32 to index
            %get3A_648 = tpu.vector_load %arg5[%get3A_646, %get3A_647] {strides = array<i32>} : memref<736x128xf32, #tpu.memory_space<vmem>>, vector<1x16xf32>,
            %get3A_649 = vector.shape_cast %get3A_648 : vector<1x16xf32> to vector<16xf32>
            %sub3A_650 = arith.subf %get3A_649, %max3A_469 : vector<16xf32>
            %exp3A_651 = math.exp %sub3A_650 : vector<16xf32>
            %add3A_652 = arith.addf %add3A_602, %exp3A_651 : vector<16xf32>
            %scan3A_653 = arith.constant 2 : i32
            %scan3A_654 = arith.addi %scan3A_550, %scan3A_653 : i32
            %mul3A_655 = arith.constant 8 : i32
            %mul3A_656 = arith.muli %scan3A_654, %mul3A_655 : i32
            %add3A_657 = arith.addi %mul3A_656, %mul3A_91 : i32
            %add3A_658 = arith.constant 0 : i32
            %add3A_659 = arith.addi %add3A_657, %add3A_658 : i32
            %get3A_660 = arith.index_cast %add3A_659 : i32 to index
            %get3A_661 = arith.index_cast %mul3A_93 : i32 to index
            %get3A_662 = tpu.vector_load %arg5[%get3A_660, %get3A_661] {strides = array<i32>} : memref<736x128xf32, #tpu.memory_space<vmem>>, vector<1x16xf32>,
            %get3A_663 = vector.shape_cast %get3A_662 : vector<1x16xf32> to vector<16xf32>
            %sub3A_664 = arith.subf %get3A_663, %max3A : vector<16xf32>
            %exp3A_665 = math.exp %sub3A_664 : vector<16xf32>
            %add3A_666 = arith.addf %add3A_616, %exp3A_665 : vector<16xf32>
            %mul3A_667 = arith.constant 8 : i32
            %mul3A_668 = arith.muli %scan3A_654, %mul3A_667 : i32
            %add3A_669 = arith.addi %mul3A_668, %mul3A_91 : i32
            %add3A_670 = arith.constant 1 : i32
            %add3A_671 = arith.addi %add3A_669, %add3A_670 : i32
            %get3A_672 = arith.index_cast %add3A_671 : i32 to index
            %get3A_673 = arith.index_cast %mul3A_93 : i32 to index
            %get3A_674 = tpu.vector_load %arg5[%get3A_672, %get3A_673] {strides = array<i32>} : memref<736x128xf32, #tpu.memory_space<vmem>>, vector<1x16xf32>,
            %get3A_675 = vector.shape_cast %get3A_674 : vector<1x16xf32> to vector<16xf32>
            %sub3A_676 = arith.subf %get3A_675, %max3A_451 : vector<16xf32>
            %exp3A_677 = math.exp %sub3A_676 : vector<16xf32>
            %add3A_678 = arith.addf %add3A_628, %exp3A_677 : vector<16xf32>
            %mul3A_679 = arith.constant 8 : i32
            %mul3A_680 = arith.muli %scan3A_654, %mul3A_679 : i32
            %add3A_681 = arith.addi %mul3A_680, %mul3A_91 : i32
            %add3A_682 = arith.constant 2 : i32
            %add3A_683 = arith.addi %add3A_681, %add3A_682 : i32
            %get3A_684 = arith.index_cast %add3A_683 : i32 to index
            %get3A_685 = arith.index_cast %mul3A_93 : i32 to index
            %get3A_686 = tpu.vector_load %arg5[%get3A_684, %get3A_685] {strides = array<i32>} : memref<736x128xf32, #tpu.memory_space<vmem>>, vector<1x16xf32>,
            %get3A_687 = vector.shape_cast %get3A_686 : vector<1x16xf32> to vector<16xf32>
            %sub3A_688 = arith.subf %get3A_687, %max3A_460 : vector<16xf32>
            %exp3A_689 = math.exp %sub3A_688 : vector<16xf32>
            %add3A_690 = arith.addf %add3A_640, %exp3A_689 : vector<16xf32>
            %mul3A_691 = arith.constant 8 : i32
            %mul3A_692 = arith.muli %scan3A_654, %mul3A_691 : i32
            %add3A_693 = arith.addi %mul3A_692, %mul3A_91 : i32
            %add3A_694 = arith.constant 3 : i32
            %add3A_695 = arith.addi %add3A_693, %add3A_694 : i32
            %get3A_696 = arith.index_cast %add3A_695 : i32 to index
            %get3A_697 = arith.index_cast %mul3A_93 : i32 to index
            %get3A_698 = tpu.vector_load %arg5[%get3A_696, %get3A_697] {strides = array<i32>} : memref<736x128xf32, #tpu.memory_space<vmem>>, vector<1x16xf32>,
            %get3A_699 = vector.shape_cast %get3A_698 : vector<1x16xf32> to vector<16xf32>
            %sub3A_700 = arith.subf %get3A_699, %max3A_469 : vector<16xf32>
            %exp3A_701 = math.exp %sub3A_700 : vector<16xf32>
            %add3A_702 = arith.addf %add3A_652, %exp3A_701 : vector<16xf32>
            %scan3A_703 = arith.constant 3 : i32
            %scan3A_704 = arith.addi %scan3A_550, %scan3A_703 : i32
            %mul3A_705 = arith.constant 8 : i32
            %mul3A_706 = arith.muli %scan3A_704, %mul3A_705 : i32
            %add3A_707 = arith.addi %mul3A_706, %mul3A_91 : i32
            %add3A_708 = arith.constant 0 : i32
            %add3A_709 = arith.addi %add3A_707, %add3A_708 : i32
            %get3A_710 = arith.index_cast %add3A_709 : i32 to index
            %get3A_711 = arith.index_cast %mul3A_93 : i32 to index
            %get3A_712 = tpu.vector_load %arg5[%get3A_710, %get3A_711] {strides = array<i32>} : memref<736x128xf32, #tpu.memory_space<vmem>>, vector<1x16xf32>,
            %get3A_713 = vector.shape_cast %get3A_712 : vector<1x16xf32> to vector<16xf32>
            %sub3A_714 = arith.subf %get3A_713, %max3A : vector<16xf32>
            %exp3A_715 = math.exp %sub3A_714 : vector<16xf32>
            %add3A_716 = arith.addf %add3A_666, %exp3A_715 : vector<16xf32>
            %mul3A_717 = arith.constant 8 : i32
            %mul3A_718 = arith.muli %scan3A_704, %mul3A_717 : i32
            %add3A_719 = arith.addi %mul3A_718, %mul3A_91 : i32
            %add3A_720 = arith.constant 1 : i32
            %add3A_721 = arith.addi %add3A_719, %add3A_720 : i32
            %get3A_722 = arith.index_cast %add3A_721 : i32 to index
            %get3A_723 = arith.index_cast %mul3A_93 : i32 to index
            %get3A_724 = tpu.vector_load %arg5[%get3A_722, %get3A_723] {strides = array<i32>} : memref<736x128xf32, #tpu.memory_space<vmem>>, vector<1x16xf32>,
            %get3A_725 = vector.shape_cast %get3A_724 : vector<1x16xf32> to vector<16xf32>
            %sub3A_726 = arith.subf %get3A_725, %max3A_451 : vector<16xf32>
            %exp3A_727 = math.exp %sub3A_726 : vector<16xf32>
            %add3A_728 = arith.addf %add3A_678, %exp3A_727 : vector<16xf32>
            %mul3A_729 = arith.constant 8 : i32
            %mul3A_730 = arith.muli %scan3A_704, %mul3A_729 : i32
            %add3A_731 = arith.addi %mul3A_730, %mul3A_91 : i32
            %add3A_732 = arith.constant 2 : i32
            %add3A_733 = arith.addi %add3A_731, %add3A_732 : i32
            %get3A_734 = arith.index_cast %add3A_733 : i32 to index
            %get3A_735 = arith.index_cast %mul3A_93 : i32 to index
            %get3A_736 = tpu.vector_load %arg5[%get3A_734, %get3A_735] {strides = array<i32>} : memref<736x128xf32, #tpu.memory_space<vmem>>, vector<1x16xf32>,
            %get3A_737 = vector.shape_cast %get3A_736 : vector<1x16xf32> to vector<16xf32>
            %sub3A_738 = arith.subf %get3A_737, %max3A_460 : vector<16xf32>
            %exp3A_739 = math.exp %sub3A_738 : vector<16xf32>
            %add3A_740 = arith.addf %add3A_690, %exp3A_739 : vector<16xf32>
            %mul3A_741 = arith.constant 8 : i32
            %mul3A_742 = arith.muli %scan3A_704, %mul3A_741 : i32
            %add3A_743 = arith.addi %mul3A_742, %mul3A_91 : i32
            %add3A_744 = arith.constant 3 : i32
            %add3A_745 = arith.addi %add3A_743, %add3A_744 : i32
            %get3A_746 = arith.index_cast %add3A_745 : i32 to index
            %get3A_747 = arith.index_cast %mul3A_93 : i32 to index
            %get3A_748 = tpu.vector_load %arg5[%get3A_746, %get3A_747] {strides = array<i32>} : memref<736x128xf32, #tpu.memory_space<vmem>>, vector<1x16xf32>,
            %get3A_749 = vector.shape_cast %get3A_748 : vector<1x16xf32> to vector<16xf32>
            %sub3A_750 = arith.subf %get3A_749, %max3A_469 : vector<16xf32>
            %exp3A_751 = math.exp %sub3A_750 : vector<16xf32>
            %add3A_752 = arith.addf %add3A_702, %exp3A_751 : vector<16xf32>
            scf.yield %add3A_716, %add3A_728, %add3A_740, %add3A_752 : vector<16xf32>, vector<16xf32>, vector<16xf32>, vector<16xf32>
          }
          %scan3A_483 = arith.constant 92 : i32
          %sub3A_484 = arith.subf %select_n3A_396, %max3A : vector<16xf32>
          %exp3A = math.exp %sub3A_484 : vector<16xf32>
          %div3A_485 = arith.divf %exp3A, %scan3A_482#0 : vector<16xf32>
          %add3A_486 = arith.constant 0 : i32
          %add3A_487 = arith.addi %mul3A_91, %add3A_486 : i32
          %swap3A = arith.index_cast %add3A_487 : i32 to index
          %swap3A_488 = arith.index_cast %mul3A_93 : i32 to index
          %swap3A_489 = tpu.vector_load %arg6[%swap3A, %swap3A_488] {strides = array<i32>} : memref<8x128xf32, #tpu.memory_space<vmem>>, vector<1x16xf32>,
          %swap3A_490 = vector.shape_cast %swap3A_489 : vector<1x16xf32> to vector<16xf32>
          %swap3A_491 = vector.shape_cast %div3A_485 : vector<16xf32> to vector<1x16xf32>
          tpu.vector_store %arg6[%swap3A, %swap3A_488], %swap3A_491 {strides = array<i32>} : memref<8x128xf32, #tpu.memory_space<vmem>>, vector<1x16xf32>,
          %add3A_492 = arith.constant 0 : i32
          %add3A_493 = arith.addi %mul3A_91, %add3A_492 : i32
          %swap3A_494 = arith.index_cast %add3A_493 : i32 to index
          %swap3A_495 = arith.index_cast %mul3A_93 : i32 to index
          %swap3A_496 = tpu.vector_load %arg7[%swap3A_494, %swap3A_495] {strides = array<i32>} : memref<8x128xi32, #tpu.memory_space<vmem>>, vector<1x16xi32>,
          %swap3A_497 = vector.shape_cast %swap3A_496 : vector<1x16xi32> to vector<16xi32>
          %swap3A_498 = vector.shape_cast %select_n3A_397 : vector<16xi32> to vector<1x16xi32>
          tpu.vector_store %arg7[%swap3A_494, %swap3A_495], %swap3A_498 {strides = array<i32>} : memref<8x128xi32, #tpu.memory_space<vmem>>, vector<1x16xi32>,
          %sub3A_499 = arith.subf %select_n3A_408, %max3A_451 : vector<16xf32>
          %exp3A_500 = math.exp %sub3A_499 : vector<16xf32>
          %div3A_501 = arith.divf %exp3A_500, %scan3A_482#1 : vector<16xf32>
          %add3A_502 = arith.constant 1 : i32
          %add3A_503 = arith.addi %mul3A_91, %add3A_502 : i32
          %swap3A_504 = arith.index_cast %add3A_503 : i32 to index
          %swap3A_505 = arith.index_cast %mul3A_93 : i32 to index
          %swap3A_506 = tpu.vector_load %arg6[%swap3A_504, %swap3A_505] {strides = array<i32>} : memref<8x128xf32, #tpu.memory_space<vmem>>, vector<1x16xf32>,
          %swap3A_507 = vector.shape_cast %swap3A_506 : vector<1x16xf32> to vector<16xf32>
          %swap3A_508 = vector.shape_cast %div3A_501 : vector<16xf32> to vector<1x16xf32>
          tpu.vector_store %arg6[%swap3A_504, %swap3A_505], %swap3A_508 {strides = array<i32>} : memref<8x128xf32, #tpu.memory_space<vmem>>, vector<1x16xf32>,
          %add3A_509 = arith.constant 1 : i32
          %add3A_510 = arith.addi %mul3A_91, %add3A_509 : i32
          %swap3A_511 = arith.index_cast %add3A_510 : i32 to index
          %swap3A_512 = arith.index_cast %mul3A_93 : i32 to index
          %swap3A_513 = tpu.vector_load %arg7[%swap3A_511, %swap3A_512] {strides = array<i32>} : memref<8x128xi32, #tpu.memory_space<vmem>>, vector<1x16xi32>,
          %swap3A_514 = vector.shape_cast %swap3A_513 : vector<1x16xi32> to vector<16xi32>
          %swap3A_515 = vector.shape_cast %select_n3A_409 : vector<16xi32> to vector<1x16xi32>
          tpu.vector_store %arg7[%swap3A_511, %swap3A_512], %swap3A_515 {strides = array<i32>} : memref<8x128xi32, #tpu.memory_space<vmem>>, vector<1x16xi32>,
          %sub3A_516 = arith.subf %select_n3A_420, %max3A_460 : vector<16xf32>
          %exp3A_517 = math.exp %sub3A_516 : vector<16xf32>
          %div3A_518 = arith.divf %exp3A_517, %scan3A_482#2 : vector<16xf32>
          %add3A_519 = arith.constant 2 : i32
          %add3A_520 = arith.addi %mul3A_91, %add3A_519 : i32
          %swap3A_521 = arith.index_cast %add3A_520 : i32 to index
          %swap3A_522 = arith.index_cast %mul3A_93 : i32 to index
          %swap3A_523 = tpu.vector_load %arg6[%swap3A_521, %swap3A_522] {strides = array<i32>} : memref<8x128xf32, #tpu.memory_space<vmem>>, vector<1x16xf32>,
          %swap3A_524 = vector.shape_cast %swap3A_523 : vector<1x16xf32> to vector<16xf32>
          %swap3A_525 = vector.shape_cast %div3A_518 : vector<16xf32> to vector<1x16xf32>
          tpu.vector_store %arg6[%swap3A_521, %swap3A_522], %swap3A_525 {strides = array<i32>} : memref<8x128xf32, #tpu.memory_space<vmem>>, vector<1x16xf32>,
          %add3A_526 = arith.constant 2 : i32
          %add3A_527 = arith.addi %mul3A_91, %add3A_526 : i32
          %swap3A_528 = arith.index_cast %add3A_527 : i32 to index
          %swap3A_529 = arith.index_cast %mul3A_93 : i32 to index
          %swap3A_530 = tpu.vector_load %arg7[%swap3A_528, %swap3A_529] {strides = array<i32>} : memref<8x128xi32, #tpu.memory_space<vmem>>, vector<1x16xi32>,
          %swap3A_531 = vector.shape_cast %swap3A_530 : vector<1x16xi32> to vector<16xi32>
          %swap3A_532 = vector.shape_cast %select_n3A_421 : vector<16xi32> to vector<1x16xi32>
          tpu.vector_store %arg7[%swap3A_528, %swap3A_529], %swap3A_532 {strides = array<i32>} : memref<8x128xi32, #tpu.memory_space<vmem>>, vector<1x16xi32>,
          %sub3A_533 = arith.subf %select_n3A_432, %max3A_469 : vector<16xf32>
          %exp3A_534 = math.exp %sub3A_533 : vector<16xf32>
          %div3A_535 = arith.divf %exp3A_534, %scan3A_482#3 : vector<16xf32>
          %add3A_536 = arith.constant 3 : i32
          %add3A_537 = arith.addi %mul3A_91, %add3A_536 : i32
          %swap3A_538 = arith.index_cast %add3A_537 : i32 to index
          %swap3A_539 = arith.index_cast %mul3A_93 : i32 to index
          %swap3A_540 = tpu.vector_load %arg6[%swap3A_538, %swap3A_539] {strides = array<i32>} : memref<8x128xf32, #tpu.memory_space<vmem>>, vector<1x16xf32>,
          %swap3A_541 = vector.shape_cast %swap3A_540 : vector<1x16xf32> to vector<16xf32>
          %swap3A_542 = vector.shape_cast %div3A_535 : vector<16xf32> to vector<1x16xf32>
          tpu.vector_store %arg6[%swap3A_538, %swap3A_539], %swap3A_542 {strides = array<i32>} : memref<8x128xf32, #tpu.memory_space<vmem>>, vector<1x16xf32>,
          %add3A_543 = arith.constant 3 : i32
          %add3A_544 = arith.addi %mul3A_91, %add3A_543 : i32
          %swap3A_545 = arith.index_cast %add3A_544 : i32 to index
          %swap3A_546 = arith.index_cast %mul3A_93 : i32 to index
          %swap3A_547 = tpu.vector_load %arg7[%swap3A_545, %swap3A_546] {strides = array<i32>} : memref<8x128xi32, #tpu.memory_space<vmem>>, vector<1x16xi32>,
          %swap3A_548 = vector.shape_cast %swap3A_547 : vector<1x16xi32> to vector<16xi32>
          %swap3A_549 = vector.shape_cast %select_n3A_433 : vector<16xi32> to vector<1x16xi32>
          tpu.vector_store %arg7[%swap3A_545, %swap3A_546], %swap3A_549 {strides = array<i32>} : memref<8x128xi32, #tpu.memory_space<vmem>>, vector<1x16xi32>,
        }
        %scan3A_25 = arith.constant 16 : i32
        %dma_start3A_26 = arith.constant 0 : i32
        %dma_start3A_27 = arith.constant 0 : i32
        %dma_start3A_28 = tpu.memref_slice %arg3[%add3A_9, %dma_start3A_26, %dma_start3A_27] : memref<64x8x128xf32, #tpu.memory_space<hbm>> -> memref<1x8x128xf32, #tpu.memory_space<hbm>>
        %dma_start3A_29 = tpu.memref_squeeze %dma_start3A_28 : memref<1x8x128xf32, #tpu.memory_space<hbm>> -> memref<8x128xf32, #tpu.memory_space<hbm>>
        %dma_start3A_30 = arith.constant 0 : i32
        %dma_start3A_31 = arith.constant 0 : i32
        %dma_start3A_32 = tpu.memref_slice %arg3[%add3A_9, %dma_start3A_30, %dma_start3A_31] : memref<64x8x128xf32, #tpu.memory_space<hbm>> -> memref<1x8x128xf32, #tpu.memory_space<hbm>>
        %dma_start3A_33 = tpu.memref_squeeze %dma_start3A_32 : memref<1x8x128xf32, #tpu.memory_space<hbm>> -> memref<8x128xf32, #tpu.memory_space<hbm>>
        tpu.enqueue_dma source(%arg6 : memref<8x128xf32, #tpu.memory_space<vmem>>) target(%dma_start3A_33 : memref<8x128xf32, #tpu.memory_space<hbm>>) target_semaphore(%arg9 : memref<!tpu.dma_semaphore, #tpu.memory_space<semaphore_mem>>)
        %dma_wait3A_34 = arith.constant 0 : i32
        %dma_wait3A_35 = arith.constant 0 : i32
        %dma_wait3A_36 = tpu.memref_slice %arg3[%add3A_9, %dma_wait3A_34, %dma_wait3A_35] : memref<64x8x128xf32, #tpu.memory_space<hbm>> -> memref<1x8x128xf32, #tpu.memory_space<hbm>>
        %dma_wait3A_37 = tpu.memref_squeeze %dma_wait3A_36 : memref<1x8x128xf32, #tpu.memory_space<hbm>> -> memref<8x128xf32, #tpu.memory_space<hbm>>
        %dma_wait3A_38 = arith.constant 0 : i32
        %dma_wait3A_39 = arith.constant 0 : i32
        %dma_wait3A_40 = tpu.memref_slice %arg3[%add3A_9, %dma_wait3A_38, %dma_wait3A_39] : memref<64x8x128xf32, #tpu.memory_space<hbm>> -> memref<1x8x128xf32, #tpu.memory_space<hbm>>
        %dma_wait3A_41 = tpu.memref_squeeze %dma_wait3A_40 : memref<1x8x128xf32, #tpu.memory_space<hbm>> -> memref<8x128xf32, #tpu.memory_space<hbm>>
        tpu.wait_dma2 semaphore(%arg9 : memref<!tpu.dma_semaphore, #tpu.memory_space<semaphore_mem>>) src(%arg6 : memref<8x128xf32, #tpu.memory_space<vmem>>) dst(%dma_wait3A_41 : memref<8x128xf32, #tpu.memory_space<hbm>>)
        %dma_start3A_42 = arith.constant 0 : i32
        %dma_start3A_43 = arith.constant 0 : i32
        %dma_start3A_44 = tpu.memref_slice %arg4[%add3A_9, %dma_start3A_42, %dma_start3A_43] : memref<64x8x128xi32, #tpu.memory_space<hbm>> -> memref<1x8x128xi32, #tpu.memory_space<hbm>>
        %dma_start3A_45 = tpu.memref_squeeze %dma_start3A_44 : memref<1x8x128xi32, #tpu.memory_space<hbm>> -> memref<8x128xi32, #tpu.memory_space<hbm>>
        %dma_start3A_46 = arith.constant 0 : i32
        %dma_start3A_47 = arith.constant 0 : i32
        %dma_start3A_48 = tpu.memref_slice %arg4[%add3A_9, %dma_start3A_46, %dma_start3A_47] : memref<64x8x128xi32, #tpu.memory_space<hbm>> -> memref<1x8x128xi32, #tpu.memory_space<hbm>>
        %dma_start3A_49 = tpu.memref_squeeze %dma_start3A_48 : memref<1x8x128xi32, #tpu.memory_space<hbm>> -> memref<8x128xi32, #tpu.memory_space<hbm>>
        tpu.enqueue_dma source(%arg7 : memref<8x128xi32, #tpu.memory_space<vmem>>) target(%dma_start3A_49 : memref<8x128xi32, #tpu.memory_space<hbm>>) target_semaphore(%arg9 : memref<!tpu.dma_semaphore, #tpu.memory_space<semaphore_mem>>)
        %dma_wait3A_50 = arith.constant 0 : i32
        %dma_wait3A_51 = arith.constant 0 : i32
        %dma_wait3A_52 = tpu.memref_slice %arg4[%add3A_9, %dma_wait3A_50, %dma_wait3A_51] : memref<64x8x128xi32, #tpu.memory_space<hbm>> -> memref<1x8x128xi32, #tpu.memory_space<hbm>>
        %dma_wait3A_53 = tpu.memref_squeeze %dma_wait3A_52 : memref<1x8x128xi32, #tpu.memory_space<hbm>> -> memref<8x128xi32, #tpu.memory_space<hbm>>
        %dma_wait3A_54 = arith.constant 0 : i32
        %dma_wait3A_55 = arith.constant 0 : i32
        %dma_wait3A_56 = tpu.memref_slice %arg4[%add3A_9, %dma_wait3A_54, %dma_wait3A_55] : memref<64x8x128xi32, #tpu.memory_space<hbm>> -> memref<1x8x128xi32, #tpu.memory_space<hbm>>
        %dma_wait3A_57 = tpu.memref_squeeze %dma_wait3A_56 : memref<1x8x128xi32, #tpu.memory_space<hbm>> -> memref<8x128xi32, #tpu.memory_space<hbm>>
        tpu.wait_dma2 semaphore(%arg9 : memref<!tpu.dma_semaphore, #tpu.memory_space<semaphore_mem>>) src(%arg7 : memref<8x128xi32, #tpu.memory_space<vmem>>) dst(%dma_wait3A_57 : memref<8x128xi32, #tpu.memory_space<hbm>>)
      } else {
      }
    }
    %scan3A_5 = arith.constant 2 : i32
    return
  }
}

module attributes {stable_mosaic.version = 14 : i64} {
  func.func @_tc_boxes_body(%arg0: i32, %arg1: memref<8x4xf32, #tpu.memory_space<vmem>>, %arg2: memref<8x4x2048xf32, #tpu.memory_space<vmem>>, %arg3: memref<8x4x2048xf32, #tpu.memory_space<vmem>>, %arg4: memref<8x2048xf32, #tpu.memory_space<vmem>>) attributes {dimension_semantics = [#tpu.dimension_semantics<arbitrary>], iteration_bounds = array<i64: 10>, scalar_prefetch = 0 : i64, scratch_operands = 0 : i64, tpu.core_type = #tpu.core_type<tc>, window_params = [{pipeline_mode = #tpu.pipeline_mode<synchronous>, transform_indices = @transform_0, window_bounds = array<i64: 8, 4>}, {transform_indices = @transform_1, window_bounds = array<i64: 8, 4, 2048>}, {transform_indices = @transform_2, window_bounds = array<i64: 8, 4, 2048>}, {transform_indices = @transform_3, window_bounds = array<i64: 8, 2048>}]} {
    %get3A = arith.constant 0 : index
    %get3A_0 = arith.constant 0 : index
    %get3A_1 = vector.load %arg1[%get3A, %get3A_0] : memref<8x4xf32, #tpu.memory_space<vmem>>, vector<8x1xf32>
    %get3A_2 = arith.constant 0 : index
    %get3A_3 = arith.constant 1 : index
    %get3A_4 = vector.load %arg1[%get3A_2, %get3A_3] : memref<8x4xf32, #tpu.memory_space<vmem>>, vector<8x1xf32>
    %get3A_5 = arith.constant 0 : index
    %get3A_6 = arith.constant 0 : index
    %get3A_7 = arith.constant 0 : index
    %get3A_8 = vector.load %arg2[%get3A_5, %get3A_6, %get3A_7] : memref<8x4x2048xf32, #tpu.memory_space<vmem>>, vector<8x1x2048xf32>
    %get3A_9 = vector.shape_cast %get3A_8 : vector<8x1x2048xf32> to vector<8x2048xf32>
    %get3A_10 = arith.constant 0 : index
    %get3A_11 = arith.constant 1 : index
    %get3A_12 = arith.constant 0 : index
    %get3A_13 = vector.load %arg2[%get3A_10, %get3A_11, %get3A_12] : memref<8x4x2048xf32, #tpu.memory_space<vmem>>, vector<8x1x2048xf32>
    %get3A_14 = vector.shape_cast %get3A_13 : vector<8x1x2048xf32> to vector<8x2048xf32>
    %get3A_15 = arith.constant 0 : index
    %get3A_16 = arith.constant 2 : index
    %get3A_17 = arith.constant 0 : index
    %get3A_18 = vector.load %arg2[%get3A_15, %get3A_16, %get3A_17] : memref<8x4x2048xf32, #tpu.memory_space<vmem>>, vector<8x1x2048xf32>
    %get3A_19 = vector.shape_cast %get3A_18 : vector<8x1x2048xf32> to vector<8x2048xf32>
    %mul3A = arith.constant 5.000000e-01 : f32
    %mul3A_20 = vector.broadcast %mul3A : f32 to vector<8x2048xf32>
    %mul3A_21 = arith.mulf %mul3A_20, %get3A_19 : vector<8x2048xf32>
    %get3A_22 = arith.constant 0 : index
    %get3A_23 = arith.constant 3 : index
    %get3A_24 = arith.constant 0 : index
    %get3A_25 = vector.load %arg2[%get3A_22, %get3A_23, %get3A_24] : memref<8x4x2048xf32, #tpu.memory_space<vmem>>, vector<8x1x2048xf32>
    %get3A_26 = vector.shape_cast %get3A_25 : vector<8x1x2048xf32> to vector<8x2048xf32>
    %mul3A_27 = arith.constant 5.000000e-01 : f32
    %mul3A_28 = vector.broadcast %mul3A_27 : f32 to vector<8x2048xf32>
    %mul3A_29 = arith.mulf %mul3A_28, %get3A_26 : vector<8x2048xf32>
    %sub3A = arith.subf %get3A_9, %mul3A_21 : vector<8x2048xf32>
    %mul3A_30 = vector.broadcast %get3A_1 : vector<8x1xf32> to vector<8x2048xf32>
    %mul3A_31 = arith.mulf %sub3A, %mul3A_30 : vector<8x2048xf32>
    %swap3A = arith.constant 0 : index
    %swap3A_32 = arith.constant 0 : index
    %swap3A_33 = arith.constant 0 : index
    %swap3A_34 = vector.load %arg3[%swap3A, %swap3A_32, %swap3A_33] : memref<8x4x2048xf32, #tpu.memory_space<vmem>>, vector<8x1x2048xf32>
    %swap3A_35 = vector.shape_cast %swap3A_34 : vector<8x1x2048xf32> to vector<8x2048xf32>
    %swap3A_36 = vector.shape_cast %mul3A_31 : vector<8x2048xf32> to vector<8x1x2048xf32>
    tpu.vector_store %arg3[%swap3A, %swap3A_32, %swap3A_33], %swap3A_36 {strides = array<i32>} : memref<8x4x2048xf32, #tpu.memory_space<vmem>>, vector<8x1x2048xf32>,
    %sub3A_37 = arith.subf %get3A_14, %mul3A_29 : vector<8x2048xf32>
    %mul3A_38 = vector.broadcast %get3A_4 : vector<8x1xf32> to vector<8x2048xf32>
    %mul3A_39 = arith.mulf %sub3A_37, %mul3A_38 : vector<8x2048xf32>
    %swap3A_40 = arith.constant 0 : index
    %swap3A_41 = arith.constant 1 : index
    %swap3A_42 = arith.constant 0 : index
    %swap3A_43 = vector.load %arg3[%swap3A_40, %swap3A_41, %swap3A_42] : memref<8x4x2048xf32, #tpu.memory_space<vmem>>, vector<8x1x2048xf32>
    %swap3A_44 = vector.shape_cast %swap3A_43 : vector<8x1x2048xf32> to vector<8x2048xf32>
    %swap3A_45 = vector.shape_cast %mul3A_39 : vector<8x2048xf32> to vector<8x1x2048xf32>
    tpu.vector_store %arg3[%swap3A_40, %swap3A_41, %swap3A_42], %swap3A_45 {strides = array<i32>} : memref<8x4x2048xf32, #tpu.memory_space<vmem>>, vector<8x1x2048xf32>,
    %add3A = arith.addf %get3A_9, %mul3A_21 : vector<8x2048xf32>
    %mul3A_46 = vector.broadcast %get3A_1 : vector<8x1xf32> to vector<8x2048xf32>
    %mul3A_47 = arith.mulf %add3A, %mul3A_46 : vector<8x2048xf32>
    %swap3A_48 = arith.constant 0 : index
    %swap3A_49 = arith.constant 2 : index
    %swap3A_50 = arith.constant 0 : index
    %swap3A_51 = vector.load %arg3[%swap3A_48, %swap3A_49, %swap3A_50] : memref<8x4x2048xf32, #tpu.memory_space<vmem>>, vector<8x1x2048xf32>
    %swap3A_52 = vector.shape_cast %swap3A_51 : vector<8x1x2048xf32> to vector<8x2048xf32>
    %swap3A_53 = vector.shape_cast %mul3A_47 : vector<8x2048xf32> to vector<8x1x2048xf32>
    tpu.vector_store %arg3[%swap3A_48, %swap3A_49, %swap3A_50], %swap3A_53 {strides = array<i32>} : memref<8x4x2048xf32, #tpu.memory_space<vmem>>, vector<8x1x2048xf32>,
    %add3A_54 = arith.addf %get3A_14, %mul3A_29 : vector<8x2048xf32>
    %mul3A_55 = vector.broadcast %get3A_4 : vector<8x1xf32> to vector<8x2048xf32>
    %mul3A_56 = arith.mulf %add3A_54, %mul3A_55 : vector<8x2048xf32>
    %swap3A_57 = arith.constant 0 : index
    %swap3A_58 = arith.constant 3 : index
    %swap3A_59 = arith.constant 0 : index
    %swap3A_60 = vector.load %arg3[%swap3A_57, %swap3A_58, %swap3A_59] : memref<8x4x2048xf32, #tpu.memory_space<vmem>>, vector<8x1x2048xf32>
    %swap3A_61 = vector.shape_cast %swap3A_60 : vector<8x1x2048xf32> to vector<8x2048xf32>
    %swap3A_62 = vector.shape_cast %mul3A_56 : vector<8x2048xf32> to vector<8x1x2048xf32>
    tpu.vector_store %arg3[%swap3A_57, %swap3A_58, %swap3A_59], %swap3A_62 {strides = array<i32>} : memref<8x4x2048xf32, #tpu.memory_space<vmem>>, vector<8x1x2048xf32>,
    %mul3A_63 = arith.constant 2048 : i32
    %mul3A_64 = arith.muli %arg0, %mul3A_63 : i32
    %iota3A = tpu.iota {dimensions = array<i32: 1>} : vector<8x2048xi32>
    %add3A_65 = vector.broadcast %mul3A_64 : i32 to vector<8x2048xi32>
    %add3A_66 = arith.addi %add3A_65, %iota3A : vector<8x2048xi32>
    %convert_element_type3A = arith.sitofp %add3A_66 : vector<8x2048xi32> to vector<8x2048xf32>
    %swap3A_67 = arith.constant 0 : index
    %swap3A_68 = arith.constant 0 : index
    %swap3A_69 = vector.load %arg4[%swap3A_67, %swap3A_68] : memref<8x2048xf32, #tpu.memory_space<vmem>>, vector<8x2048xf32>
    tpu.vector_store %arg4[%swap3A_67, %swap3A_68], %convert_element_type3A {strides = array<i32>} : memref<8x2048xf32, #tpu.memory_space<vmem>>, vector<8x2048xf32>,
    return
  }
  func.func @transform_0(%arg0: i32) -> (i32, i32) {
    %c0_i32 = arith.constant 0 : i32
    %c0_i32_0 = arith.constant 0 : i32
    %c0_i32_1 = arith.constant 0 : i32
    return %c0_i32, %c0_i32_0 : i32, i32
  }
  func.func @transform_1(%arg0: i32) -> (i32, i32, i32) {
    %c0_i32 = arith.constant 0 : i32
    %c0_i32_0 = arith.constant 0 : i32
    %c0_i32_1 = arith.constant 0 : i32
    return %c0_i32, %c0_i32_0, %arg0 : i32, i32, i32
  }
  func.func @transform_2(%arg0: i32) -> (i32, i32, i32) {
    %c0_i32 = arith.constant 0 : i32
    %c0_i32_0 = arith.constant 0 : i32
    %c0_i32_1 = arith.constant 0 : i32
    return %c0_i32, %c0_i32_0, %arg0 : i32, i32, i32
  }
  func.func @transform_3(%arg0: i32) -> (i32, i32) {
    %c0_i32 = arith.constant 0 : i32
    %c0_i32_0 = arith.constant 0 : i32
    return %c0_i32, %arg0 : i32, i32
  }
}

module attributes {stable_mosaic.version = 14 : i64} {
  func.func @_tc_scores_body(%arg0: i32, %arg1: memref<92x8x2048xf32, #tpu.memory_space<vmem>>, %arg2: memref<8x2048xf32, #tpu.memory_space<vmem>>, %arg3: memref<8x2048xi32, #tpu.memory_space<vmem>>) attributes {dimension_semantics = [#tpu.dimension_semantics<arbitrary>], iteration_bounds = array<i64: 6>, scalar_prefetch = 0 : i64, scratch_operands = 0 : i64, tpu.core_type = #tpu.core_type<tc>, window_params = [{transform_indices = @transform_0, window_bounds = array<i64: 92, 8, 2048>}, {transform_indices = @transform_1, window_bounds = array<i64: 8, 2048>}, {transform_indices = @transform_2, window_bounds = array<i64: 8, 2048>}]} {
    %get3A = arith.constant 0 : index
    %get3A_0 = arith.constant 0 : index
    %get3A_1 = arith.constant 0 : index
    %get3A_2 = vector.load %arg1[%get3A, %get3A_0, %get3A_1] : memref<92x8x2048xf32, #tpu.memory_space<vmem>>, vector<1x8x2048xf32>
    %get3A_3 = vector.shape_cast %get3A_2 : vector<1x8x2048xf32> to vector<8x2048xf32>
    %broadcast_in_dim3A = arith.constant 0 : i32
    %broadcast_in_dim3A_4 = vector.broadcast %broadcast_in_dim3A : i32 to vector<8x2048xi32>
    %get3A_5 = arith.constant 1 : index
    %get3A_6 = arith.constant 0 : index
    %get3A_7 = arith.constant 0 : index
    %get3A_8 = vector.load %arg1[%get3A_5, %get3A_6, %get3A_7] : memref<92x8x2048xf32, #tpu.memory_space<vmem>>, vector<1x8x2048xf32>
    %get3A_9 = vector.shape_cast %get3A_8 : vector<1x8x2048xf32> to vector<8x2048xf32>
    %gt3A = arith.cmpf ogt, %get3A_9, %get3A_3 : vector<8x2048xf32>
    %select_n3A = arith.select %gt3A, %get3A_9, %get3A_3 : vector<8x2048xi1>, vector<8x2048xf32>
    %jit3A = arith.constant 1 : i32
    %broadcast_in_dim3A_10 = vector.broadcast %jit3A : i32 to vector<8x2048xi32>
    %select_n3A_11 = arith.select %gt3A, %broadcast_in_dim3A_10, %broadcast_in_dim3A_4 : vector<8x2048xi1>, vector<8x2048xi32>
    %get3A_12 = arith.constant 2 : index
    %get3A_13 = arith.constant 0 : index
    %get3A_14 = arith.constant 0 : index
    %get3A_15 = vector.load %arg1[%get3A_12, %get3A_13, %get3A_14] : memref<92x8x2048xf32, #tpu.memory_space<vmem>>, vector<1x8x2048xf32>
    %get3A_16 = vector.shape_cast %get3A_15 : vector<1x8x2048xf32> to vector<8x2048xf32>
    %gt3A_17 = arith.cmpf ogt, %get3A_16, %select_n3A : vector<8x2048xf32>
    %select_n3A_18 = arith.select %gt3A_17, %get3A_16, %select_n3A : vector<8x2048xi1>, vector<8x2048xf32>
    %jit3A_19 = arith.constant 2 : i32
    %broadcast_in_dim3A_20 = vector.broadcast %jit3A_19 : i32 to vector<8x2048xi32>
    %select_n3A_21 = arith.select %gt3A_17, %broadcast_in_dim3A_20, %select_n3A_11 : vector<8x2048xi1>, vector<8x2048xi32>
    %get3A_22 = arith.constant 3 : index
    %get3A_23 = arith.constant 0 : index
    %get3A_24 = arith.constant 0 : index
    %get3A_25 = vector.load %arg1[%get3A_22, %get3A_23, %get3A_24] : memref<92x8x2048xf32, #tpu.memory_space<vmem>>, vector<1x8x2048xf32>
    %get3A_26 = vector.shape_cast %get3A_25 : vector<1x8x2048xf32> to vector<8x2048xf32>
    %gt3A_27 = arith.cmpf ogt, %get3A_26, %select_n3A_18 : vector<8x2048xf32>
    %select_n3A_28 = arith.select %gt3A_27, %get3A_26, %select_n3A_18 : vector<8x2048xi1>, vector<8x2048xf32>
    %jit3A_29 = arith.constant 3 : i32
    %broadcast_in_dim3A_30 = vector.broadcast %jit3A_29 : i32 to vector<8x2048xi32>
    %select_n3A_31 = arith.select %gt3A_27, %broadcast_in_dim3A_30, %select_n3A_21 : vector<8x2048xi1>, vector<8x2048xi32>
    %get3A_32 = arith.constant 4 : index
    %get3A_33 = arith.constant 0 : index
    %get3A_34 = arith.constant 0 : index
    %get3A_35 = vector.load %arg1[%get3A_32, %get3A_33, %get3A_34] : memref<92x8x2048xf32, #tpu.memory_space<vmem>>, vector<1x8x2048xf32>
    %get3A_36 = vector.shape_cast %get3A_35 : vector<1x8x2048xf32> to vector<8x2048xf32>
    %gt3A_37 = arith.cmpf ogt, %get3A_36, %select_n3A_28 : vector<8x2048xf32>
    %select_n3A_38 = arith.select %gt3A_37, %get3A_36, %select_n3A_28 : vector<8x2048xi1>, vector<8x2048xf32>
    %jit3A_39 = arith.constant 4 : i32
    %broadcast_in_dim3A_40 = vector.broadcast %jit3A_39 : i32 to vector<8x2048xi32>
    %select_n3A_41 = arith.select %gt3A_37, %broadcast_in_dim3A_40, %select_n3A_31 : vector<8x2048xi1>, vector<8x2048xi32>
    %get3A_42 = arith.constant 5 : index
    %get3A_43 = arith.constant 0 : index
    %get3A_44 = arith.constant 0 : index
    %get3A_45 = vector.load %arg1[%get3A_42, %get3A_43, %get3A_44] : memref<92x8x2048xf32, #tpu.memory_space<vmem>>, vector<1x8x2048xf32>
    %get3A_46 = vector.shape_cast %get3A_45 : vector<1x8x2048xf32> to vector<8x2048xf32>
    %gt3A_47 = arith.cmpf ogt, %get3A_46, %select_n3A_38 : vector<8x2048xf32>
    %select_n3A_48 = arith.select %gt3A_47, %get3A_46, %select_n3A_38 : vector<8x2048xi1>, vector<8x2048xf32>
    %jit3A_49 = arith.constant 5 : i32
    %broadcast_in_dim3A_50 = vector.broadcast %jit3A_49 : i32 to vector<8x2048xi32>
    %select_n3A_51 = arith.select %gt3A_47, %broadcast_in_dim3A_50, %select_n3A_41 : vector<8x2048xi1>, vector<8x2048xi32>
    %get3A_52 = arith.constant 6 : index
    %get3A_53 = arith.constant 0 : index
    %get3A_54 = arith.constant 0 : index
    %get3A_55 = vector.load %arg1[%get3A_52, %get3A_53, %get3A_54] : memref<92x8x2048xf32, #tpu.memory_space<vmem>>, vector<1x8x2048xf32>
    %get3A_56 = vector.shape_cast %get3A_55 : vector<1x8x2048xf32> to vector<8x2048xf32>
    %gt3A_57 = arith.cmpf ogt, %get3A_56, %select_n3A_48 : vector<8x2048xf32>
    %select_n3A_58 = arith.select %gt3A_57, %get3A_56, %select_n3A_48 : vector<8x2048xi1>, vector<8x2048xf32>
    %jit3A_59 = arith.constant 6 : i32
    %broadcast_in_dim3A_60 = vector.broadcast %jit3A_59 : i32 to vector<8x2048xi32>
    %select_n3A_61 = arith.select %gt3A_57, %broadcast_in_dim3A_60, %select_n3A_51 : vector<8x2048xi1>, vector<8x2048xi32>
    %get3A_62 = arith.constant 7 : index
    %get3A_63 = arith.constant 0 : index
    %get3A_64 = arith.constant 0 : index
    %get3A_65 = vector.load %arg1[%get3A_62, %get3A_63, %get3A_64] : memref<92x8x2048xf32, #tpu.memory_space<vmem>>, vector<1x8x2048xf32>
    %get3A_66 = vector.shape_cast %get3A_65 : vector<1x8x2048xf32> to vector<8x2048xf32>
    %gt3A_67 = arith.cmpf ogt, %get3A_66, %select_n3A_58 : vector<8x2048xf32>
    %select_n3A_68 = arith.select %gt3A_67, %get3A_66, %select_n3A_58 : vector<8x2048xi1>, vector<8x2048xf32>
    %jit3A_69 = arith.constant 7 : i32
    %broadcast_in_dim3A_70 = vector.broadcast %jit3A_69 : i32 to vector<8x2048xi32>
    %select_n3A_71 = arith.select %gt3A_67, %broadcast_in_dim3A_70, %select_n3A_61 : vector<8x2048xi1>, vector<8x2048xi32>
    %get3A_72 = arith.constant 8 : index
    %get3A_73 = arith.constant 0 : index
    %get3A_74 = arith.constant 0 : index
    %get3A_75 = vector.load %arg1[%get3A_72, %get3A_73, %get3A_74] : memref<92x8x2048xf32, #tpu.memory_space<vmem>>, vector<1x8x2048xf32>
    %get3A_76 = vector.shape_cast %get3A_75 : vector<1x8x2048xf32> to vector<8x2048xf32>
    %gt3A_77 = arith.cmpf ogt, %get3A_76, %select_n3A_68 : vector<8x2048xf32>
    %select_n3A_78 = arith.select %gt3A_77, %get3A_76, %select_n3A_68 : vector<8x2048xi1>, vector<8x2048xf32>
    %jit3A_79 = arith.constant 8 : i32
    %broadcast_in_dim3A_80 = vector.broadcast %jit3A_79 : i32 to vector<8x2048xi32>
    %select_n3A_81 = arith.select %gt3A_77, %broadcast_in_dim3A_80, %select_n3A_71 : vector<8x2048xi1>, vector<8x2048xi32>
    %get3A_82 = arith.constant 9 : index
    %get3A_83 = arith.constant 0 : index
    %get3A_84 = arith.constant 0 : index
    %get3A_85 = vector.load %arg1[%get3A_82, %get3A_83, %get3A_84] : memref<92x8x2048xf32, #tpu.memory_space<vmem>>, vector<1x8x2048xf32>
    %get3A_86 = vector.shape_cast %get3A_85 : vector<1x8x2048xf32> to vector<8x2048xf32>
    %gt3A_87 = arith.cmpf ogt, %get3A_86, %select_n3A_78 : vector<8x2048xf32>
    %select_n3A_88 = arith.select %gt3A_87, %get3A_86, %select_n3A_78 : vector<8x2048xi1>, vector<8x2048xf32>
    %jit3A_89 = arith.constant 9 : i32
    %broadcast_in_dim3A_90 = vector.broadcast %jit3A_89 : i32 to vector<8x2048xi32>
    %select_n3A_91 = arith.select %gt3A_87, %broadcast_in_dim3A_90, %select_n3A_81 : vector<8x2048xi1>, vector<8x2048xi32>
    %get3A_92 = arith.constant 10 : index
    %get3A_93 = arith.constant 0 : index
    %get3A_94 = arith.constant 0 : index
    %get3A_95 = vector.load %arg1[%get3A_92, %get3A_93, %get3A_94] : memref<92x8x2048xf32, #tpu.memory_space<vmem>>, vector<1x8x2048xf32>
    %get3A_96 = vector.shape_cast %get3A_95 : vector<1x8x2048xf32> to vector<8x2048xf32>
    %gt3A_97 = arith.cmpf ogt, %get3A_96, %select_n3A_88 : vector<8x2048xf32>
    %select_n3A_98 = arith.select %gt3A_97, %get3A_96, %select_n3A_88 : vector<8x2048xi1>, vector<8x2048xf32>
    %jit3A_99 = arith.constant 10 : i32
    %broadcast_in_dim3A_100 = vector.broadcast %jit3A_99 : i32 to vector<8x2048xi32>
    %select_n3A_101 = arith.select %gt3A_97, %broadcast_in_dim3A_100, %select_n3A_91 : vector<8x2048xi1>, vector<8x2048xi32>
    %get3A_102 = arith.constant 11 : index
    %get3A_103 = arith.constant 0 : index
    %get3A_104 = arith.constant 0 : index
    %get3A_105 = vector.load %arg1[%get3A_102, %get3A_103, %get3A_104] : memref<92x8x2048xf32, #tpu.memory_space<vmem>>, vector<1x8x2048xf32>
    %get3A_106 = vector.shape_cast %get3A_105 : vector<1x8x2048xf32> to vector<8x2048xf32>
    %gt3A_107 = arith.cmpf ogt, %get3A_106, %select_n3A_98 : vector<8x2048xf32>
    %select_n3A_108 = arith.select %gt3A_107, %get3A_106, %select_n3A_98 : vector<8x2048xi1>, vector<8x2048xf32>
    %jit3A_109 = arith.constant 11 : i32
    %broadcast_in_dim3A_110 = vector.broadcast %jit3A_109 : i32 to vector<8x2048xi32>
    %select_n3A_111 = arith.select %gt3A_107, %broadcast_in_dim3A_110, %select_n3A_101 : vector<8x2048xi1>, vector<8x2048xi32>
    %get3A_112 = arith.constant 12 : index
    %get3A_113 = arith.constant 0 : index
    %get3A_114 = arith.constant 0 : index
    %get3A_115 = vector.load %arg1[%get3A_112, %get3A_113, %get3A_114] : memref<92x8x2048xf32, #tpu.memory_space<vmem>>, vector<1x8x2048xf32>
    %get3A_116 = vector.shape_cast %get3A_115 : vector<1x8x2048xf32> to vector<8x2048xf32>
    %gt3A_117 = arith.cmpf ogt, %get3A_116, %select_n3A_108 : vector<8x2048xf32>
    %select_n3A_118 = arith.select %gt3A_117, %get3A_116, %select_n3A_108 : vector<8x2048xi1>, vector<8x2048xf32>
    %jit3A_119 = arith.constant 12 : i32
    %broadcast_in_dim3A_120 = vector.broadcast %jit3A_119 : i32 to vector<8x2048xi32>
    %select_n3A_121 = arith.select %gt3A_117, %broadcast_in_dim3A_120, %select_n3A_111 : vector<8x2048xi1>, vector<8x2048xi32>
    %get3A_122 = arith.constant 13 : index
    %get3A_123 = arith.constant 0 : index
    %get3A_124 = arith.constant 0 : index
    %get3A_125 = vector.load %arg1[%get3A_122, %get3A_123, %get3A_124] : memref<92x8x2048xf32, #tpu.memory_space<vmem>>, vector<1x8x2048xf32>
    %get3A_126 = vector.shape_cast %get3A_125 : vector<1x8x2048xf32> to vector<8x2048xf32>
    %gt3A_127 = arith.cmpf ogt, %get3A_126, %select_n3A_118 : vector<8x2048xf32>
    %select_n3A_128 = arith.select %gt3A_127, %get3A_126, %select_n3A_118 : vector<8x2048xi1>, vector<8x2048xf32>
    %jit3A_129 = arith.constant 13 : i32
    %broadcast_in_dim3A_130 = vector.broadcast %jit3A_129 : i32 to vector<8x2048xi32>
    %select_n3A_131 = arith.select %gt3A_127, %broadcast_in_dim3A_130, %select_n3A_121 : vector<8x2048xi1>, vector<8x2048xi32>
    %get3A_132 = arith.constant 14 : index
    %get3A_133 = arith.constant 0 : index
    %get3A_134 = arith.constant 0 : index
    %get3A_135 = vector.load %arg1[%get3A_132, %get3A_133, %get3A_134] : memref<92x8x2048xf32, #tpu.memory_space<vmem>>, vector<1x8x2048xf32>
    %get3A_136 = vector.shape_cast %get3A_135 : vector<1x8x2048xf32> to vector<8x2048xf32>
    %gt3A_137 = arith.cmpf ogt, %get3A_136, %select_n3A_128 : vector<8x2048xf32>
    %select_n3A_138 = arith.select %gt3A_137, %get3A_136, %select_n3A_128 : vector<8x2048xi1>, vector<8x2048xf32>
    %jit3A_139 = arith.constant 14 : i32
    %broadcast_in_dim3A_140 = vector.broadcast %jit3A_139 : i32 to vector<8x2048xi32>
    %select_n3A_141 = arith.select %gt3A_137, %broadcast_in_dim3A_140, %select_n3A_131 : vector<8x2048xi1>, vector<8x2048xi32>
    %get3A_142 = arith.constant 15 : index
    %get3A_143 = arith.constant 0 : index
    %get3A_144 = arith.constant 0 : index
    %get3A_145 = vector.load %arg1[%get3A_142, %get3A_143, %get3A_144] : memref<92x8x2048xf32, #tpu.memory_space<vmem>>, vector<1x8x2048xf32>
    %get3A_146 = vector.shape_cast %get3A_145 : vector<1x8x2048xf32> to vector<8x2048xf32>
    %gt3A_147 = arith.cmpf ogt, %get3A_146, %select_n3A_138 : vector<8x2048xf32>
    %select_n3A_148 = arith.select %gt3A_147, %get3A_146, %select_n3A_138 : vector<8x2048xi1>, vector<8x2048xf32>
    %jit3A_149 = arith.constant 15 : i32
    %broadcast_in_dim3A_150 = vector.broadcast %jit3A_149 : i32 to vector<8x2048xi32>
    %select_n3A_151 = arith.select %gt3A_147, %broadcast_in_dim3A_150, %select_n3A_141 : vector<8x2048xi1>, vector<8x2048xi32>
    %get3A_152 = arith.constant 16 : index
    %get3A_153 = arith.constant 0 : index
    %get3A_154 = arith.constant 0 : index
    %get3A_155 = vector.load %arg1[%get3A_152, %get3A_153, %get3A_154] : memref<92x8x2048xf32, #tpu.memory_space<vmem>>, vector<1x8x2048xf32>
    %get3A_156 = vector.shape_cast %get3A_155 : vector<1x8x2048xf32> to vector<8x2048xf32>
    %gt3A_157 = arith.cmpf ogt, %get3A_156, %select_n3A_148 : vector<8x2048xf32>
    %select_n3A_158 = arith.select %gt3A_157, %get3A_156, %select_n3A_148 : vector<8x2048xi1>, vector<8x2048xf32>
    %jit3A_159 = arith.constant 16 : i32
    %broadcast_in_dim3A_160 = vector.broadcast %jit3A_159 : i32 to vector<8x2048xi32>
    %select_n3A_161 = arith.select %gt3A_157, %broadcast_in_dim3A_160, %select_n3A_151 : vector<8x2048xi1>, vector<8x2048xi32>
    %get3A_162 = arith.constant 17 : index
    %get3A_163 = arith.constant 0 : index
    %get3A_164 = arith.constant 0 : index
    %get3A_165 = vector.load %arg1[%get3A_162, %get3A_163, %get3A_164] : memref<92x8x2048xf32, #tpu.memory_space<vmem>>, vector<1x8x2048xf32>
    %get3A_166 = vector.shape_cast %get3A_165 : vector<1x8x2048xf32> to vector<8x2048xf32>
    %gt3A_167 = arith.cmpf ogt, %get3A_166, %select_n3A_158 : vector<8x2048xf32>
    %select_n3A_168 = arith.select %gt3A_167, %get3A_166, %select_n3A_158 : vector<8x2048xi1>, vector<8x2048xf32>
    %jit3A_169 = arith.constant 17 : i32
    %broadcast_in_dim3A_170 = vector.broadcast %jit3A_169 : i32 to vector<8x2048xi32>
    %select_n3A_171 = arith.select %gt3A_167, %broadcast_in_dim3A_170, %select_n3A_161 : vector<8x2048xi1>, vector<8x2048xi32>
    %get3A_172 = arith.constant 18 : index
    %get3A_173 = arith.constant 0 : index
    %get3A_174 = arith.constant 0 : index
    %get3A_175 = vector.load %arg1[%get3A_172, %get3A_173, %get3A_174] : memref<92x8x2048xf32, #tpu.memory_space<vmem>>, vector<1x8x2048xf32>
    %get3A_176 = vector.shape_cast %get3A_175 : vector<1x8x2048xf32> to vector<8x2048xf32>
    %gt3A_177 = arith.cmpf ogt, %get3A_176, %select_n3A_168 : vector<8x2048xf32>
    %select_n3A_178 = arith.select %gt3A_177, %get3A_176, %select_n3A_168 : vector<8x2048xi1>, vector<8x2048xf32>
    %jit3A_179 = arith.constant 18 : i32
    %broadcast_in_dim3A_180 = vector.broadcast %jit3A_179 : i32 to vector<8x2048xi32>
    %select_n3A_181 = arith.select %gt3A_177, %broadcast_in_dim3A_180, %select_n3A_171 : vector<8x2048xi1>, vector<8x2048xi32>
    %get3A_182 = arith.constant 19 : index
    %get3A_183 = arith.constant 0 : index
    %get3A_184 = arith.constant 0 : index
    %get3A_185 = vector.load %arg1[%get3A_182, %get3A_183, %get3A_184] : memref<92x8x2048xf32, #tpu.memory_space<vmem>>, vector<1x8x2048xf32>
    %get3A_186 = vector.shape_cast %get3A_185 : vector<1x8x2048xf32> to vector<8x2048xf32>
    %gt3A_187 = arith.cmpf ogt, %get3A_186, %select_n3A_178 : vector<8x2048xf32>
    %select_n3A_188 = arith.select %gt3A_187, %get3A_186, %select_n3A_178 : vector<8x2048xi1>, vector<8x2048xf32>
    %jit3A_189 = arith.constant 19 : i32
    %broadcast_in_dim3A_190 = vector.broadcast %jit3A_189 : i32 to vector<8x2048xi32>
    %select_n3A_191 = arith.select %gt3A_187, %broadcast_in_dim3A_190, %select_n3A_181 : vector<8x2048xi1>, vector<8x2048xi32>
    %get3A_192 = arith.constant 20 : index
    %get3A_193 = arith.constant 0 : index
    %get3A_194 = arith.constant 0 : index
    %get3A_195 = vector.load %arg1[%get3A_192, %get3A_193, %get3A_194] : memref<92x8x2048xf32, #tpu.memory_space<vmem>>, vector<1x8x2048xf32>
    %get3A_196 = vector.shape_cast %get3A_195 : vector<1x8x2048xf32> to vector<8x2048xf32>
    %gt3A_197 = arith.cmpf ogt, %get3A_196, %select_n3A_188 : vector<8x2048xf32>
    %select_n3A_198 = arith.select %gt3A_197, %get3A_196, %select_n3A_188 : vector<8x2048xi1>, vector<8x2048xf32>
    %jit3A_199 = arith.constant 20 : i32
    %broadcast_in_dim3A_200 = vector.broadcast %jit3A_199 : i32 to vector<8x2048xi32>
    %select_n3A_201 = arith.select %gt3A_197, %broadcast_in_dim3A_200, %select_n3A_191 : vector<8x2048xi1>, vector<8x2048xi32>
    %get3A_202 = arith.constant 21 : index
    %get3A_203 = arith.constant 0 : index
    %get3A_204 = arith.constant 0 : index
    %get3A_205 = vector.load %arg1[%get3A_202, %get3A_203, %get3A_204] : memref<92x8x2048xf32, #tpu.memory_space<vmem>>, vector<1x8x2048xf32>
    %get3A_206 = vector.shape_cast %get3A_205 : vector<1x8x2048xf32> to vector<8x2048xf32>
    %gt3A_207 = arith.cmpf ogt, %get3A_206, %select_n3A_198 : vector<8x2048xf32>
    %select_n3A_208 = arith.select %gt3A_207, %get3A_206, %select_n3A_198 : vector<8x2048xi1>, vector<8x2048xf32>
    %jit3A_209 = arith.constant 21 : i32
    %broadcast_in_dim3A_210 = vector.broadcast %jit3A_209 : i32 to vector<8x2048xi32>
    %select_n3A_211 = arith.select %gt3A_207, %broadcast_in_dim3A_210, %select_n3A_201 : vector<8x2048xi1>, vector<8x2048xi32>
    %get3A_212 = arith.constant 22 : index
    %get3A_213 = arith.constant 0 : index
    %get3A_214 = arith.constant 0 : index
    %get3A_215 = vector.load %arg1[%get3A_212, %get3A_213, %get3A_214] : memref<92x8x2048xf32, #tpu.memory_space<vmem>>, vector<1x8x2048xf32>
    %get3A_216 = vector.shape_cast %get3A_215 : vector<1x8x2048xf32> to vector<8x2048xf32>
    %gt3A_217 = arith.cmpf ogt, %get3A_216, %select_n3A_208 : vector<8x2048xf32>
    %select_n3A_218 = arith.select %gt3A_217, %get3A_216, %select_n3A_208 : vector<8x2048xi1>, vector<8x2048xf32>
    %jit3A_219 = arith.constant 22 : i32
    %broadcast_in_dim3A_220 = vector.broadcast %jit3A_219 : i32 to vector<8x2048xi32>
    %select_n3A_221 = arith.select %gt3A_217, %broadcast_in_dim3A_220, %select_n3A_211 : vector<8x2048xi1>, vector<8x2048xi32>
    %get3A_222 = arith.constant 23 : index
    %get3A_223 = arith.constant 0 : index
    %get3A_224 = arith.constant 0 : index
    %get3A_225 = vector.load %arg1[%get3A_222, %get3A_223, %get3A_224] : memref<92x8x2048xf32, #tpu.memory_space<vmem>>, vector<1x8x2048xf32>
    %get3A_226 = vector.shape_cast %get3A_225 : vector<1x8x2048xf32> to vector<8x2048xf32>
    %gt3A_227 = arith.cmpf ogt, %get3A_226, %select_n3A_218 : vector<8x2048xf32>
    %select_n3A_228 = arith.select %gt3A_227, %get3A_226, %select_n3A_218 : vector<8x2048xi1>, vector<8x2048xf32>
    %jit3A_229 = arith.constant 23 : i32
    %broadcast_in_dim3A_230 = vector.broadcast %jit3A_229 : i32 to vector<8x2048xi32>
    %select_n3A_231 = arith.select %gt3A_227, %broadcast_in_dim3A_230, %select_n3A_221 : vector<8x2048xi1>, vector<8x2048xi32>
    %get3A_232 = arith.constant 24 : index
    %get3A_233 = arith.constant 0 : index
    %get3A_234 = arith.constant 0 : index
    %get3A_235 = vector.load %arg1[%get3A_232, %get3A_233, %get3A_234] : memref<92x8x2048xf32, #tpu.memory_space<vmem>>, vector<1x8x2048xf32>
    %get3A_236 = vector.shape_cast %get3A_235 : vector<1x8x2048xf32> to vector<8x2048xf32>
    %gt3A_237 = arith.cmpf ogt, %get3A_236, %select_n3A_228 : vector<8x2048xf32>
    %select_n3A_238 = arith.select %gt3A_237, %get3A_236, %select_n3A_228 : vector<8x2048xi1>, vector<8x2048xf32>
    %jit3A_239 = arith.constant 24 : i32
    %broadcast_in_dim3A_240 = vector.broadcast %jit3A_239 : i32 to vector<8x2048xi32>
    %select_n3A_241 = arith.select %gt3A_237, %broadcast_in_dim3A_240, %select_n3A_231 : vector<8x2048xi1>, vector<8x2048xi32>
    %get3A_242 = arith.constant 25 : index
    %get3A_243 = arith.constant 0 : index
    %get3A_244 = arith.constant 0 : index
    %get3A_245 = vector.load %arg1[%get3A_242, %get3A_243, %get3A_244] : memref<92x8x2048xf32, #tpu.memory_space<vmem>>, vector<1x8x2048xf32>
    %get3A_246 = vector.shape_cast %get3A_245 : vector<1x8x2048xf32> to vector<8x2048xf32>
    %gt3A_247 = arith.cmpf ogt, %get3A_246, %select_n3A_238 : vector<8x2048xf32>
    %select_n3A_248 = arith.select %gt3A_247, %get3A_246, %select_n3A_238 : vector<8x2048xi1>, vector<8x2048xf32>
    %jit3A_249 = arith.constant 25 : i32
    %broadcast_in_dim3A_250 = vector.broadcast %jit3A_249 : i32 to vector<8x2048xi32>
    %select_n3A_251 = arith.select %gt3A_247, %broadcast_in_dim3A_250, %select_n3A_241 : vector<8x2048xi1>, vector<8x2048xi32>
    %get3A_252 = arith.constant 26 : index
    %get3A_253 = arith.constant 0 : index
    %get3A_254 = arith.constant 0 : index
    %get3A_255 = vector.load %arg1[%get3A_252, %get3A_253, %get3A_254] : memref<92x8x2048xf32, #tpu.memory_space<vmem>>, vector<1x8x2048xf32>
    %get3A_256 = vector.shape_cast %get3A_255 : vector<1x8x2048xf32> to vector<8x2048xf32>
    %gt3A_257 = arith.cmpf ogt, %get3A_256, %select_n3A_248 : vector<8x2048xf32>
    %select_n3A_258 = arith.select %gt3A_257, %get3A_256, %select_n3A_248 : vector<8x2048xi1>, vector<8x2048xf32>
    %jit3A_259 = arith.constant 26 : i32
    %broadcast_in_dim3A_260 = vector.broadcast %jit3A_259 : i32 to vector<8x2048xi32>
    %select_n3A_261 = arith.select %gt3A_257, %broadcast_in_dim3A_260, %select_n3A_251 : vector<8x2048xi1>, vector<8x2048xi32>
    %get3A_262 = arith.constant 27 : index
    %get3A_263 = arith.constant 0 : index
    %get3A_264 = arith.constant 0 : index
    %get3A_265 = vector.load %arg1[%get3A_262, %get3A_263, %get3A_264] : memref<92x8x2048xf32, #tpu.memory_space<vmem>>, vector<1x8x2048xf32>
    %get3A_266 = vector.shape_cast %get3A_265 : vector<1x8x2048xf32> to vector<8x2048xf32>
    %gt3A_267 = arith.cmpf ogt, %get3A_266, %select_n3A_258 : vector<8x2048xf32>
    %select_n3A_268 = arith.select %gt3A_267, %get3A_266, %select_n3A_258 : vector<8x2048xi1>, vector<8x2048xf32>
    %jit3A_269 = arith.constant 27 : i32
    %broadcast_in_dim3A_270 = vector.broadcast %jit3A_269 : i32 to vector<8x2048xi32>
    %select_n3A_271 = arith.select %gt3A_267, %broadcast_in_dim3A_270, %select_n3A_261 : vector<8x2048xi1>, vector<8x2048xi32>
    %get3A_272 = arith.constant 28 : index
    %get3A_273 = arith.constant 0 : index
    %get3A_274 = arith.constant 0 : index
    %get3A_275 = vector.load %arg1[%get3A_272, %get3A_273, %get3A_274] : memref<92x8x2048xf32, #tpu.memory_space<vmem>>, vector<1x8x2048xf32>
    %get3A_276 = vector.shape_cast %get3A_275 : vector<1x8x2048xf32> to vector<8x2048xf32>
    %gt3A_277 = arith.cmpf ogt, %get3A_276, %select_n3A_268 : vector<8x2048xf32>
    %select_n3A_278 = arith.select %gt3A_277, %get3A_276, %select_n3A_268 : vector<8x2048xi1>, vector<8x2048xf32>
    %jit3A_279 = arith.constant 28 : i32
    %broadcast_in_dim3A_280 = vector.broadcast %jit3A_279 : i32 to vector<8x2048xi32>
    %select_n3A_281 = arith.select %gt3A_277, %broadcast_in_dim3A_280, %select_n3A_271 : vector<8x2048xi1>, vector<8x2048xi32>
    %get3A_282 = arith.constant 29 : index
    %get3A_283 = arith.constant 0 : index
    %get3A_284 = arith.constant 0 : index
    %get3A_285 = vector.load %arg1[%get3A_282, %get3A_283, %get3A_284] : memref<92x8x2048xf32, #tpu.memory_space<vmem>>, vector<1x8x2048xf32>
    %get3A_286 = vector.shape_cast %get3A_285 : vector<1x8x2048xf32> to vector<8x2048xf32>
    %gt3A_287 = arith.cmpf ogt, %get3A_286, %select_n3A_278 : vector<8x2048xf32>
    %select_n3A_288 = arith.select %gt3A_287, %get3A_286, %select_n3A_278 : vector<8x2048xi1>, vector<8x2048xf32>
    %jit3A_289 = arith.constant 29 : i32
    %broadcast_in_dim3A_290 = vector.broadcast %jit3A_289 : i32 to vector<8x2048xi32>
    %select_n3A_291 = arith.select %gt3A_287, %broadcast_in_dim3A_290, %select_n3A_281 : vector<8x2048xi1>, vector<8x2048xi32>
    %get3A_292 = arith.constant 30 : index
    %get3A_293 = arith.constant 0 : index
    %get3A_294 = arith.constant 0 : index
    %get3A_295 = vector.load %arg1[%get3A_292, %get3A_293, %get3A_294] : memref<92x8x2048xf32, #tpu.memory_space<vmem>>, vector<1x8x2048xf32>
    %get3A_296 = vector.shape_cast %get3A_295 : vector<1x8x2048xf32> to vector<8x2048xf32>
    %gt3A_297 = arith.cmpf ogt, %get3A_296, %select_n3A_288 : vector<8x2048xf32>
    %select_n3A_298 = arith.select %gt3A_297, %get3A_296, %select_n3A_288 : vector<8x2048xi1>, vector<8x2048xf32>
    %jit3A_299 = arith.constant 30 : i32
    %broadcast_in_dim3A_300 = vector.broadcast %jit3A_299 : i32 to vector<8x2048xi32>
    %select_n3A_301 = arith.select %gt3A_297, %broadcast_in_dim3A_300, %select_n3A_291 : vector<8x2048xi1>, vector<8x2048xi32>
    %get3A_302 = arith.constant 31 : index
    %get3A_303 = arith.constant 0 : index
    %get3A_304 = arith.constant 0 : index
    %get3A_305 = vector.load %arg1[%get3A_302, %get3A_303, %get3A_304] : memref<92x8x2048xf32, #tpu.memory_space<vmem>>, vector<1x8x2048xf32>
    %get3A_306 = vector.shape_cast %get3A_305 : vector<1x8x2048xf32> to vector<8x2048xf32>
    %gt3A_307 = arith.cmpf ogt, %get3A_306, %select_n3A_298 : vector<8x2048xf32>
    %select_n3A_308 = arith.select %gt3A_307, %get3A_306, %select_n3A_298 : vector<8x2048xi1>, vector<8x2048xf32>
    %jit3A_309 = arith.constant 31 : i32
    %broadcast_in_dim3A_310 = vector.broadcast %jit3A_309 : i32 to vector<8x2048xi32>
    %select_n3A_311 = arith.select %gt3A_307, %broadcast_in_dim3A_310, %select_n3A_301 : vector<8x2048xi1>, vector<8x2048xi32>
    %get3A_312 = arith.constant 32 : index
    %get3A_313 = arith.constant 0 : index
    %get3A_314 = arith.constant 0 : index
    %get3A_315 = vector.load %arg1[%get3A_312, %get3A_313, %get3A_314] : memref<92x8x2048xf32, #tpu.memory_space<vmem>>, vector<1x8x2048xf32>
    %get3A_316 = vector.shape_cast %get3A_315 : vector<1x8x2048xf32> to vector<8x2048xf32>
    %gt3A_317 = arith.cmpf ogt, %get3A_316, %select_n3A_308 : vector<8x2048xf32>
    %select_n3A_318 = arith.select %gt3A_317, %get3A_316, %select_n3A_308 : vector<8x2048xi1>, vector<8x2048xf32>
    %jit3A_319 = arith.constant 32 : i32
    %broadcast_in_dim3A_320 = vector.broadcast %jit3A_319 : i32 to vector<8x2048xi32>
    %select_n3A_321 = arith.select %gt3A_317, %broadcast_in_dim3A_320, %select_n3A_311 : vector<8x2048xi1>, vector<8x2048xi32>
    %get3A_322 = arith.constant 33 : index
    %get3A_323 = arith.constant 0 : index
    %get3A_324 = arith.constant 0 : index
    %get3A_325 = vector.load %arg1[%get3A_322, %get3A_323, %get3A_324] : memref<92x8x2048xf32, #tpu.memory_space<vmem>>, vector<1x8x2048xf32>
    %get3A_326 = vector.shape_cast %get3A_325 : vector<1x8x2048xf32> to vector<8x2048xf32>
    %gt3A_327 = arith.cmpf ogt, %get3A_326, %select_n3A_318 : vector<8x2048xf32>
    %select_n3A_328 = arith.select %gt3A_327, %get3A_326, %select_n3A_318 : vector<8x2048xi1>, vector<8x2048xf32>
    %jit3A_329 = arith.constant 33 : i32
    %broadcast_in_dim3A_330 = vector.broadcast %jit3A_329 : i32 to vector<8x2048xi32>
    %select_n3A_331 = arith.select %gt3A_327, %broadcast_in_dim3A_330, %select_n3A_321 : vector<8x2048xi1>, vector<8x2048xi32>
    %get3A_332 = arith.constant 34 : index
    %get3A_333 = arith.constant 0 : index
    %get3A_334 = arith.constant 0 : index
    %get3A_335 = vector.load %arg1[%get3A_332, %get3A_333, %get3A_334] : memref<92x8x2048xf32, #tpu.memory_space<vmem>>, vector<1x8x2048xf32>
    %get3A_336 = vector.shape_cast %get3A_335 : vector<1x8x2048xf32> to vector<8x2048xf32>
    %gt3A_337 = arith.cmpf ogt, %get3A_336, %select_n3A_328 : vector<8x2048xf32>
    %select_n3A_338 = arith.select %gt3A_337, %get3A_336, %select_n3A_328 : vector<8x2048xi1>, vector<8x2048xf32>
    %jit3A_339 = arith.constant 34 : i32
    %broadcast_in_dim3A_340 = vector.broadcast %jit3A_339 : i32 to vector<8x2048xi32>
    %select_n3A_341 = arith.select %gt3A_337, %broadcast_in_dim3A_340, %select_n3A_331 : vector<8x2048xi1>, vector<8x2048xi32>
    %get3A_342 = arith.constant 35 : index
    %get3A_343 = arith.constant 0 : index
    %get3A_344 = arith.constant 0 : index
    %get3A_345 = vector.load %arg1[%get3A_342, %get3A_343, %get3A_344] : memref<92x8x2048xf32, #tpu.memory_space<vmem>>, vector<1x8x2048xf32>
    %get3A_346 = vector.shape_cast %get3A_345 : vector<1x8x2048xf32> to vector<8x2048xf32>
    %gt3A_347 = arith.cmpf ogt, %get3A_346, %select_n3A_338 : vector<8x2048xf32>
    %select_n3A_348 = arith.select %gt3A_347, %get3A_346, %select_n3A_338 : vector<8x2048xi1>, vector<8x2048xf32>
    %jit3A_349 = arith.constant 35 : i32
    %broadcast_in_dim3A_350 = vector.broadcast %jit3A_349 : i32 to vector<8x2048xi32>
    %select_n3A_351 = arith.select %gt3A_347, %broadcast_in_dim3A_350, %select_n3A_341 : vector<8x2048xi1>, vector<8x2048xi32>
    %get3A_352 = arith.constant 36 : index
    %get3A_353 = arith.constant 0 : index
    %get3A_354 = arith.constant 0 : index
    %get3A_355 = vector.load %arg1[%get3A_352, %get3A_353, %get3A_354] : memref<92x8x2048xf32, #tpu.memory_space<vmem>>, vector<1x8x2048xf32>
    %get3A_356 = vector.shape_cast %get3A_355 : vector<1x8x2048xf32> to vector<8x2048xf32>
    %gt3A_357 = arith.cmpf ogt, %get3A_356, %select_n3A_348 : vector<8x2048xf32>
    %select_n3A_358 = arith.select %gt3A_357, %get3A_356, %select_n3A_348 : vector<8x2048xi1>, vector<8x2048xf32>
    %jit3A_359 = arith.constant 36 : i32
    %broadcast_in_dim3A_360 = vector.broadcast %jit3A_359 : i32 to vector<8x2048xi32>
    %select_n3A_361 = arith.select %gt3A_357, %broadcast_in_dim3A_360, %select_n3A_351 : vector<8x2048xi1>, vector<8x2048xi32>
    %get3A_362 = arith.constant 37 : index
    %get3A_363 = arith.constant 0 : index
    %get3A_364 = arith.constant 0 : index
    %get3A_365 = vector.load %arg1[%get3A_362, %get3A_363, %get3A_364] : memref<92x8x2048xf32, #tpu.memory_space<vmem>>, vector<1x8x2048xf32>
    %get3A_366 = vector.shape_cast %get3A_365 : vector<1x8x2048xf32> to vector<8x2048xf32>
    %gt3A_367 = arith.cmpf ogt, %get3A_366, %select_n3A_358 : vector<8x2048xf32>
    %select_n3A_368 = arith.select %gt3A_367, %get3A_366, %select_n3A_358 : vector<8x2048xi1>, vector<8x2048xf32>
    %jit3A_369 = arith.constant 37 : i32
    %broadcast_in_dim3A_370 = vector.broadcast %jit3A_369 : i32 to vector<8x2048xi32>
    %select_n3A_371 = arith.select %gt3A_367, %broadcast_in_dim3A_370, %select_n3A_361 : vector<8x2048xi1>, vector<8x2048xi32>
    %get3A_372 = arith.constant 38 : index
    %get3A_373 = arith.constant 0 : index
    %get3A_374 = arith.constant 0 : index
    %get3A_375 = vector.load %arg1[%get3A_372, %get3A_373, %get3A_374] : memref<92x8x2048xf32, #tpu.memory_space<vmem>>, vector<1x8x2048xf32>
    %get3A_376 = vector.shape_cast %get3A_375 : vector<1x8x2048xf32> to vector<8x2048xf32>
    %gt3A_377 = arith.cmpf ogt, %get3A_376, %select_n3A_368 : vector<8x2048xf32>
    %select_n3A_378 = arith.select %gt3A_377, %get3A_376, %select_n3A_368 : vector<8x2048xi1>, vector<8x2048xf32>
    %jit3A_379 = arith.constant 38 : i32
    %broadcast_in_dim3A_380 = vector.broadcast %jit3A_379 : i32 to vector<8x2048xi32>
    %select_n3A_381 = arith.select %gt3A_377, %broadcast_in_dim3A_380, %select_n3A_371 : vector<8x2048xi1>, vector<8x2048xi32>
    %get3A_382 = arith.constant 39 : index
    %get3A_383 = arith.constant 0 : index
    %get3A_384 = arith.constant 0 : index
    %get3A_385 = vector.load %arg1[%get3A_382, %get3A_383, %get3A_384] : memref<92x8x2048xf32, #tpu.memory_space<vmem>>, vector<1x8x2048xf32>
    %get3A_386 = vector.shape_cast %get3A_385 : vector<1x8x2048xf32> to vector<8x2048xf32>
    %gt3A_387 = arith.cmpf ogt, %get3A_386, %select_n3A_378 : vector<8x2048xf32>
    %select_n3A_388 = arith.select %gt3A_387, %get3A_386, %select_n3A_378 : vector<8x2048xi1>, vector<8x2048xf32>
    %jit3A_389 = arith.constant 39 : i32
    %broadcast_in_dim3A_390 = vector.broadcast %jit3A_389 : i32 to vector<8x2048xi32>
    %select_n3A_391 = arith.select %gt3A_387, %broadcast_in_dim3A_390, %select_n3A_381 : vector<8x2048xi1>, vector<8x2048xi32>
    %get3A_392 = arith.constant 40 : index
    %get3A_393 = arith.constant 0 : index
    %get3A_394 = arith.constant 0 : index
    %get3A_395 = vector.load %arg1[%get3A_392, %get3A_393, %get3A_394] : memref<92x8x2048xf32, #tpu.memory_space<vmem>>, vector<1x8x2048xf32>
    %get3A_396 = vector.shape_cast %get3A_395 : vector<1x8x2048xf32> to vector<8x2048xf32>
    %gt3A_397 = arith.cmpf ogt, %get3A_396, %select_n3A_388 : vector<8x2048xf32>
    %select_n3A_398 = arith.select %gt3A_397, %get3A_396, %select_n3A_388 : vector<8x2048xi1>, vector<8x2048xf32>
    %jit3A_399 = arith.constant 40 : i32
    %broadcast_in_dim3A_400 = vector.broadcast %jit3A_399 : i32 to vector<8x2048xi32>
    %select_n3A_401 = arith.select %gt3A_397, %broadcast_in_dim3A_400, %select_n3A_391 : vector<8x2048xi1>, vector<8x2048xi32>
    %get3A_402 = arith.constant 41 : index
    %get3A_403 = arith.constant 0 : index
    %get3A_404 = arith.constant 0 : index
    %get3A_405 = vector.load %arg1[%get3A_402, %get3A_403, %get3A_404] : memref<92x8x2048xf32, #tpu.memory_space<vmem>>, vector<1x8x2048xf32>
    %get3A_406 = vector.shape_cast %get3A_405 : vector<1x8x2048xf32> to vector<8x2048xf32>
    %gt3A_407 = arith.cmpf ogt, %get3A_406, %select_n3A_398 : vector<8x2048xf32>
    %select_n3A_408 = arith.select %gt3A_407, %get3A_406, %select_n3A_398 : vector<8x2048xi1>, vector<8x2048xf32>
    %jit3A_409 = arith.constant 41 : i32
    %broadcast_in_dim3A_410 = vector.broadcast %jit3A_409 : i32 to vector<8x2048xi32>
    %select_n3A_411 = arith.select %gt3A_407, %broadcast_in_dim3A_410, %select_n3A_401 : vector<8x2048xi1>, vector<8x2048xi32>
    %get3A_412 = arith.constant 42 : index
    %get3A_413 = arith.constant 0 : index
    %get3A_414 = arith.constant 0 : index
    %get3A_415 = vector.load %arg1[%get3A_412, %get3A_413, %get3A_414] : memref<92x8x2048xf32, #tpu.memory_space<vmem>>, vector<1x8x2048xf32>
    %get3A_416 = vector.shape_cast %get3A_415 : vector<1x8x2048xf32> to vector<8x2048xf32>
    %gt3A_417 = arith.cmpf ogt, %get3A_416, %select_n3A_408 : vector<8x2048xf32>
    %select_n3A_418 = arith.select %gt3A_417, %get3A_416, %select_n3A_408 : vector<8x2048xi1>, vector<8x2048xf32>
    %jit3A_419 = arith.constant 42 : i32
    %broadcast_in_dim3A_420 = vector.broadcast %jit3A_419 : i32 to vector<8x2048xi32>
    %select_n3A_421 = arith.select %gt3A_417, %broadcast_in_dim3A_420, %select_n3A_411 : vector<8x2048xi1>, vector<8x2048xi32>
    %get3A_422 = arith.constant 43 : index
    %get3A_423 = arith.constant 0 : index
    %get3A_424 = arith.constant 0 : index
    %get3A_425 = vector.load %arg1[%get3A_422, %get3A_423, %get3A_424] : memref<92x8x2048xf32, #tpu.memory_space<vmem>>, vector<1x8x2048xf32>
    %get3A_426 = vector.shape_cast %get3A_425 : vector<1x8x2048xf32> to vector<8x2048xf32>
    %gt3A_427 = arith.cmpf ogt, %get3A_426, %select_n3A_418 : vector<8x2048xf32>
    %select_n3A_428 = arith.select %gt3A_427, %get3A_426, %select_n3A_418 : vector<8x2048xi1>, vector<8x2048xf32>
    %jit3A_429 = arith.constant 43 : i32
    %broadcast_in_dim3A_430 = vector.broadcast %jit3A_429 : i32 to vector<8x2048xi32>
    %select_n3A_431 = arith.select %gt3A_427, %broadcast_in_dim3A_430, %select_n3A_421 : vector<8x2048xi1>, vector<8x2048xi32>
    %get3A_432 = arith.constant 44 : index
    %get3A_433 = arith.constant 0 : index
    %get3A_434 = arith.constant 0 : index
    %get3A_435 = vector.load %arg1[%get3A_432, %get3A_433, %get3A_434] : memref<92x8x2048xf32, #tpu.memory_space<vmem>>, vector<1x8x2048xf32>
    %get3A_436 = vector.shape_cast %get3A_435 : vector<1x8x2048xf32> to vector<8x2048xf32>
    %gt3A_437 = arith.cmpf ogt, %get3A_436, %select_n3A_428 : vector<8x2048xf32>
    %select_n3A_438 = arith.select %gt3A_437, %get3A_436, %select_n3A_428 : vector<8x2048xi1>, vector<8x2048xf32>
    %jit3A_439 = arith.constant 44 : i32
    %broadcast_in_dim3A_440 = vector.broadcast %jit3A_439 : i32 to vector<8x2048xi32>
    %select_n3A_441 = arith.select %gt3A_437, %broadcast_in_dim3A_440, %select_n3A_431 : vector<8x2048xi1>, vector<8x2048xi32>
    %get3A_442 = arith.constant 45 : index
    %get3A_443 = arith.constant 0 : index
    %get3A_444 = arith.constant 0 : index
    %get3A_445 = vector.load %arg1[%get3A_442, %get3A_443, %get3A_444] : memref<92x8x2048xf32, #tpu.memory_space<vmem>>, vector<1x8x2048xf32>
    %get3A_446 = vector.shape_cast %get3A_445 : vector<1x8x2048xf32> to vector<8x2048xf32>
    %gt3A_447 = arith.cmpf ogt, %get3A_446, %select_n3A_438 : vector<8x2048xf32>
    %select_n3A_448 = arith.select %gt3A_447, %get3A_446, %select_n3A_438 : vector<8x2048xi1>, vector<8x2048xf32>
    %jit3A_449 = arith.constant 45 : i32
    %broadcast_in_dim3A_450 = vector.broadcast %jit3A_449 : i32 to vector<8x2048xi32>
    %select_n3A_451 = arith.select %gt3A_447, %broadcast_in_dim3A_450, %select_n3A_441 : vector<8x2048xi1>, vector<8x2048xi32>
    %get3A_452 = arith.constant 46 : index
    %get3A_453 = arith.constant 0 : index
    %get3A_454 = arith.constant 0 : index
    %get3A_455 = vector.load %arg1[%get3A_452, %get3A_453, %get3A_454] : memref<92x8x2048xf32, #tpu.memory_space<vmem>>, vector<1x8x2048xf32>
    %get3A_456 = vector.shape_cast %get3A_455 : vector<1x8x2048xf32> to vector<8x2048xf32>
    %gt3A_457 = arith.cmpf ogt, %get3A_456, %select_n3A_448 : vector<8x2048xf32>
    %select_n3A_458 = arith.select %gt3A_457, %get3A_456, %select_n3A_448 : vector<8x2048xi1>, vector<8x2048xf32>
    %jit3A_459 = arith.constant 46 : i32
    %broadcast_in_dim3A_460 = vector.broadcast %jit3A_459 : i32 to vector<8x2048xi32>
    %select_n3A_461 = arith.select %gt3A_457, %broadcast_in_dim3A_460, %select_n3A_451 : vector<8x2048xi1>, vector<8x2048xi32>
    %get3A_462 = arith.constant 47 : index
    %get3A_463 = arith.constant 0 : index
    %get3A_464 = arith.constant 0 : index
    %get3A_465 = vector.load %arg1[%get3A_462, %get3A_463, %get3A_464] : memref<92x8x2048xf32, #tpu.memory_space<vmem>>, vector<1x8x2048xf32>
    %get3A_466 = vector.shape_cast %get3A_465 : vector<1x8x2048xf32> to vector<8x2048xf32>
    %gt3A_467 = arith.cmpf ogt, %get3A_466, %select_n3A_458 : vector<8x2048xf32>
    %select_n3A_468 = arith.select %gt3A_467, %get3A_466, %select_n3A_458 : vector<8x2048xi1>, vector<8x2048xf32>
    %jit3A_469 = arith.constant 47 : i32
    %broadcast_in_dim3A_470 = vector.broadcast %jit3A_469 : i32 to vector<8x2048xi32>
    %select_n3A_471 = arith.select %gt3A_467, %broadcast_in_dim3A_470, %select_n3A_461 : vector<8x2048xi1>, vector<8x2048xi32>
    %get3A_472 = arith.constant 48 : index
    %get3A_473 = arith.constant 0 : index
    %get3A_474 = arith.constant 0 : index
    %get3A_475 = vector.load %arg1[%get3A_472, %get3A_473, %get3A_474] : memref<92x8x2048xf32, #tpu.memory_space<vmem>>, vector<1x8x2048xf32>
    %get3A_476 = vector.shape_cast %get3A_475 : vector<1x8x2048xf32> to vector<8x2048xf32>
    %gt3A_477 = arith.cmpf ogt, %get3A_476, %select_n3A_468 : vector<8x2048xf32>
    %select_n3A_478 = arith.select %gt3A_477, %get3A_476, %select_n3A_468 : vector<8x2048xi1>, vector<8x2048xf32>
    %jit3A_479 = arith.constant 48 : i32
    %broadcast_in_dim3A_480 = vector.broadcast %jit3A_479 : i32 to vector<8x2048xi32>
    %select_n3A_481 = arith.select %gt3A_477, %broadcast_in_dim3A_480, %select_n3A_471 : vector<8x2048xi1>, vector<8x2048xi32>
    %get3A_482 = arith.constant 49 : index
    %get3A_483 = arith.constant 0 : index
    %get3A_484 = arith.constant 0 : index
    %get3A_485 = vector.load %arg1[%get3A_482, %get3A_483, %get3A_484] : memref<92x8x2048xf32, #tpu.memory_space<vmem>>, vector<1x8x2048xf32>
    %get3A_486 = vector.shape_cast %get3A_485 : vector<1x8x2048xf32> to vector<8x2048xf32>
    %gt3A_487 = arith.cmpf ogt, %get3A_486, %select_n3A_478 : vector<8x2048xf32>
    %select_n3A_488 = arith.select %gt3A_487, %get3A_486, %select_n3A_478 : vector<8x2048xi1>, vector<8x2048xf32>
    %jit3A_489 = arith.constant 49 : i32
    %broadcast_in_dim3A_490 = vector.broadcast %jit3A_489 : i32 to vector<8x2048xi32>
    %select_n3A_491 = arith.select %gt3A_487, %broadcast_in_dim3A_490, %select_n3A_481 : vector<8x2048xi1>, vector<8x2048xi32>
    %get3A_492 = arith.constant 50 : index
    %get3A_493 = arith.constant 0 : index
    %get3A_494 = arith.constant 0 : index
    %get3A_495 = vector.load %arg1[%get3A_492, %get3A_493, %get3A_494] : memref<92x8x2048xf32, #tpu.memory_space<vmem>>, vector<1x8x2048xf32>
    %get3A_496 = vector.shape_cast %get3A_495 : vector<1x8x2048xf32> to vector<8x2048xf32>
    %gt3A_497 = arith.cmpf ogt, %get3A_496, %select_n3A_488 : vector<8x2048xf32>
    %select_n3A_498 = arith.select %gt3A_497, %get3A_496, %select_n3A_488 : vector<8x2048xi1>, vector<8x2048xf32>
    %jit3A_499 = arith.constant 50 : i32
    %broadcast_in_dim3A_500 = vector.broadcast %jit3A_499 : i32 to vector<8x2048xi32>
    %select_n3A_501 = arith.select %gt3A_497, %broadcast_in_dim3A_500, %select_n3A_491 : vector<8x2048xi1>, vector<8x2048xi32>
    %get3A_502 = arith.constant 51 : index
    %get3A_503 = arith.constant 0 : index
    %get3A_504 = arith.constant 0 : index
    %get3A_505 = vector.load %arg1[%get3A_502, %get3A_503, %get3A_504] : memref<92x8x2048xf32, #tpu.memory_space<vmem>>, vector<1x8x2048xf32>
    %get3A_506 = vector.shape_cast %get3A_505 : vector<1x8x2048xf32> to vector<8x2048xf32>
    %gt3A_507 = arith.cmpf ogt, %get3A_506, %select_n3A_498 : vector<8x2048xf32>
    %select_n3A_508 = arith.select %gt3A_507, %get3A_506, %select_n3A_498 : vector<8x2048xi1>, vector<8x2048xf32>
    %jit3A_509 = arith.constant 51 : i32
    %broadcast_in_dim3A_510 = vector.broadcast %jit3A_509 : i32 to vector<8x2048xi32>
    %select_n3A_511 = arith.select %gt3A_507, %broadcast_in_dim3A_510, %select_n3A_501 : vector<8x2048xi1>, vector<8x2048xi32>
    %get3A_512 = arith.constant 52 : index
    %get3A_513 = arith.constant 0 : index
    %get3A_514 = arith.constant 0 : index
    %get3A_515 = vector.load %arg1[%get3A_512, %get3A_513, %get3A_514] : memref<92x8x2048xf32, #tpu.memory_space<vmem>>, vector<1x8x2048xf32>
    %get3A_516 = vector.shape_cast %get3A_515 : vector<1x8x2048xf32> to vector<8x2048xf32>
    %gt3A_517 = arith.cmpf ogt, %get3A_516, %select_n3A_508 : vector<8x2048xf32>
    %select_n3A_518 = arith.select %gt3A_517, %get3A_516, %select_n3A_508 : vector<8x2048xi1>, vector<8x2048xf32>
    %jit3A_519 = arith.constant 52 : i32
    %broadcast_in_dim3A_520 = vector.broadcast %jit3A_519 : i32 to vector<8x2048xi32>
    %select_n3A_521 = arith.select %gt3A_517, %broadcast_in_dim3A_520, %select_n3A_511 : vector<8x2048xi1>, vector<8x2048xi32>
    %get3A_522 = arith.constant 53 : index
    %get3A_523 = arith.constant 0 : index
    %get3A_524 = arith.constant 0 : index
    %get3A_525 = vector.load %arg1[%get3A_522, %get3A_523, %get3A_524] : memref<92x8x2048xf32, #tpu.memory_space<vmem>>, vector<1x8x2048xf32>
    %get3A_526 = vector.shape_cast %get3A_525 : vector<1x8x2048xf32> to vector<8x2048xf32>
    %gt3A_527 = arith.cmpf ogt, %get3A_526, %select_n3A_518 : vector<8x2048xf32>
    %select_n3A_528 = arith.select %gt3A_527, %get3A_526, %select_n3A_518 : vector<8x2048xi1>, vector<8x2048xf32>
    %jit3A_529 = arith.constant 53 : i32
    %broadcast_in_dim3A_530 = vector.broadcast %jit3A_529 : i32 to vector<8x2048xi32>
    %select_n3A_531 = arith.select %gt3A_527, %broadcast_in_dim3A_530, %select_n3A_521 : vector<8x2048xi1>, vector<8x2048xi32>
    %get3A_532 = arith.constant 54 : index
    %get3A_533 = arith.constant 0 : index
    %get3A_534 = arith.constant 0 : index
    %get3A_535 = vector.load %arg1[%get3A_532, %get3A_533, %get3A_534] : memref<92x8x2048xf32, #tpu.memory_space<vmem>>, vector<1x8x2048xf32>
    %get3A_536 = vector.shape_cast %get3A_535 : vector<1x8x2048xf32> to vector<8x2048xf32>
    %gt3A_537 = arith.cmpf ogt, %get3A_536, %select_n3A_528 : vector<8x2048xf32>
    %select_n3A_538 = arith.select %gt3A_537, %get3A_536, %select_n3A_528 : vector<8x2048xi1>, vector<8x2048xf32>
    %jit3A_539 = arith.constant 54 : i32
    %broadcast_in_dim3A_540 = vector.broadcast %jit3A_539 : i32 to vector<8x2048xi32>
    %select_n3A_541 = arith.select %gt3A_537, %broadcast_in_dim3A_540, %select_n3A_531 : vector<8x2048xi1>, vector<8x2048xi32>
    %get3A_542 = arith.constant 55 : index
    %get3A_543 = arith.constant 0 : index
    %get3A_544 = arith.constant 0 : index
    %get3A_545 = vector.load %arg1[%get3A_542, %get3A_543, %get3A_544] : memref<92x8x2048xf32, #tpu.memory_space<vmem>>, vector<1x8x2048xf32>
    %get3A_546 = vector.shape_cast %get3A_545 : vector<1x8x2048xf32> to vector<8x2048xf32>
    %gt3A_547 = arith.cmpf ogt, %get3A_546, %select_n3A_538 : vector<8x2048xf32>
    %select_n3A_548 = arith.select %gt3A_547, %get3A_546, %select_n3A_538 : vector<8x2048xi1>, vector<8x2048xf32>
    %jit3A_549 = arith.constant 55 : i32
    %broadcast_in_dim3A_550 = vector.broadcast %jit3A_549 : i32 to vector<8x2048xi32>
    %select_n3A_551 = arith.select %gt3A_547, %broadcast_in_dim3A_550, %select_n3A_541 : vector<8x2048xi1>, vector<8x2048xi32>
    %get3A_552 = arith.constant 56 : index
    %get3A_553 = arith.constant 0 : index
    %get3A_554 = arith.constant 0 : index
    %get3A_555 = vector.load %arg1[%get3A_552, %get3A_553, %get3A_554] : memref<92x8x2048xf32, #tpu.memory_space<vmem>>, vector<1x8x2048xf32>
    %get3A_556 = vector.shape_cast %get3A_555 : vector<1x8x2048xf32> to vector<8x2048xf32>
    %gt3A_557 = arith.cmpf ogt, %get3A_556, %select_n3A_548 : vector<8x2048xf32>
    %select_n3A_558 = arith.select %gt3A_557, %get3A_556, %select_n3A_548 : vector<8x2048xi1>, vector<8x2048xf32>
    %jit3A_559 = arith.constant 56 : i32
    %broadcast_in_dim3A_560 = vector.broadcast %jit3A_559 : i32 to vector<8x2048xi32>
    %select_n3A_561 = arith.select %gt3A_557, %broadcast_in_dim3A_560, %select_n3A_551 : vector<8x2048xi1>, vector<8x2048xi32>
    %get3A_562 = arith.constant 57 : index
    %get3A_563 = arith.constant 0 : index
    %get3A_564 = arith.constant 0 : index
    %get3A_565 = vector.load %arg1[%get3A_562, %get3A_563, %get3A_564] : memref<92x8x2048xf32, #tpu.memory_space<vmem>>, vector<1x8x2048xf32>
    %get3A_566 = vector.shape_cast %get3A_565 : vector<1x8x2048xf32> to vector<8x2048xf32>
    %gt3A_567 = arith.cmpf ogt, %get3A_566, %select_n3A_558 : vector<8x2048xf32>
    %select_n3A_568 = arith.select %gt3A_567, %get3A_566, %select_n3A_558 : vector<8x2048xi1>, vector<8x2048xf32>
    %jit3A_569 = arith.constant 57 : i32
    %broadcast_in_dim3A_570 = vector.broadcast %jit3A_569 : i32 to vector<8x2048xi32>
    %select_n3A_571 = arith.select %gt3A_567, %broadcast_in_dim3A_570, %select_n3A_561 : vector<8x2048xi1>, vector<8x2048xi32>
    %get3A_572 = arith.constant 58 : index
    %get3A_573 = arith.constant 0 : index
    %get3A_574 = arith.constant 0 : index
    %get3A_575 = vector.load %arg1[%get3A_572, %get3A_573, %get3A_574] : memref<92x8x2048xf32, #tpu.memory_space<vmem>>, vector<1x8x2048xf32>
    %get3A_576 = vector.shape_cast %get3A_575 : vector<1x8x2048xf32> to vector<8x2048xf32>
    %gt3A_577 = arith.cmpf ogt, %get3A_576, %select_n3A_568 : vector<8x2048xf32>
    %select_n3A_578 = arith.select %gt3A_577, %get3A_576, %select_n3A_568 : vector<8x2048xi1>, vector<8x2048xf32>
    %jit3A_579 = arith.constant 58 : i32
    %broadcast_in_dim3A_580 = vector.broadcast %jit3A_579 : i32 to vector<8x2048xi32>
    %select_n3A_581 = arith.select %gt3A_577, %broadcast_in_dim3A_580, %select_n3A_571 : vector<8x2048xi1>, vector<8x2048xi32>
    %get3A_582 = arith.constant 59 : index
    %get3A_583 = arith.constant 0 : index
    %get3A_584 = arith.constant 0 : index
    %get3A_585 = vector.load %arg1[%get3A_582, %get3A_583, %get3A_584] : memref<92x8x2048xf32, #tpu.memory_space<vmem>>, vector<1x8x2048xf32>
    %get3A_586 = vector.shape_cast %get3A_585 : vector<1x8x2048xf32> to vector<8x2048xf32>
    %gt3A_587 = arith.cmpf ogt, %get3A_586, %select_n3A_578 : vector<8x2048xf32>
    %select_n3A_588 = arith.select %gt3A_587, %get3A_586, %select_n3A_578 : vector<8x2048xi1>, vector<8x2048xf32>
    %jit3A_589 = arith.constant 59 : i32
    %broadcast_in_dim3A_590 = vector.broadcast %jit3A_589 : i32 to vector<8x2048xi32>
    %select_n3A_591 = arith.select %gt3A_587, %broadcast_in_dim3A_590, %select_n3A_581 : vector<8x2048xi1>, vector<8x2048xi32>
    %get3A_592 = arith.constant 60 : index
    %get3A_593 = arith.constant 0 : index
    %get3A_594 = arith.constant 0 : index
    %get3A_595 = vector.load %arg1[%get3A_592, %get3A_593, %get3A_594] : memref<92x8x2048xf32, #tpu.memory_space<vmem>>, vector<1x8x2048xf32>
    %get3A_596 = vector.shape_cast %get3A_595 : vector<1x8x2048xf32> to vector<8x2048xf32>
    %gt3A_597 = arith.cmpf ogt, %get3A_596, %select_n3A_588 : vector<8x2048xf32>
    %select_n3A_598 = arith.select %gt3A_597, %get3A_596, %select_n3A_588 : vector<8x2048xi1>, vector<8x2048xf32>
    %jit3A_599 = arith.constant 60 : i32
    %broadcast_in_dim3A_600 = vector.broadcast %jit3A_599 : i32 to vector<8x2048xi32>
    %select_n3A_601 = arith.select %gt3A_597, %broadcast_in_dim3A_600, %select_n3A_591 : vector<8x2048xi1>, vector<8x2048xi32>
    %get3A_602 = arith.constant 61 : index
    %get3A_603 = arith.constant 0 : index
    %get3A_604 = arith.constant 0 : index
    %get3A_605 = vector.load %arg1[%get3A_602, %get3A_603, %get3A_604] : memref<92x8x2048xf32, #tpu.memory_space<vmem>>, vector<1x8x2048xf32>
    %get3A_606 = vector.shape_cast %get3A_605 : vector<1x8x2048xf32> to vector<8x2048xf32>
    %gt3A_607 = arith.cmpf ogt, %get3A_606, %select_n3A_598 : vector<8x2048xf32>
    %select_n3A_608 = arith.select %gt3A_607, %get3A_606, %select_n3A_598 : vector<8x2048xi1>, vector<8x2048xf32>
    %jit3A_609 = arith.constant 61 : i32
    %broadcast_in_dim3A_610 = vector.broadcast %jit3A_609 : i32 to vector<8x2048xi32>
    %select_n3A_611 = arith.select %gt3A_607, %broadcast_in_dim3A_610, %select_n3A_601 : vector<8x2048xi1>, vector<8x2048xi32>
    %get3A_612 = arith.constant 62 : index
    %get3A_613 = arith.constant 0 : index
    %get3A_614 = arith.constant 0 : index
    %get3A_615 = vector.load %arg1[%get3A_612, %get3A_613, %get3A_614] : memref<92x8x2048xf32, #tpu.memory_space<vmem>>, vector<1x8x2048xf32>
    %get3A_616 = vector.shape_cast %get3A_615 : vector<1x8x2048xf32> to vector<8x2048xf32>
    %gt3A_617 = arith.cmpf ogt, %get3A_616, %select_n3A_608 : vector<8x2048xf32>
    %select_n3A_618 = arith.select %gt3A_617, %get3A_616, %select_n3A_608 : vector<8x2048xi1>, vector<8x2048xf32>
    %jit3A_619 = arith.constant 62 : i32
    %broadcast_in_dim3A_620 = vector.broadcast %jit3A_619 : i32 to vector<8x2048xi32>
    %select_n3A_621 = arith.select %gt3A_617, %broadcast_in_dim3A_620, %select_n3A_611 : vector<8x2048xi1>, vector<8x2048xi32>
    %get3A_622 = arith.constant 63 : index
    %get3A_623 = arith.constant 0 : index
    %get3A_624 = arith.constant 0 : index
    %get3A_625 = vector.load %arg1[%get3A_622, %get3A_623, %get3A_624] : memref<92x8x2048xf32, #tpu.memory_space<vmem>>, vector<1x8x2048xf32>
    %get3A_626 = vector.shape_cast %get3A_625 : vector<1x8x2048xf32> to vector<8x2048xf32>
    %gt3A_627 = arith.cmpf ogt, %get3A_626, %select_n3A_618 : vector<8x2048xf32>
    %select_n3A_628 = arith.select %gt3A_627, %get3A_626, %select_n3A_618 : vector<8x2048xi1>, vector<8x2048xf32>
    %jit3A_629 = arith.constant 63 : i32
    %broadcast_in_dim3A_630 = vector.broadcast %jit3A_629 : i32 to vector<8x2048xi32>
    %select_n3A_631 = arith.select %gt3A_627, %broadcast_in_dim3A_630, %select_n3A_621 : vector<8x2048xi1>, vector<8x2048xi32>
    %get3A_632 = arith.constant 64 : index
    %get3A_633 = arith.constant 0 : index
    %get3A_634 = arith.constant 0 : index
    %get3A_635 = vector.load %arg1[%get3A_632, %get3A_633, %get3A_634] : memref<92x8x2048xf32, #tpu.memory_space<vmem>>, vector<1x8x2048xf32>
    %get3A_636 = vector.shape_cast %get3A_635 : vector<1x8x2048xf32> to vector<8x2048xf32>
    %gt3A_637 = arith.cmpf ogt, %get3A_636, %select_n3A_628 : vector<8x2048xf32>
    %select_n3A_638 = arith.select %gt3A_637, %get3A_636, %select_n3A_628 : vector<8x2048xi1>, vector<8x2048xf32>
    %jit3A_639 = arith.constant 64 : i32
    %broadcast_in_dim3A_640 = vector.broadcast %jit3A_639 : i32 to vector<8x2048xi32>
    %select_n3A_641 = arith.select %gt3A_637, %broadcast_in_dim3A_640, %select_n3A_631 : vector<8x2048xi1>, vector<8x2048xi32>
    %get3A_642 = arith.constant 65 : index
    %get3A_643 = arith.constant 0 : index
    %get3A_644 = arith.constant 0 : index
    %get3A_645 = vector.load %arg1[%get3A_642, %get3A_643, %get3A_644] : memref<92x8x2048xf32, #tpu.memory_space<vmem>>, vector<1x8x2048xf32>
    %get3A_646 = vector.shape_cast %get3A_645 : vector<1x8x2048xf32> to vector<8x2048xf32>
    %gt3A_647 = arith.cmpf ogt, %get3A_646, %select_n3A_638 : vector<8x2048xf32>
    %select_n3A_648 = arith.select %gt3A_647, %get3A_646, %select_n3A_638 : vector<8x2048xi1>, vector<8x2048xf32>
    %jit3A_649 = arith.constant 65 : i32
    %broadcast_in_dim3A_650 = vector.broadcast %jit3A_649 : i32 to vector<8x2048xi32>
    %select_n3A_651 = arith.select %gt3A_647, %broadcast_in_dim3A_650, %select_n3A_641 : vector<8x2048xi1>, vector<8x2048xi32>
    %get3A_652 = arith.constant 66 : index
    %get3A_653 = arith.constant 0 : index
    %get3A_654 = arith.constant 0 : index
    %get3A_655 = vector.load %arg1[%get3A_652, %get3A_653, %get3A_654] : memref<92x8x2048xf32, #tpu.memory_space<vmem>>, vector<1x8x2048xf32>
    %get3A_656 = vector.shape_cast %get3A_655 : vector<1x8x2048xf32> to vector<8x2048xf32>
    %gt3A_657 = arith.cmpf ogt, %get3A_656, %select_n3A_648 : vector<8x2048xf32>
    %select_n3A_658 = arith.select %gt3A_657, %get3A_656, %select_n3A_648 : vector<8x2048xi1>, vector<8x2048xf32>
    %jit3A_659 = arith.constant 66 : i32
    %broadcast_in_dim3A_660 = vector.broadcast %jit3A_659 : i32 to vector<8x2048xi32>
    %select_n3A_661 = arith.select %gt3A_657, %broadcast_in_dim3A_660, %select_n3A_651 : vector<8x2048xi1>, vector<8x2048xi32>
    %get3A_662 = arith.constant 67 : index
    %get3A_663 = arith.constant 0 : index
    %get3A_664 = arith.constant 0 : index
    %get3A_665 = vector.load %arg1[%get3A_662, %get3A_663, %get3A_664] : memref<92x8x2048xf32, #tpu.memory_space<vmem>>, vector<1x8x2048xf32>
    %get3A_666 = vector.shape_cast %get3A_665 : vector<1x8x2048xf32> to vector<8x2048xf32>
    %gt3A_667 = arith.cmpf ogt, %get3A_666, %select_n3A_658 : vector<8x2048xf32>
    %select_n3A_668 = arith.select %gt3A_667, %get3A_666, %select_n3A_658 : vector<8x2048xi1>, vector<8x2048xf32>
    %jit3A_669 = arith.constant 67 : i32
    %broadcast_in_dim3A_670 = vector.broadcast %jit3A_669 : i32 to vector<8x2048xi32>
    %select_n3A_671 = arith.select %gt3A_667, %broadcast_in_dim3A_670, %select_n3A_661 : vector<8x2048xi1>, vector<8x2048xi32>
    %get3A_672 = arith.constant 68 : index
    %get3A_673 = arith.constant 0 : index
    %get3A_674 = arith.constant 0 : index
    %get3A_675 = vector.load %arg1[%get3A_672, %get3A_673, %get3A_674] : memref<92x8x2048xf32, #tpu.memory_space<vmem>>, vector<1x8x2048xf32>
    %get3A_676 = vector.shape_cast %get3A_675 : vector<1x8x2048xf32> to vector<8x2048xf32>
    %gt3A_677 = arith.cmpf ogt, %get3A_676, %select_n3A_668 : vector<8x2048xf32>
    %select_n3A_678 = arith.select %gt3A_677, %get3A_676, %select_n3A_668 : vector<8x2048xi1>, vector<8x2048xf32>
    %jit3A_679 = arith.constant 68 : i32
    %broadcast_in_dim3A_680 = vector.broadcast %jit3A_679 : i32 to vector<8x2048xi32>
    %select_n3A_681 = arith.select %gt3A_677, %broadcast_in_dim3A_680, %select_n3A_671 : vector<8x2048xi1>, vector<8x2048xi32>
    %get3A_682 = arith.constant 69 : index
    %get3A_683 = arith.constant 0 : index
    %get3A_684 = arith.constant 0 : index
    %get3A_685 = vector.load %arg1[%get3A_682, %get3A_683, %get3A_684] : memref<92x8x2048xf32, #tpu.memory_space<vmem>>, vector<1x8x2048xf32>
    %get3A_686 = vector.shape_cast %get3A_685 : vector<1x8x2048xf32> to vector<8x2048xf32>
    %gt3A_687 = arith.cmpf ogt, %get3A_686, %select_n3A_678 : vector<8x2048xf32>
    %select_n3A_688 = arith.select %gt3A_687, %get3A_686, %select_n3A_678 : vector<8x2048xi1>, vector<8x2048xf32>
    %jit3A_689 = arith.constant 69 : i32
    %broadcast_in_dim3A_690 = vector.broadcast %jit3A_689 : i32 to vector<8x2048xi32>
    %select_n3A_691 = arith.select %gt3A_687, %broadcast_in_dim3A_690, %select_n3A_681 : vector<8x2048xi1>, vector<8x2048xi32>
    %get3A_692 = arith.constant 70 : index
    %get3A_693 = arith.constant 0 : index
    %get3A_694 = arith.constant 0 : index
    %get3A_695 = vector.load %arg1[%get3A_692, %get3A_693, %get3A_694] : memref<92x8x2048xf32, #tpu.memory_space<vmem>>, vector<1x8x2048xf32>
    %get3A_696 = vector.shape_cast %get3A_695 : vector<1x8x2048xf32> to vector<8x2048xf32>
    %gt3A_697 = arith.cmpf ogt, %get3A_696, %select_n3A_688 : vector<8x2048xf32>
    %select_n3A_698 = arith.select %gt3A_697, %get3A_696, %select_n3A_688 : vector<8x2048xi1>, vector<8x2048xf32>
    %jit3A_699 = arith.constant 70 : i32
    %broadcast_in_dim3A_700 = vector.broadcast %jit3A_699 : i32 to vector<8x2048xi32>
    %select_n3A_701 = arith.select %gt3A_697, %broadcast_in_dim3A_700, %select_n3A_691 : vector<8x2048xi1>, vector<8x2048xi32>
    %get3A_702 = arith.constant 71 : index
    %get3A_703 = arith.constant 0 : index
    %get3A_704 = arith.constant 0 : index
    %get3A_705 = vector.load %arg1[%get3A_702, %get3A_703, %get3A_704] : memref<92x8x2048xf32, #tpu.memory_space<vmem>>, vector<1x8x2048xf32>
    %get3A_706 = vector.shape_cast %get3A_705 : vector<1x8x2048xf32> to vector<8x2048xf32>
    %gt3A_707 = arith.cmpf ogt, %get3A_706, %select_n3A_698 : vector<8x2048xf32>
    %select_n3A_708 = arith.select %gt3A_707, %get3A_706, %select_n3A_698 : vector<8x2048xi1>, vector<8x2048xf32>
    %jit3A_709 = arith.constant 71 : i32
    %broadcast_in_dim3A_710 = vector.broadcast %jit3A_709 : i32 to vector<8x2048xi32>
    %select_n3A_711 = arith.select %gt3A_707, %broadcast_in_dim3A_710, %select_n3A_701 : vector<8x2048xi1>, vector<8x2048xi32>
    %get3A_712 = arith.constant 72 : index
    %get3A_713 = arith.constant 0 : index
    %get3A_714 = arith.constant 0 : index
    %get3A_715 = vector.load %arg1[%get3A_712, %get3A_713, %get3A_714] : memref<92x8x2048xf32, #tpu.memory_space<vmem>>, vector<1x8x2048xf32>
    %get3A_716 = vector.shape_cast %get3A_715 : vector<1x8x2048xf32> to vector<8x2048xf32>
    %gt3A_717 = arith.cmpf ogt, %get3A_716, %select_n3A_708 : vector<8x2048xf32>
    %select_n3A_718 = arith.select %gt3A_717, %get3A_716, %select_n3A_708 : vector<8x2048xi1>, vector<8x2048xf32>
    %jit3A_719 = arith.constant 72 : i32
    %broadcast_in_dim3A_720 = vector.broadcast %jit3A_719 : i32 to vector<8x2048xi32>
    %select_n3A_721 = arith.select %gt3A_717, %broadcast_in_dim3A_720, %select_n3A_711 : vector<8x2048xi1>, vector<8x2048xi32>
    %get3A_722 = arith.constant 73 : index
    %get3A_723 = arith.constant 0 : index
    %get3A_724 = arith.constant 0 : index
    %get3A_725 = vector.load %arg1[%get3A_722, %get3A_723, %get3A_724] : memref<92x8x2048xf32, #tpu.memory_space<vmem>>, vector<1x8x2048xf32>
    %get3A_726 = vector.shape_cast %get3A_725 : vector<1x8x2048xf32> to vector<8x2048xf32>
    %gt3A_727 = arith.cmpf ogt, %get3A_726, %select_n3A_718 : vector<8x2048xf32>
    %select_n3A_728 = arith.select %gt3A_727, %get3A_726, %select_n3A_718 : vector<8x2048xi1>, vector<8x2048xf32>
    %jit3A_729 = arith.constant 73 : i32
    %broadcast_in_dim3A_730 = vector.broadcast %jit3A_729 : i32 to vector<8x2048xi32>
    %select_n3A_731 = arith.select %gt3A_727, %broadcast_in_dim3A_730, %select_n3A_721 : vector<8x2048xi1>, vector<8x2048xi32>
    %get3A_732 = arith.constant 74 : index
    %get3A_733 = arith.constant 0 : index
    %get3A_734 = arith.constant 0 : index
    %get3A_735 = vector.load %arg1[%get3A_732, %get3A_733, %get3A_734] : memref<92x8x2048xf32, #tpu.memory_space<vmem>>, vector<1x8x2048xf32>
    %get3A_736 = vector.shape_cast %get3A_735 : vector<1x8x2048xf32> to vector<8x2048xf32>
    %gt3A_737 = arith.cmpf ogt, %get3A_736, %select_n3A_728 : vector<8x2048xf32>
    %select_n3A_738 = arith.select %gt3A_737, %get3A_736, %select_n3A_728 : vector<8x2048xi1>, vector<8x2048xf32>
    %jit3A_739 = arith.constant 74 : i32
    %broadcast_in_dim3A_740 = vector.broadcast %jit3A_739 : i32 to vector<8x2048xi32>
    %select_n3A_741 = arith.select %gt3A_737, %broadcast_in_dim3A_740, %select_n3A_731 : vector<8x2048xi1>, vector<8x2048xi32>
    %get3A_742 = arith.constant 75 : index
    %get3A_743 = arith.constant 0 : index
    %get3A_744 = arith.constant 0 : index
    %get3A_745 = vector.load %arg1[%get3A_742, %get3A_743, %get3A_744] : memref<92x8x2048xf32, #tpu.memory_space<vmem>>, vector<1x8x2048xf32>
    %get3A_746 = vector.shape_cast %get3A_745 : vector<1x8x2048xf32> to vector<8x2048xf32>
    %gt3A_747 = arith.cmpf ogt, %get3A_746, %select_n3A_738 : vector<8x2048xf32>
    %select_n3A_748 = arith.select %gt3A_747, %get3A_746, %select_n3A_738 : vector<8x2048xi1>, vector<8x2048xf32>
    %jit3A_749 = arith.constant 75 : i32
    %broadcast_in_dim3A_750 = vector.broadcast %jit3A_749 : i32 to vector<8x2048xi32>
    %select_n3A_751 = arith.select %gt3A_747, %broadcast_in_dim3A_750, %select_n3A_741 : vector<8x2048xi1>, vector<8x2048xi32>
    %get3A_752 = arith.constant 76 : index
    %get3A_753 = arith.constant 0 : index
    %get3A_754 = arith.constant 0 : index
    %get3A_755 = vector.load %arg1[%get3A_752, %get3A_753, %get3A_754] : memref<92x8x2048xf32, #tpu.memory_space<vmem>>, vector<1x8x2048xf32>
    %get3A_756 = vector.shape_cast %get3A_755 : vector<1x8x2048xf32> to vector<8x2048xf32>
    %gt3A_757 = arith.cmpf ogt, %get3A_756, %select_n3A_748 : vector<8x2048xf32>
    %select_n3A_758 = arith.select %gt3A_757, %get3A_756, %select_n3A_748 : vector<8x2048xi1>, vector<8x2048xf32>
    %jit3A_759 = arith.constant 76 : i32
    %broadcast_in_dim3A_760 = vector.broadcast %jit3A_759 : i32 to vector<8x2048xi32>
    %select_n3A_761 = arith.select %gt3A_757, %broadcast_in_dim3A_760, %select_n3A_751 : vector<8x2048xi1>, vector<8x2048xi32>
    %get3A_762 = arith.constant 77 : index
    %get3A_763 = arith.constant 0 : index
    %get3A_764 = arith.constant 0 : index
    %get3A_765 = vector.load %arg1[%get3A_762, %get3A_763, %get3A_764] : memref<92x8x2048xf32, #tpu.memory_space<vmem>>, vector<1x8x2048xf32>
    %get3A_766 = vector.shape_cast %get3A_765 : vector<1x8x2048xf32> to vector<8x2048xf32>
    %gt3A_767 = arith.cmpf ogt, %get3A_766, %select_n3A_758 : vector<8x2048xf32>
    %select_n3A_768 = arith.select %gt3A_767, %get3A_766, %select_n3A_758 : vector<8x2048xi1>, vector<8x2048xf32>
    %jit3A_769 = arith.constant 77 : i32
    %broadcast_in_dim3A_770 = vector.broadcast %jit3A_769 : i32 to vector<8x2048xi32>
    %select_n3A_771 = arith.select %gt3A_767, %broadcast_in_dim3A_770, %select_n3A_761 : vector<8x2048xi1>, vector<8x2048xi32>
    %get3A_772 = arith.constant 78 : index
    %get3A_773 = arith.constant 0 : index
    %get3A_774 = arith.constant 0 : index
    %get3A_775 = vector.load %arg1[%get3A_772, %get3A_773, %get3A_774] : memref<92x8x2048xf32, #tpu.memory_space<vmem>>, vector<1x8x2048xf32>
    %get3A_776 = vector.shape_cast %get3A_775 : vector<1x8x2048xf32> to vector<8x2048xf32>
    %gt3A_777 = arith.cmpf ogt, %get3A_776, %select_n3A_768 : vector<8x2048xf32>
    %select_n3A_778 = arith.select %gt3A_777, %get3A_776, %select_n3A_768 : vector<8x2048xi1>, vector<8x2048xf32>
    %jit3A_779 = arith.constant 78 : i32
    %broadcast_in_dim3A_780 = vector.broadcast %jit3A_779 : i32 to vector<8x2048xi32>
    %select_n3A_781 = arith.select %gt3A_777, %broadcast_in_dim3A_780, %select_n3A_771 : vector<8x2048xi1>, vector<8x2048xi32>
    %get3A_782 = arith.constant 79 : index
    %get3A_783 = arith.constant 0 : index
    %get3A_784 = arith.constant 0 : index
    %get3A_785 = vector.load %arg1[%get3A_782, %get3A_783, %get3A_784] : memref<92x8x2048xf32, #tpu.memory_space<vmem>>, vector<1x8x2048xf32>
    %get3A_786 = vector.shape_cast %get3A_785 : vector<1x8x2048xf32> to vector<8x2048xf32>
    %gt3A_787 = arith.cmpf ogt, %get3A_786, %select_n3A_778 : vector<8x2048xf32>
    %select_n3A_788 = arith.select %gt3A_787, %get3A_786, %select_n3A_778 : vector<8x2048xi1>, vector<8x2048xf32>
    %jit3A_789 = arith.constant 79 : i32
    %broadcast_in_dim3A_790 = vector.broadcast %jit3A_789 : i32 to vector<8x2048xi32>
    %select_n3A_791 = arith.select %gt3A_787, %broadcast_in_dim3A_790, %select_n3A_781 : vector<8x2048xi1>, vector<8x2048xi32>
    %get3A_792 = arith.constant 80 : index
    %get3A_793 = arith.constant 0 : index
    %get3A_794 = arith.constant 0 : index
    %get3A_795 = vector.load %arg1[%get3A_792, %get3A_793, %get3A_794] : memref<92x8x2048xf32, #tpu.memory_space<vmem>>, vector<1x8x2048xf32>
    %get3A_796 = vector.shape_cast %get3A_795 : vector<1x8x2048xf32> to vector<8x2048xf32>
    %gt3A_797 = arith.cmpf ogt, %get3A_796, %select_n3A_788 : vector<8x2048xf32>
    %select_n3A_798 = arith.select %gt3A_797, %get3A_796, %select_n3A_788 : vector<8x2048xi1>, vector<8x2048xf32>
    %jit3A_799 = arith.constant 80 : i32
    %broadcast_in_dim3A_800 = vector.broadcast %jit3A_799 : i32 to vector<8x2048xi32>
    %select_n3A_801 = arith.select %gt3A_797, %broadcast_in_dim3A_800, %select_n3A_791 : vector<8x2048xi1>, vector<8x2048xi32>
    %get3A_802 = arith.constant 81 : index
    %get3A_803 = arith.constant 0 : index
    %get3A_804 = arith.constant 0 : index
    %get3A_805 = vector.load %arg1[%get3A_802, %get3A_803, %get3A_804] : memref<92x8x2048xf32, #tpu.memory_space<vmem>>, vector<1x8x2048xf32>
    %get3A_806 = vector.shape_cast %get3A_805 : vector<1x8x2048xf32> to vector<8x2048xf32>
    %gt3A_807 = arith.cmpf ogt, %get3A_806, %select_n3A_798 : vector<8x2048xf32>
    %select_n3A_808 = arith.select %gt3A_807, %get3A_806, %select_n3A_798 : vector<8x2048xi1>, vector<8x2048xf32>
    %jit3A_809 = arith.constant 81 : i32
    %broadcast_in_dim3A_810 = vector.broadcast %jit3A_809 : i32 to vector<8x2048xi32>
    %select_n3A_811 = arith.select %gt3A_807, %broadcast_in_dim3A_810, %select_n3A_801 : vector<8x2048xi1>, vector<8x2048xi32>
    %get3A_812 = arith.constant 82 : index
    %get3A_813 = arith.constant 0 : index
    %get3A_814 = arith.constant 0 : index
    %get3A_815 = vector.load %arg1[%get3A_812, %get3A_813, %get3A_814] : memref<92x8x2048xf32, #tpu.memory_space<vmem>>, vector<1x8x2048xf32>
    %get3A_816 = vector.shape_cast %get3A_815 : vector<1x8x2048xf32> to vector<8x2048xf32>
    %gt3A_817 = arith.cmpf ogt, %get3A_816, %select_n3A_808 : vector<8x2048xf32>
    %select_n3A_818 = arith.select %gt3A_817, %get3A_816, %select_n3A_808 : vector<8x2048xi1>, vector<8x2048xf32>
    %jit3A_819 = arith.constant 82 : i32
    %broadcast_in_dim3A_820 = vector.broadcast %jit3A_819 : i32 to vector<8x2048xi32>
    %select_n3A_821 = arith.select %gt3A_817, %broadcast_in_dim3A_820, %select_n3A_811 : vector<8x2048xi1>, vector<8x2048xi32>
    %get3A_822 = arith.constant 83 : index
    %get3A_823 = arith.constant 0 : index
    %get3A_824 = arith.constant 0 : index
    %get3A_825 = vector.load %arg1[%get3A_822, %get3A_823, %get3A_824] : memref<92x8x2048xf32, #tpu.memory_space<vmem>>, vector<1x8x2048xf32>
    %get3A_826 = vector.shape_cast %get3A_825 : vector<1x8x2048xf32> to vector<8x2048xf32>
    %gt3A_827 = arith.cmpf ogt, %get3A_826, %select_n3A_818 : vector<8x2048xf32>
    %select_n3A_828 = arith.select %gt3A_827, %get3A_826, %select_n3A_818 : vector<8x2048xi1>, vector<8x2048xf32>
    %jit3A_829 = arith.constant 83 : i32
    %broadcast_in_dim3A_830 = vector.broadcast %jit3A_829 : i32 to vector<8x2048xi32>
    %select_n3A_831 = arith.select %gt3A_827, %broadcast_in_dim3A_830, %select_n3A_821 : vector<8x2048xi1>, vector<8x2048xi32>
    %get3A_832 = arith.constant 84 : index
    %get3A_833 = arith.constant 0 : index
    %get3A_834 = arith.constant 0 : index
    %get3A_835 = vector.load %arg1[%get3A_832, %get3A_833, %get3A_834] : memref<92x8x2048xf32, #tpu.memory_space<vmem>>, vector<1x8x2048xf32>
    %get3A_836 = vector.shape_cast %get3A_835 : vector<1x8x2048xf32> to vector<8x2048xf32>
    %gt3A_837 = arith.cmpf ogt, %get3A_836, %select_n3A_828 : vector<8x2048xf32>
    %select_n3A_838 = arith.select %gt3A_837, %get3A_836, %select_n3A_828 : vector<8x2048xi1>, vector<8x2048xf32>
    %jit3A_839 = arith.constant 84 : i32
    %broadcast_in_dim3A_840 = vector.broadcast %jit3A_839 : i32 to vector<8x2048xi32>
    %select_n3A_841 = arith.select %gt3A_837, %broadcast_in_dim3A_840, %select_n3A_831 : vector<8x2048xi1>, vector<8x2048xi32>
    %get3A_842 = arith.constant 85 : index
    %get3A_843 = arith.constant 0 : index
    %get3A_844 = arith.constant 0 : index
    %get3A_845 = vector.load %arg1[%get3A_842, %get3A_843, %get3A_844] : memref<92x8x2048xf32, #tpu.memory_space<vmem>>, vector<1x8x2048xf32>
    %get3A_846 = vector.shape_cast %get3A_845 : vector<1x8x2048xf32> to vector<8x2048xf32>
    %gt3A_847 = arith.cmpf ogt, %get3A_846, %select_n3A_838 : vector<8x2048xf32>
    %select_n3A_848 = arith.select %gt3A_847, %get3A_846, %select_n3A_838 : vector<8x2048xi1>, vector<8x2048xf32>
    %jit3A_849 = arith.constant 85 : i32
    %broadcast_in_dim3A_850 = vector.broadcast %jit3A_849 : i32 to vector<8x2048xi32>
    %select_n3A_851 = arith.select %gt3A_847, %broadcast_in_dim3A_850, %select_n3A_841 : vector<8x2048xi1>, vector<8x2048xi32>
    %get3A_852 = arith.constant 86 : index
    %get3A_853 = arith.constant 0 : index
    %get3A_854 = arith.constant 0 : index
    %get3A_855 = vector.load %arg1[%get3A_852, %get3A_853, %get3A_854] : memref<92x8x2048xf32, #tpu.memory_space<vmem>>, vector<1x8x2048xf32>
    %get3A_856 = vector.shape_cast %get3A_855 : vector<1x8x2048xf32> to vector<8x2048xf32>
    %gt3A_857 = arith.cmpf ogt, %get3A_856, %select_n3A_848 : vector<8x2048xf32>
    %select_n3A_858 = arith.select %gt3A_857, %get3A_856, %select_n3A_848 : vector<8x2048xi1>, vector<8x2048xf32>
    %jit3A_859 = arith.constant 86 : i32
    %broadcast_in_dim3A_860 = vector.broadcast %jit3A_859 : i32 to vector<8x2048xi32>
    %select_n3A_861 = arith.select %gt3A_857, %broadcast_in_dim3A_860, %select_n3A_851 : vector<8x2048xi1>, vector<8x2048xi32>
    %get3A_862 = arith.constant 87 : index
    %get3A_863 = arith.constant 0 : index
    %get3A_864 = arith.constant 0 : index
    %get3A_865 = vector.load %arg1[%get3A_862, %get3A_863, %get3A_864] : memref<92x8x2048xf32, #tpu.memory_space<vmem>>, vector<1x8x2048xf32>
    %get3A_866 = vector.shape_cast %get3A_865 : vector<1x8x2048xf32> to vector<8x2048xf32>
    %gt3A_867 = arith.cmpf ogt, %get3A_866, %select_n3A_858 : vector<8x2048xf32>
    %select_n3A_868 = arith.select %gt3A_867, %get3A_866, %select_n3A_858 : vector<8x2048xi1>, vector<8x2048xf32>
    %jit3A_869 = arith.constant 87 : i32
    %broadcast_in_dim3A_870 = vector.broadcast %jit3A_869 : i32 to vector<8x2048xi32>
    %select_n3A_871 = arith.select %gt3A_867, %broadcast_in_dim3A_870, %select_n3A_861 : vector<8x2048xi1>, vector<8x2048xi32>
    %get3A_872 = arith.constant 88 : index
    %get3A_873 = arith.constant 0 : index
    %get3A_874 = arith.constant 0 : index
    %get3A_875 = vector.load %arg1[%get3A_872, %get3A_873, %get3A_874] : memref<92x8x2048xf32, #tpu.memory_space<vmem>>, vector<1x8x2048xf32>
    %get3A_876 = vector.shape_cast %get3A_875 : vector<1x8x2048xf32> to vector<8x2048xf32>
    %gt3A_877 = arith.cmpf ogt, %get3A_876, %select_n3A_868 : vector<8x2048xf32>
    %select_n3A_878 = arith.select %gt3A_877, %get3A_876, %select_n3A_868 : vector<8x2048xi1>, vector<8x2048xf32>
    %jit3A_879 = arith.constant 88 : i32
    %broadcast_in_dim3A_880 = vector.broadcast %jit3A_879 : i32 to vector<8x2048xi32>
    %select_n3A_881 = arith.select %gt3A_877, %broadcast_in_dim3A_880, %select_n3A_871 : vector<8x2048xi1>, vector<8x2048xi32>
    %get3A_882 = arith.constant 89 : index
    %get3A_883 = arith.constant 0 : index
    %get3A_884 = arith.constant 0 : index
    %get3A_885 = vector.load %arg1[%get3A_882, %get3A_883, %get3A_884] : memref<92x8x2048xf32, #tpu.memory_space<vmem>>, vector<1x8x2048xf32>
    %get3A_886 = vector.shape_cast %get3A_885 : vector<1x8x2048xf32> to vector<8x2048xf32>
    %gt3A_887 = arith.cmpf ogt, %get3A_886, %select_n3A_878 : vector<8x2048xf32>
    %select_n3A_888 = arith.select %gt3A_887, %get3A_886, %select_n3A_878 : vector<8x2048xi1>, vector<8x2048xf32>
    %jit3A_889 = arith.constant 89 : i32
    %broadcast_in_dim3A_890 = vector.broadcast %jit3A_889 : i32 to vector<8x2048xi32>
    %select_n3A_891 = arith.select %gt3A_887, %broadcast_in_dim3A_890, %select_n3A_881 : vector<8x2048xi1>, vector<8x2048xi32>
    %get3A_892 = arith.constant 90 : index
    %get3A_893 = arith.constant 0 : index
    %get3A_894 = arith.constant 0 : index
    %get3A_895 = vector.load %arg1[%get3A_892, %get3A_893, %get3A_894] : memref<92x8x2048xf32, #tpu.memory_space<vmem>>, vector<1x8x2048xf32>
    %get3A_896 = vector.shape_cast %get3A_895 : vector<1x8x2048xf32> to vector<8x2048xf32>
    %gt3A_897 = arith.cmpf ogt, %get3A_896, %select_n3A_888 : vector<8x2048xf32>
    %select_n3A_898 = arith.select %gt3A_897, %get3A_896, %select_n3A_888 : vector<8x2048xi1>, vector<8x2048xf32>
    %jit3A_899 = arith.constant 90 : i32
    %broadcast_in_dim3A_900 = vector.broadcast %jit3A_899 : i32 to vector<8x2048xi32>
    %select_n3A_901 = arith.select %gt3A_897, %broadcast_in_dim3A_900, %select_n3A_891 : vector<8x2048xi1>, vector<8x2048xi32>
    %get3A_902 = arith.constant 91 : index
    %get3A_903 = arith.constant 0 : index
    %get3A_904 = arith.constant 0 : index
    %get3A_905 = vector.load %arg1[%get3A_902, %get3A_903, %get3A_904] : memref<92x8x2048xf32, #tpu.memory_space<vmem>>, vector<1x8x2048xf32>
    %get3A_906 = vector.shape_cast %get3A_905 : vector<1x8x2048xf32> to vector<8x2048xf32>
    %max3A = arith.maximumf %select_n3A_898, %get3A_906 : vector<8x2048xf32>
    %broadcast_in_dim3A_907 = arith.constant 0.000000e+00 : f32
    %broadcast_in_dim3A_908 = vector.broadcast %broadcast_in_dim3A_907 : f32 to vector<8x2048xf32>
    %get3A_909 = arith.constant 0 : index
    %get3A_910 = arith.constant 0 : index
    %get3A_911 = arith.constant 0 : index
    %get3A_912 = vector.load %arg1[%get3A_909, %get3A_910, %get3A_911] : memref<92x8x2048xf32, #tpu.memory_space<vmem>>, vector<1x8x2048xf32>
    %get3A_913 = vector.shape_cast %get3A_912 : vector<1x8x2048xf32> to vector<8x2048xf32>
    %sub3A = arith.subf %get3A_913, %max3A : vector<8x2048xf32>
    %exp3A = math.exp %sub3A : vector<8x2048xf32>
    %add3A = arith.addf %broadcast_in_dim3A_908, %exp3A : vector<8x2048xf32>
    %get3A_914 = arith.constant 1 : index
    %get3A_915 = arith.constant 0 : index
    %get3A_916 = arith.constant 0 : index
    %get3A_917 = vector.load %arg1[%get3A_914, %get3A_915, %get3A_916] : memref<92x8x2048xf32, #tpu.memory_space<vmem>>, vector<1x8x2048xf32>
    %get3A_918 = vector.shape_cast %get3A_917 : vector<1x8x2048xf32> to vector<8x2048xf32>
    %sub3A_919 = arith.subf %get3A_918, %max3A : vector<8x2048xf32>
    %exp3A_920 = math.exp %sub3A_919 : vector<8x2048xf32>
    %add3A_921 = arith.addf %add3A, %exp3A_920 : vector<8x2048xf32>
    %get3A_922 = arith.constant 2 : index
    %get3A_923 = arith.constant 0 : index
    %get3A_924 = arith.constant 0 : index
    %get3A_925 = vector.load %arg1[%get3A_922, %get3A_923, %get3A_924] : memref<92x8x2048xf32, #tpu.memory_space<vmem>>, vector<1x8x2048xf32>
    %get3A_926 = vector.shape_cast %get3A_925 : vector<1x8x2048xf32> to vector<8x2048xf32>
    %sub3A_927 = arith.subf %get3A_926, %max3A : vector<8x2048xf32>
    %exp3A_928 = math.exp %sub3A_927 : vector<8x2048xf32>
    %add3A_929 = arith.addf %add3A_921, %exp3A_928 : vector<8x2048xf32>
    %get3A_930 = arith.constant 3 : index
    %get3A_931 = arith.constant 0 : index
    %get3A_932 = arith.constant 0 : index
    %get3A_933 = vector.load %arg1[%get3A_930, %get3A_931, %get3A_932] : memref<92x8x2048xf32, #tpu.memory_space<vmem>>, vector<1x8x2048xf32>
    %get3A_934 = vector.shape_cast %get3A_933 : vector<1x8x2048xf32> to vector<8x2048xf32>
    %sub3A_935 = arith.subf %get3A_934, %max3A : vector<8x2048xf32>
    %exp3A_936 = math.exp %sub3A_935 : vector<8x2048xf32>
    %add3A_937 = arith.addf %add3A_929, %exp3A_936 : vector<8x2048xf32>
    %get3A_938 = arith.constant 4 : index
    %get3A_939 = arith.constant 0 : index
    %get3A_940 = arith.constant 0 : index
    %get3A_941 = vector.load %arg1[%get3A_938, %get3A_939, %get3A_940] : memref<92x8x2048xf32, #tpu.memory_space<vmem>>, vector<1x8x2048xf32>
    %get3A_942 = vector.shape_cast %get3A_941 : vector<1x8x2048xf32> to vector<8x2048xf32>
    %sub3A_943 = arith.subf %get3A_942, %max3A : vector<8x2048xf32>
    %exp3A_944 = math.exp %sub3A_943 : vector<8x2048xf32>
    %add3A_945 = arith.addf %add3A_937, %exp3A_944 : vector<8x2048xf32>
    %get3A_946 = arith.constant 5 : index
    %get3A_947 = arith.constant 0 : index
    %get3A_948 = arith.constant 0 : index
    %get3A_949 = vector.load %arg1[%get3A_946, %get3A_947, %get3A_948] : memref<92x8x2048xf32, #tpu.memory_space<vmem>>, vector<1x8x2048xf32>
    %get3A_950 = vector.shape_cast %get3A_949 : vector<1x8x2048xf32> to vector<8x2048xf32>
    %sub3A_951 = arith.subf %get3A_950, %max3A : vector<8x2048xf32>
    %exp3A_952 = math.exp %sub3A_951 : vector<8x2048xf32>
    %add3A_953 = arith.addf %add3A_945, %exp3A_952 : vector<8x2048xf32>
    %get3A_954 = arith.constant 6 : index
    %get3A_955 = arith.constant 0 : index
    %get3A_956 = arith.constant 0 : index
    %get3A_957 = vector.load %arg1[%get3A_954, %get3A_955, %get3A_956] : memref<92x8x2048xf32, #tpu.memory_space<vmem>>, vector<1x8x2048xf32>
    %get3A_958 = vector.shape_cast %get3A_957 : vector<1x8x2048xf32> to vector<8x2048xf32>
    %sub3A_959 = arith.subf %get3A_958, %max3A : vector<8x2048xf32>
    %exp3A_960 = math.exp %sub3A_959 : vector<8x2048xf32>
    %add3A_961 = arith.addf %add3A_953, %exp3A_960 : vector<8x2048xf32>
    %get3A_962 = arith.constant 7 : index
    %get3A_963 = arith.constant 0 : index
    %get3A_964 = arith.constant 0 : index
    %get3A_965 = vector.load %arg1[%get3A_962, %get3A_963, %get3A_964] : memref<92x8x2048xf32, #tpu.memory_space<vmem>>, vector<1x8x2048xf32>
    %get3A_966 = vector.shape_cast %get3A_965 : vector<1x8x2048xf32> to vector<8x2048xf32>
    %sub3A_967 = arith.subf %get3A_966, %max3A : vector<8x2048xf32>
    %exp3A_968 = math.exp %sub3A_967 : vector<8x2048xf32>
    %add3A_969 = arith.addf %add3A_961, %exp3A_968 : vector<8x2048xf32>
    %get3A_970 = arith.constant 8 : index
    %get3A_971 = arith.constant 0 : index
    %get3A_972 = arith.constant 0 : index
    %get3A_973 = vector.load %arg1[%get3A_970, %get3A_971, %get3A_972] : memref<92x8x2048xf32, #tpu.memory_space<vmem>>, vector<1x8x2048xf32>
    %get3A_974 = vector.shape_cast %get3A_973 : vector<1x8x2048xf32> to vector<8x2048xf32>
    %sub3A_975 = arith.subf %get3A_974, %max3A : vector<8x2048xf32>
    %exp3A_976 = math.exp %sub3A_975 : vector<8x2048xf32>
    %add3A_977 = arith.addf %add3A_969, %exp3A_976 : vector<8x2048xf32>
    %get3A_978 = arith.constant 9 : index
    %get3A_979 = arith.constant 0 : index
    %get3A_980 = arith.constant 0 : index
    %get3A_981 = vector.load %arg1[%get3A_978, %get3A_979, %get3A_980] : memref<92x8x2048xf32, #tpu.memory_space<vmem>>, vector<1x8x2048xf32>
    %get3A_982 = vector.shape_cast %get3A_981 : vector<1x8x2048xf32> to vector<8x2048xf32>
    %sub3A_983 = arith.subf %get3A_982, %max3A : vector<8x2048xf32>
    %exp3A_984 = math.exp %sub3A_983 : vector<8x2048xf32>
    %add3A_985 = arith.addf %add3A_977, %exp3A_984 : vector<8x2048xf32>
    %get3A_986 = arith.constant 10 : index
    %get3A_987 = arith.constant 0 : index
    %get3A_988 = arith.constant 0 : index
    %get3A_989 = vector.load %arg1[%get3A_986, %get3A_987, %get3A_988] : memref<92x8x2048xf32, #tpu.memory_space<vmem>>, vector<1x8x2048xf32>
    %get3A_990 = vector.shape_cast %get3A_989 : vector<1x8x2048xf32> to vector<8x2048xf32>
    %sub3A_991 = arith.subf %get3A_990, %max3A : vector<8x2048xf32>
    %exp3A_992 = math.exp %sub3A_991 : vector<8x2048xf32>
    %add3A_993 = arith.addf %add3A_985, %exp3A_992 : vector<8x2048xf32>
    %get3A_994 = arith.constant 11 : index
    %get3A_995 = arith.constant 0 : index
    %get3A_996 = arith.constant 0 : index
    %get3A_997 = vector.load %arg1[%get3A_994, %get3A_995, %get3A_996] : memref<92x8x2048xf32, #tpu.memory_space<vmem>>, vector<1x8x2048xf32>
    %get3A_998 = vector.shape_cast %get3A_997 : vector<1x8x2048xf32> to vector<8x2048xf32>
    %sub3A_999 = arith.subf %get3A_998, %max3A : vector<8x2048xf32>
    %exp3A_1000 = math.exp %sub3A_999 : vector<8x2048xf32>
    %add3A_1001 = arith.addf %add3A_993, %exp3A_1000 : vector<8x2048xf32>
    %get3A_1002 = arith.constant 12 : index
    %get3A_1003 = arith.constant 0 : index
    %get3A_1004 = arith.constant 0 : index
    %get3A_1005 = vector.load %arg1[%get3A_1002, %get3A_1003, %get3A_1004] : memref<92x8x2048xf32, #tpu.memory_space<vmem>>, vector<1x8x2048xf32>
    %get3A_1006 = vector.shape_cast %get3A_1005 : vector<1x8x2048xf32> to vector<8x2048xf32>
    %sub3A_1007 = arith.subf %get3A_1006, %max3A : vector<8x2048xf32>
    %exp3A_1008 = math.exp %sub3A_1007 : vector<8x2048xf32>
    %add3A_1009 = arith.addf %add3A_1001, %exp3A_1008 : vector<8x2048xf32>
    %get3A_1010 = arith.constant 13 : index
    %get3A_1011 = arith.constant 0 : index
    %get3A_1012 = arith.constant 0 : index
    %get3A_1013 = vector.load %arg1[%get3A_1010, %get3A_1011, %get3A_1012] : memref<92x8x2048xf32, #tpu.memory_space<vmem>>, vector<1x8x2048xf32>
    %get3A_1014 = vector.shape_cast %get3A_1013 : vector<1x8x2048xf32> to vector<8x2048xf32>
    %sub3A_1015 = arith.subf %get3A_1014, %max3A : vector<8x2048xf32>
    %exp3A_1016 = math.exp %sub3A_1015 : vector<8x2048xf32>
    %add3A_1017 = arith.addf %add3A_1009, %exp3A_1016 : vector<8x2048xf32>
    %get3A_1018 = arith.constant 14 : index
    %get3A_1019 = arith.constant 0 : index
    %get3A_1020 = arith.constant 0 : index
    %get3A_1021 = vector.load %arg1[%get3A_1018, %get3A_1019, %get3A_1020] : memref<92x8x2048xf32, #tpu.memory_space<vmem>>, vector<1x8x2048xf32>
    %get3A_1022 = vector.shape_cast %get3A_1021 : vector<1x8x2048xf32> to vector<8x2048xf32>
    %sub3A_1023 = arith.subf %get3A_1022, %max3A : vector<8x2048xf32>
    %exp3A_1024 = math.exp %sub3A_1023 : vector<8x2048xf32>
    %add3A_1025 = arith.addf %add3A_1017, %exp3A_1024 : vector<8x2048xf32>
    %get3A_1026 = arith.constant 15 : index
    %get3A_1027 = arith.constant 0 : index
    %get3A_1028 = arith.constant 0 : index
    %get3A_1029 = vector.load %arg1[%get3A_1026, %get3A_1027, %get3A_1028] : memref<92x8x2048xf32, #tpu.memory_space<vmem>>, vector<1x8x2048xf32>
    %get3A_1030 = vector.shape_cast %get3A_1029 : vector<1x8x2048xf32> to vector<8x2048xf32>
    %sub3A_1031 = arith.subf %get3A_1030, %max3A : vector<8x2048xf32>
    %exp3A_1032 = math.exp %sub3A_1031 : vector<8x2048xf32>
    %add3A_1033 = arith.addf %add3A_1025, %exp3A_1032 : vector<8x2048xf32>
    %get3A_1034 = arith.constant 16 : index
    %get3A_1035 = arith.constant 0 : index
    %get3A_1036 = arith.constant 0 : index
    %get3A_1037 = vector.load %arg1[%get3A_1034, %get3A_1035, %get3A_1036] : memref<92x8x2048xf32, #tpu.memory_space<vmem>>, vector<1x8x2048xf32>
    %get3A_1038 = vector.shape_cast %get3A_1037 : vector<1x8x2048xf32> to vector<8x2048xf32>
    %sub3A_1039 = arith.subf %get3A_1038, %max3A : vector<8x2048xf32>
    %exp3A_1040 = math.exp %sub3A_1039 : vector<8x2048xf32>
    %add3A_1041 = arith.addf %add3A_1033, %exp3A_1040 : vector<8x2048xf32>
    %get3A_1042 = arith.constant 17 : index
    %get3A_1043 = arith.constant 0 : index
    %get3A_1044 = arith.constant 0 : index
    %get3A_1045 = vector.load %arg1[%get3A_1042, %get3A_1043, %get3A_1044] : memref<92x8x2048xf32, #tpu.memory_space<vmem>>, vector<1x8x2048xf32>
    %get3A_1046 = vector.shape_cast %get3A_1045 : vector<1x8x2048xf32> to vector<8x2048xf32>
    %sub3A_1047 = arith.subf %get3A_1046, %max3A : vector<8x2048xf32>
    %exp3A_1048 = math.exp %sub3A_1047 : vector<8x2048xf32>
    %add3A_1049 = arith.addf %add3A_1041, %exp3A_1048 : vector<8x2048xf32>
    %get3A_1050 = arith.constant 18 : index
    %get3A_1051 = arith.constant 0 : index
    %get3A_1052 = arith.constant 0 : index
    %get3A_1053 = vector.load %arg1[%get3A_1050, %get3A_1051, %get3A_1052] : memref<92x8x2048xf32, #tpu.memory_space<vmem>>, vector<1x8x2048xf32>
    %get3A_1054 = vector.shape_cast %get3A_1053 : vector<1x8x2048xf32> to vector<8x2048xf32>
    %sub3A_1055 = arith.subf %get3A_1054, %max3A : vector<8x2048xf32>
    %exp3A_1056 = math.exp %sub3A_1055 : vector<8x2048xf32>
    %add3A_1057 = arith.addf %add3A_1049, %exp3A_1056 : vector<8x2048xf32>
    %get3A_1058 = arith.constant 19 : index
    %get3A_1059 = arith.constant 0 : index
    %get3A_1060 = arith.constant 0 : index
    %get3A_1061 = vector.load %arg1[%get3A_1058, %get3A_1059, %get3A_1060] : memref<92x8x2048xf32, #tpu.memory_space<vmem>>, vector<1x8x2048xf32>
    %get3A_1062 = vector.shape_cast %get3A_1061 : vector<1x8x2048xf32> to vector<8x2048xf32>
    %sub3A_1063 = arith.subf %get3A_1062, %max3A : vector<8x2048xf32>
    %exp3A_1064 = math.exp %sub3A_1063 : vector<8x2048xf32>
    %add3A_1065 = arith.addf %add3A_1057, %exp3A_1064 : vector<8x2048xf32>
    %get3A_1066 = arith.constant 20 : index
    %get3A_1067 = arith.constant 0 : index
    %get3A_1068 = arith.constant 0 : index
    %get3A_1069 = vector.load %arg1[%get3A_1066, %get3A_1067, %get3A_1068] : memref<92x8x2048xf32, #tpu.memory_space<vmem>>, vector<1x8x2048xf32>
    %get3A_1070 = vector.shape_cast %get3A_1069 : vector<1x8x2048xf32> to vector<8x2048xf32>
    %sub3A_1071 = arith.subf %get3A_1070, %max3A : vector<8x2048xf32>
    %exp3A_1072 = math.exp %sub3A_1071 : vector<8x2048xf32>
    %add3A_1073 = arith.addf %add3A_1065, %exp3A_1072 : vector<8x2048xf32>
    %get3A_1074 = arith.constant 21 : index
    %get3A_1075 = arith.constant 0 : index
    %get3A_1076 = arith.constant 0 : index
    %get3A_1077 = vector.load %arg1[%get3A_1074, %get3A_1075, %get3A_1076] : memref<92x8x2048xf32, #tpu.memory_space<vmem>>, vector<1x8x2048xf32>
    %get3A_1078 = vector.shape_cast %get3A_1077 : vector<1x8x2048xf32> to vector<8x2048xf32>
    %sub3A_1079 = arith.subf %get3A_1078, %max3A : vector<8x2048xf32>
    %exp3A_1080 = math.exp %sub3A_1079 : vector<8x2048xf32>
    %add3A_1081 = arith.addf %add3A_1073, %exp3A_1080 : vector<8x2048xf32>
    %get3A_1082 = arith.constant 22 : index
    %get3A_1083 = arith.constant 0 : index
    %get3A_1084 = arith.constant 0 : index
    %get3A_1085 = vector.load %arg1[%get3A_1082, %get3A_1083, %get3A_1084] : memref<92x8x2048xf32, #tpu.memory_space<vmem>>, vector<1x8x2048xf32>
    %get3A_1086 = vector.shape_cast %get3A_1085 : vector<1x8x2048xf32> to vector<8x2048xf32>
    %sub3A_1087 = arith.subf %get3A_1086, %max3A : vector<8x2048xf32>
    %exp3A_1088 = math.exp %sub3A_1087 : vector<8x2048xf32>
    %add3A_1089 = arith.addf %add3A_1081, %exp3A_1088 : vector<8x2048xf32>
    %get3A_1090 = arith.constant 23 : index
    %get3A_1091 = arith.constant 0 : index
    %get3A_1092 = arith.constant 0 : index
    %get3A_1093 = vector.load %arg1[%get3A_1090, %get3A_1091, %get3A_1092] : memref<92x8x2048xf32, #tpu.memory_space<vmem>>, vector<1x8x2048xf32>
    %get3A_1094 = vector.shape_cast %get3A_1093 : vector<1x8x2048xf32> to vector<8x2048xf32>
    %sub3A_1095 = arith.subf %get3A_1094, %max3A : vector<8x2048xf32>
    %exp3A_1096 = math.exp %sub3A_1095 : vector<8x2048xf32>
    %add3A_1097 = arith.addf %add3A_1089, %exp3A_1096 : vector<8x2048xf32>
    %get3A_1098 = arith.constant 24 : index
    %get3A_1099 = arith.constant 0 : index
    %get3A_1100 = arith.constant 0 : index
    %get3A_1101 = vector.load %arg1[%get3A_1098, %get3A_1099, %get3A_1100] : memref<92x8x2048xf32, #tpu.memory_space<vmem>>, vector<1x8x2048xf32>
    %get3A_1102 = vector.shape_cast %get3A_1101 : vector<1x8x2048xf32> to vector<8x2048xf32>
    %sub3A_1103 = arith.subf %get3A_1102, %max3A : vector<8x2048xf32>
    %exp3A_1104 = math.exp %sub3A_1103 : vector<8x2048xf32>
    %add3A_1105 = arith.addf %add3A_1097, %exp3A_1104 : vector<8x2048xf32>
    %get3A_1106 = arith.constant 25 : index
    %get3A_1107 = arith.constant 0 : index
    %get3A_1108 = arith.constant 0 : index
    %get3A_1109 = vector.load %arg1[%get3A_1106, %get3A_1107, %get3A_1108] : memref<92x8x2048xf32, #tpu.memory_space<vmem>>, vector<1x8x2048xf32>
    %get3A_1110 = vector.shape_cast %get3A_1109 : vector<1x8x2048xf32> to vector<8x2048xf32>
    %sub3A_1111 = arith.subf %get3A_1110, %max3A : vector<8x2048xf32>
    %exp3A_1112 = math.exp %sub3A_1111 : vector<8x2048xf32>
    %add3A_1113 = arith.addf %add3A_1105, %exp3A_1112 : vector<8x2048xf32>
    %get3A_1114 = arith.constant 26 : index
    %get3A_1115 = arith.constant 0 : index
    %get3A_1116 = arith.constant 0 : index
    %get3A_1117 = vector.load %arg1[%get3A_1114, %get3A_1115, %get3A_1116] : memref<92x8x2048xf32, #tpu.memory_space<vmem>>, vector<1x8x2048xf32>
    %get3A_1118 = vector.shape_cast %get3A_1117 : vector<1x8x2048xf32> to vector<8x2048xf32>
    %sub3A_1119 = arith.subf %get3A_1118, %max3A : vector<8x2048xf32>
    %exp3A_1120 = math.exp %sub3A_1119 : vector<8x2048xf32>
    %add3A_1121 = arith.addf %add3A_1113, %exp3A_1120 : vector<8x2048xf32>
    %get3A_1122 = arith.constant 27 : index
    %get3A_1123 = arith.constant 0 : index
    %get3A_1124 = arith.constant 0 : index
    %get3A_1125 = vector.load %arg1[%get3A_1122, %get3A_1123, %get3A_1124] : memref<92x8x2048xf32, #tpu.memory_space<vmem>>, vector<1x8x2048xf32>
    %get3A_1126 = vector.shape_cast %get3A_1125 : vector<1x8x2048xf32> to vector<8x2048xf32>
    %sub3A_1127 = arith.subf %get3A_1126, %max3A : vector<8x2048xf32>
    %exp3A_1128 = math.exp %sub3A_1127 : vector<8x2048xf32>
    %add3A_1129 = arith.addf %add3A_1121, %exp3A_1128 : vector<8x2048xf32>
    %get3A_1130 = arith.constant 28 : index
    %get3A_1131 = arith.constant 0 : index
    %get3A_1132 = arith.constant 0 : index
    %get3A_1133 = vector.load %arg1[%get3A_1130, %get3A_1131, %get3A_1132] : memref<92x8x2048xf32, #tpu.memory_space<vmem>>, vector<1x8x2048xf32>
    %get3A_1134 = vector.shape_cast %get3A_1133 : vector<1x8x2048xf32> to vector<8x2048xf32>
    %sub3A_1135 = arith.subf %get3A_1134, %max3A : vector<8x2048xf32>
    %exp3A_1136 = math.exp %sub3A_1135 : vector<8x2048xf32>
    %add3A_1137 = arith.addf %add3A_1129, %exp3A_1136 : vector<8x2048xf32>
    %get3A_1138 = arith.constant 29 : index
    %get3A_1139 = arith.constant 0 : index
    %get3A_1140 = arith.constant 0 : index
    %get3A_1141 = vector.load %arg1[%get3A_1138, %get3A_1139, %get3A_1140] : memref<92x8x2048xf32, #tpu.memory_space<vmem>>, vector<1x8x2048xf32>
    %get3A_1142 = vector.shape_cast %get3A_1141 : vector<1x8x2048xf32> to vector<8x2048xf32>
    %sub3A_1143 = arith.subf %get3A_1142, %max3A : vector<8x2048xf32>
    %exp3A_1144 = math.exp %sub3A_1143 : vector<8x2048xf32>
    %add3A_1145 = arith.addf %add3A_1137, %exp3A_1144 : vector<8x2048xf32>
    %get3A_1146 = arith.constant 30 : index
    %get3A_1147 = arith.constant 0 : index
    %get3A_1148 = arith.constant 0 : index
    %get3A_1149 = vector.load %arg1[%get3A_1146, %get3A_1147, %get3A_1148] : memref<92x8x2048xf32, #tpu.memory_space<vmem>>, vector<1x8x2048xf32>
    %get3A_1150 = vector.shape_cast %get3A_1149 : vector<1x8x2048xf32> to vector<8x2048xf32>
    %sub3A_1151 = arith.subf %get3A_1150, %max3A : vector<8x2048xf32>
    %exp3A_1152 = math.exp %sub3A_1151 : vector<8x2048xf32>
    %add3A_1153 = arith.addf %add3A_1145, %exp3A_1152 : vector<8x2048xf32>
    %get3A_1154 = arith.constant 31 : index
    %get3A_1155 = arith.constant 0 : index
    %get3A_1156 = arith.constant 0 : index
    %get3A_1157 = vector.load %arg1[%get3A_1154, %get3A_1155, %get3A_1156] : memref<92x8x2048xf32, #tpu.memory_space<vmem>>, vector<1x8x2048xf32>
    %get3A_1158 = vector.shape_cast %get3A_1157 : vector<1x8x2048xf32> to vector<8x2048xf32>
    %sub3A_1159 = arith.subf %get3A_1158, %max3A : vector<8x2048xf32>
    %exp3A_1160 = math.exp %sub3A_1159 : vector<8x2048xf32>
    %add3A_1161 = arith.addf %add3A_1153, %exp3A_1160 : vector<8x2048xf32>
    %get3A_1162 = arith.constant 32 : index
    %get3A_1163 = arith.constant 0 : index
    %get3A_1164 = arith.constant 0 : index
    %get3A_1165 = vector.load %arg1[%get3A_1162, %get3A_1163, %get3A_1164] : memref<92x8x2048xf32, #tpu.memory_space<vmem>>, vector<1x8x2048xf32>
    %get3A_1166 = vector.shape_cast %get3A_1165 : vector<1x8x2048xf32> to vector<8x2048xf32>
    %sub3A_1167 = arith.subf %get3A_1166, %max3A : vector<8x2048xf32>
    %exp3A_1168 = math.exp %sub3A_1167 : vector<8x2048xf32>
    %add3A_1169 = arith.addf %add3A_1161, %exp3A_1168 : vector<8x2048xf32>
    %get3A_1170 = arith.constant 33 : index
    %get3A_1171 = arith.constant 0 : index
    %get3A_1172 = arith.constant 0 : index
    %get3A_1173 = vector.load %arg1[%get3A_1170, %get3A_1171, %get3A_1172] : memref<92x8x2048xf32, #tpu.memory_space<vmem>>, vector<1x8x2048xf32>
    %get3A_1174 = vector.shape_cast %get3A_1173 : vector<1x8x2048xf32> to vector<8x2048xf32>
    %sub3A_1175 = arith.subf %get3A_1174, %max3A : vector<8x2048xf32>
    %exp3A_1176 = math.exp %sub3A_1175 : vector<8x2048xf32>
    %add3A_1177 = arith.addf %add3A_1169, %exp3A_1176 : vector<8x2048xf32>
    %get3A_1178 = arith.constant 34 : index
    %get3A_1179 = arith.constant 0 : index
    %get3A_1180 = arith.constant 0 : index
    %get3A_1181 = vector.load %arg1[%get3A_1178, %get3A_1179, %get3A_1180] : memref<92x8x2048xf32, #tpu.memory_space<vmem>>, vector<1x8x2048xf32>
    %get3A_1182 = vector.shape_cast %get3A_1181 : vector<1x8x2048xf32> to vector<8x2048xf32>
    %sub3A_1183 = arith.subf %get3A_1182, %max3A : vector<8x2048xf32>
    %exp3A_1184 = math.exp %sub3A_1183 : vector<8x2048xf32>
    %add3A_1185 = arith.addf %add3A_1177, %exp3A_1184 : vector<8x2048xf32>
    %get3A_1186 = arith.constant 35 : index
    %get3A_1187 = arith.constant 0 : index
    %get3A_1188 = arith.constant 0 : index
    %get3A_1189 = vector.load %arg1[%get3A_1186, %get3A_1187, %get3A_1188] : memref<92x8x2048xf32, #tpu.memory_space<vmem>>, vector<1x8x2048xf32>
    %get3A_1190 = vector.shape_cast %get3A_1189 : vector<1x8x2048xf32> to vector<8x2048xf32>
    %sub3A_1191 = arith.subf %get3A_1190, %max3A : vector<8x2048xf32>
    %exp3A_1192 = math.exp %sub3A_1191 : vector<8x2048xf32>
    %add3A_1193 = arith.addf %add3A_1185, %exp3A_1192 : vector<8x2048xf32>
    %get3A_1194 = arith.constant 36 : index
    %get3A_1195 = arith.constant 0 : index
    %get3A_1196 = arith.constant 0 : index
    %get3A_1197 = vector.load %arg1[%get3A_1194, %get3A_1195, %get3A_1196] : memref<92x8x2048xf32, #tpu.memory_space<vmem>>, vector<1x8x2048xf32>
    %get3A_1198 = vector.shape_cast %get3A_1197 : vector<1x8x2048xf32> to vector<8x2048xf32>
    %sub3A_1199 = arith.subf %get3A_1198, %max3A : vector<8x2048xf32>
    %exp3A_1200 = math.exp %sub3A_1199 : vector<8x2048xf32>
    %add3A_1201 = arith.addf %add3A_1193, %exp3A_1200 : vector<8x2048xf32>
    %get3A_1202 = arith.constant 37 : index
    %get3A_1203 = arith.constant 0 : index
    %get3A_1204 = arith.constant 0 : index
    %get3A_1205 = vector.load %arg1[%get3A_1202, %get3A_1203, %get3A_1204] : memref<92x8x2048xf32, #tpu.memory_space<vmem>>, vector<1x8x2048xf32>
    %get3A_1206 = vector.shape_cast %get3A_1205 : vector<1x8x2048xf32> to vector<8x2048xf32>
    %sub3A_1207 = arith.subf %get3A_1206, %max3A : vector<8x2048xf32>
    %exp3A_1208 = math.exp %sub3A_1207 : vector<8x2048xf32>
    %add3A_1209 = arith.addf %add3A_1201, %exp3A_1208 : vector<8x2048xf32>
    %get3A_1210 = arith.constant 38 : index
    %get3A_1211 = arith.constant 0 : index
    %get3A_1212 = arith.constant 0 : index
    %get3A_1213 = vector.load %arg1[%get3A_1210, %get3A_1211, %get3A_1212] : memref<92x8x2048xf32, #tpu.memory_space<vmem>>, vector<1x8x2048xf32>
    %get3A_1214 = vector.shape_cast %get3A_1213 : vector<1x8x2048xf32> to vector<8x2048xf32>
    %sub3A_1215 = arith.subf %get3A_1214, %max3A : vector<8x2048xf32>
    %exp3A_1216 = math.exp %sub3A_1215 : vector<8x2048xf32>
    %add3A_1217 = arith.addf %add3A_1209, %exp3A_1216 : vector<8x2048xf32>
    %get3A_1218 = arith.constant 39 : index
    %get3A_1219 = arith.constant 0 : index
    %get3A_1220 = arith.constant 0 : index
    %get3A_1221 = vector.load %arg1[%get3A_1218, %get3A_1219, %get3A_1220] : memref<92x8x2048xf32, #tpu.memory_space<vmem>>, vector<1x8x2048xf32>
    %get3A_1222 = vector.shape_cast %get3A_1221 : vector<1x8x2048xf32> to vector<8x2048xf32>
    %sub3A_1223 = arith.subf %get3A_1222, %max3A : vector<8x2048xf32>
    %exp3A_1224 = math.exp %sub3A_1223 : vector<8x2048xf32>
    %add3A_1225 = arith.addf %add3A_1217, %exp3A_1224 : vector<8x2048xf32>
    %get3A_1226 = arith.constant 40 : index
    %get3A_1227 = arith.constant 0 : index
    %get3A_1228 = arith.constant 0 : index
    %get3A_1229 = vector.load %arg1[%get3A_1226, %get3A_1227, %get3A_1228] : memref<92x8x2048xf32, #tpu.memory_space<vmem>>, vector<1x8x2048xf32>
    %get3A_1230 = vector.shape_cast %get3A_1229 : vector<1x8x2048xf32> to vector<8x2048xf32>
    %sub3A_1231 = arith.subf %get3A_1230, %max3A : vector<8x2048xf32>
    %exp3A_1232 = math.exp %sub3A_1231 : vector<8x2048xf32>
    %add3A_1233 = arith.addf %add3A_1225, %exp3A_1232 : vector<8x2048xf32>
    %get3A_1234 = arith.constant 41 : index
    %get3A_1235 = arith.constant 0 : index
    %get3A_1236 = arith.constant 0 : index
    %get3A_1237 = vector.load %arg1[%get3A_1234, %get3A_1235, %get3A_1236] : memref<92x8x2048xf32, #tpu.memory_space<vmem>>, vector<1x8x2048xf32>
    %get3A_1238 = vector.shape_cast %get3A_1237 : vector<1x8x2048xf32> to vector<8x2048xf32>
    %sub3A_1239 = arith.subf %get3A_1238, %max3A : vector<8x2048xf32>
    %exp3A_1240 = math.exp %sub3A_1239 : vector<8x2048xf32>
    %add3A_1241 = arith.addf %add3A_1233, %exp3A_1240 : vector<8x2048xf32>
    %get3A_1242 = arith.constant 42 : index
    %get3A_1243 = arith.constant 0 : index
    %get3A_1244 = arith.constant 0 : index
    %get3A_1245 = vector.load %arg1[%get3A_1242, %get3A_1243, %get3A_1244] : memref<92x8x2048xf32, #tpu.memory_space<vmem>>, vector<1x8x2048xf32>
    %get3A_1246 = vector.shape_cast %get3A_1245 : vector<1x8x2048xf32> to vector<8x2048xf32>
    %sub3A_1247 = arith.subf %get3A_1246, %max3A : vector<8x2048xf32>
    %exp3A_1248 = math.exp %sub3A_1247 : vector<8x2048xf32>
    %add3A_1249 = arith.addf %add3A_1241, %exp3A_1248 : vector<8x2048xf32>
    %get3A_1250 = arith.constant 43 : index
    %get3A_1251 = arith.constant 0 : index
    %get3A_1252 = arith.constant 0 : index
    %get3A_1253 = vector.load %arg1[%get3A_1250, %get3A_1251, %get3A_1252] : memref<92x8x2048xf32, #tpu.memory_space<vmem>>, vector<1x8x2048xf32>
    %get3A_1254 = vector.shape_cast %get3A_1253 : vector<1x8x2048xf32> to vector<8x2048xf32>
    %sub3A_1255 = arith.subf %get3A_1254, %max3A : vector<8x2048xf32>
    %exp3A_1256 = math.exp %sub3A_1255 : vector<8x2048xf32>
    %add3A_1257 = arith.addf %add3A_1249, %exp3A_1256 : vector<8x2048xf32>
    %get3A_1258 = arith.constant 44 : index
    %get3A_1259 = arith.constant 0 : index
    %get3A_1260 = arith.constant 0 : index
    %get3A_1261 = vector.load %arg1[%get3A_1258, %get3A_1259, %get3A_1260] : memref<92x8x2048xf32, #tpu.memory_space<vmem>>, vector<1x8x2048xf32>
    %get3A_1262 = vector.shape_cast %get3A_1261 : vector<1x8x2048xf32> to vector<8x2048xf32>
    %sub3A_1263 = arith.subf %get3A_1262, %max3A : vector<8x2048xf32>
    %exp3A_1264 = math.exp %sub3A_1263 : vector<8x2048xf32>
    %add3A_1265 = arith.addf %add3A_1257, %exp3A_1264 : vector<8x2048xf32>
    %get3A_1266 = arith.constant 45 : index
    %get3A_1267 = arith.constant 0 : index
    %get3A_1268 = arith.constant 0 : index
    %get3A_1269 = vector.load %arg1[%get3A_1266, %get3A_1267, %get3A_1268] : memref<92x8x2048xf32, #tpu.memory_space<vmem>>, vector<1x8x2048xf32>
    %get3A_1270 = vector.shape_cast %get3A_1269 : vector<1x8x2048xf32> to vector<8x2048xf32>
    %sub3A_1271 = arith.subf %get3A_1270, %max3A : vector<8x2048xf32>
    %exp3A_1272 = math.exp %sub3A_1271 : vector<8x2048xf32>
    %add3A_1273 = arith.addf %add3A_1265, %exp3A_1272 : vector<8x2048xf32>
    %get3A_1274 = arith.constant 46 : index
    %get3A_1275 = arith.constant 0 : index
    %get3A_1276 = arith.constant 0 : index
    %get3A_1277 = vector.load %arg1[%get3A_1274, %get3A_1275, %get3A_1276] : memref<92x8x2048xf32, #tpu.memory_space<vmem>>, vector<1x8x2048xf32>
    %get3A_1278 = vector.shape_cast %get3A_1277 : vector<1x8x2048xf32> to vector<8x2048xf32>
    %sub3A_1279 = arith.subf %get3A_1278, %max3A : vector<8x2048xf32>
    %exp3A_1280 = math.exp %sub3A_1279 : vector<8x2048xf32>
    %add3A_1281 = arith.addf %add3A_1273, %exp3A_1280 : vector<8x2048xf32>
    %get3A_1282 = arith.constant 47 : index
    %get3A_1283 = arith.constant 0 : index
    %get3A_1284 = arith.constant 0 : index
    %get3A_1285 = vector.load %arg1[%get3A_1282, %get3A_1283, %get3A_1284] : memref<92x8x2048xf32, #tpu.memory_space<vmem>>, vector<1x8x2048xf32>
    %get3A_1286 = vector.shape_cast %get3A_1285 : vector<1x8x2048xf32> to vector<8x2048xf32>
    %sub3A_1287 = arith.subf %get3A_1286, %max3A : vector<8x2048xf32>
    %exp3A_1288 = math.exp %sub3A_1287 : vector<8x2048xf32>
    %add3A_1289 = arith.addf %add3A_1281, %exp3A_1288 : vector<8x2048xf32>
    %get3A_1290 = arith.constant 48 : index
    %get3A_1291 = arith.constant 0 : index
    %get3A_1292 = arith.constant 0 : index
    %get3A_1293 = vector.load %arg1[%get3A_1290, %get3A_1291, %get3A_1292] : memref<92x8x2048xf32, #tpu.memory_space<vmem>>, vector<1x8x2048xf32>
    %get3A_1294 = vector.shape_cast %get3A_1293 : vector<1x8x2048xf32> to vector<8x2048xf32>
    %sub3A_1295 = arith.subf %get3A_1294, %max3A : vector<8x2048xf32>
    %exp3A_1296 = math.exp %sub3A_1295 : vector<8x2048xf32>
    %add3A_1297 = arith.addf %add3A_1289, %exp3A_1296 : vector<8x2048xf32>
    %get3A_1298 = arith.constant 49 : index
    %get3A_1299 = arith.constant 0 : index
    %get3A_1300 = arith.constant 0 : index
    %get3A_1301 = vector.load %arg1[%get3A_1298, %get3A_1299, %get3A_1300] : memref<92x8x2048xf32, #tpu.memory_space<vmem>>, vector<1x8x2048xf32>
    %get3A_1302 = vector.shape_cast %get3A_1301 : vector<1x8x2048xf32> to vector<8x2048xf32>
    %sub3A_1303 = arith.subf %get3A_1302, %max3A : vector<8x2048xf32>
    %exp3A_1304 = math.exp %sub3A_1303 : vector<8x2048xf32>
    %add3A_1305 = arith.addf %add3A_1297, %exp3A_1304 : vector<8x2048xf32>
    %get3A_1306 = arith.constant 50 : index
    %get3A_1307 = arith.constant 0 : index
    %get3A_1308 = arith.constant 0 : index
    %get3A_1309 = vector.load %arg1[%get3A_1306, %get3A_1307, %get3A_1308] : memref<92x8x2048xf32, #tpu.memory_space<vmem>>, vector<1x8x2048xf32>
    %get3A_1310 = vector.shape_cast %get3A_1309 : vector<1x8x2048xf32> to vector<8x2048xf32>
    %sub3A_1311 = arith.subf %get3A_1310, %max3A : vector<8x2048xf32>
    %exp3A_1312 = math.exp %sub3A_1311 : vector<8x2048xf32>
    %add3A_1313 = arith.addf %add3A_1305, %exp3A_1312 : vector<8x2048xf32>
    %get3A_1314 = arith.constant 51 : index
    %get3A_1315 = arith.constant 0 : index
    %get3A_1316 = arith.constant 0 : index
    %get3A_1317 = vector.load %arg1[%get3A_1314, %get3A_1315, %get3A_1316] : memref<92x8x2048xf32, #tpu.memory_space<vmem>>, vector<1x8x2048xf32>
    %get3A_1318 = vector.shape_cast %get3A_1317 : vector<1x8x2048xf32> to vector<8x2048xf32>
    %sub3A_1319 = arith.subf %get3A_1318, %max3A : vector<8x2048xf32>
    %exp3A_1320 = math.exp %sub3A_1319 : vector<8x2048xf32>
    %add3A_1321 = arith.addf %add3A_1313, %exp3A_1320 : vector<8x2048xf32>
    %get3A_1322 = arith.constant 52 : index
    %get3A_1323 = arith.constant 0 : index
    %get3A_1324 = arith.constant 0 : index
    %get3A_1325 = vector.load %arg1[%get3A_1322, %get3A_1323, %get3A_1324] : memref<92x8x2048xf32, #tpu.memory_space<vmem>>, vector<1x8x2048xf32>
    %get3A_1326 = vector.shape_cast %get3A_1325 : vector<1x8x2048xf32> to vector<8x2048xf32>
    %sub3A_1327 = arith.subf %get3A_1326, %max3A : vector<8x2048xf32>
    %exp3A_1328 = math.exp %sub3A_1327 : vector<8x2048xf32>
    %add3A_1329 = arith.addf %add3A_1321, %exp3A_1328 : vector<8x2048xf32>
    %get3A_1330 = arith.constant 53 : index
    %get3A_1331 = arith.constant 0 : index
    %get3A_1332 = arith.constant 0 : index
    %get3A_1333 = vector.load %arg1[%get3A_1330, %get3A_1331, %get3A_1332] : memref<92x8x2048xf32, #tpu.memory_space<vmem>>, vector<1x8x2048xf32>
    %get3A_1334 = vector.shape_cast %get3A_1333 : vector<1x8x2048xf32> to vector<8x2048xf32>
    %sub3A_1335 = arith.subf %get3A_1334, %max3A : vector<8x2048xf32>
    %exp3A_1336 = math.exp %sub3A_1335 : vector<8x2048xf32>
    %add3A_1337 = arith.addf %add3A_1329, %exp3A_1336 : vector<8x2048xf32>
    %get3A_1338 = arith.constant 54 : index
    %get3A_1339 = arith.constant 0 : index
    %get3A_1340 = arith.constant 0 : index
    %get3A_1341 = vector.load %arg1[%get3A_1338, %get3A_1339, %get3A_1340] : memref<92x8x2048xf32, #tpu.memory_space<vmem>>, vector<1x8x2048xf32>
    %get3A_1342 = vector.shape_cast %get3A_1341 : vector<1x8x2048xf32> to vector<8x2048xf32>
    %sub3A_1343 = arith.subf %get3A_1342, %max3A : vector<8x2048xf32>
    %exp3A_1344 = math.exp %sub3A_1343 : vector<8x2048xf32>
    %add3A_1345 = arith.addf %add3A_1337, %exp3A_1344 : vector<8x2048xf32>
    %get3A_1346 = arith.constant 55 : index
    %get3A_1347 = arith.constant 0 : index
    %get3A_1348 = arith.constant 0 : index
    %get3A_1349 = vector.load %arg1[%get3A_1346, %get3A_1347, %get3A_1348] : memref<92x8x2048xf32, #tpu.memory_space<vmem>>, vector<1x8x2048xf32>
    %get3A_1350 = vector.shape_cast %get3A_1349 : vector<1x8x2048xf32> to vector<8x2048xf32>
    %sub3A_1351 = arith.subf %get3A_1350, %max3A : vector<8x2048xf32>
    %exp3A_1352 = math.exp %sub3A_1351 : vector<8x2048xf32>
    %add3A_1353 = arith.addf %add3A_1345, %exp3A_1352 : vector<8x2048xf32>
    %get3A_1354 = arith.constant 56 : index
    %get3A_1355 = arith.constant 0 : index
    %get3A_1356 = arith.constant 0 : index
    %get3A_1357 = vector.load %arg1[%get3A_1354, %get3A_1355, %get3A_1356] : memref<92x8x2048xf32, #tpu.memory_space<vmem>>, vector<1x8x2048xf32>
    %get3A_1358 = vector.shape_cast %get3A_1357 : vector<1x8x2048xf32> to vector<8x2048xf32>
    %sub3A_1359 = arith.subf %get3A_1358, %max3A : vector<8x2048xf32>
    %exp3A_1360 = math.exp %sub3A_1359 : vector<8x2048xf32>
    %add3A_1361 = arith.addf %add3A_1353, %exp3A_1360 : vector<8x2048xf32>
    %get3A_1362 = arith.constant 57 : index
    %get3A_1363 = arith.constant 0 : index
    %get3A_1364 = arith.constant 0 : index
    %get3A_1365 = vector.load %arg1[%get3A_1362, %get3A_1363, %get3A_1364] : memref<92x8x2048xf32, #tpu.memory_space<vmem>>, vector<1x8x2048xf32>
    %get3A_1366 = vector.shape_cast %get3A_1365 : vector<1x8x2048xf32> to vector<8x2048xf32>
    %sub3A_1367 = arith.subf %get3A_1366, %max3A : vector<8x2048xf32>
    %exp3A_1368 = math.exp %sub3A_1367 : vector<8x2048xf32>
    %add3A_1369 = arith.addf %add3A_1361, %exp3A_1368 : vector<8x2048xf32>
    %get3A_1370 = arith.constant 58 : index
    %get3A_1371 = arith.constant 0 : index
    %get3A_1372 = arith.constant 0 : index
    %get3A_1373 = vector.load %arg1[%get3A_1370, %get3A_1371, %get3A_1372] : memref<92x8x2048xf32, #tpu.memory_space<vmem>>, vector<1x8x2048xf32>
    %get3A_1374 = vector.shape_cast %get3A_1373 : vector<1x8x2048xf32> to vector<8x2048xf32>
    %sub3A_1375 = arith.subf %get3A_1374, %max3A : vector<8x2048xf32>
    %exp3A_1376 = math.exp %sub3A_1375 : vector<8x2048xf32>
    %add3A_1377 = arith.addf %add3A_1369, %exp3A_1376 : vector<8x2048xf32>
    %get3A_1378 = arith.constant 59 : index
    %get3A_1379 = arith.constant 0 : index
    %get3A_1380 = arith.constant 0 : index
    %get3A_1381 = vector.load %arg1[%get3A_1378, %get3A_1379, %get3A_1380] : memref<92x8x2048xf32, #tpu.memory_space<vmem>>, vector<1x8x2048xf32>
    %get3A_1382 = vector.shape_cast %get3A_1381 : vector<1x8x2048xf32> to vector<8x2048xf32>
    %sub3A_1383 = arith.subf %get3A_1382, %max3A : vector<8x2048xf32>
    %exp3A_1384 = math.exp %sub3A_1383 : vector<8x2048xf32>
    %add3A_1385 = arith.addf %add3A_1377, %exp3A_1384 : vector<8x2048xf32>
    %get3A_1386 = arith.constant 60 : index
    %get3A_1387 = arith.constant 0 : index
    %get3A_1388 = arith.constant 0 : index
    %get3A_1389 = vector.load %arg1[%get3A_1386, %get3A_1387, %get3A_1388] : memref<92x8x2048xf32, #tpu.memory_space<vmem>>, vector<1x8x2048xf32>
    %get3A_1390 = vector.shape_cast %get3A_1389 : vector<1x8x2048xf32> to vector<8x2048xf32>
    %sub3A_1391 = arith.subf %get3A_1390, %max3A : vector<8x2048xf32>
    %exp3A_1392 = math.exp %sub3A_1391 : vector<8x2048xf32>
    %add3A_1393 = arith.addf %add3A_1385, %exp3A_1392 : vector<8x2048xf32>
    %get3A_1394 = arith.constant 61 : index
    %get3A_1395 = arith.constant 0 : index
    %get3A_1396 = arith.constant 0 : index
    %get3A_1397 = vector.load %arg1[%get3A_1394, %get3A_1395, %get3A_1396] : memref<92x8x2048xf32, #tpu.memory_space<vmem>>, vector<1x8x2048xf32>
    %get3A_1398 = vector.shape_cast %get3A_1397 : vector<1x8x2048xf32> to vector<8x2048xf32>
    %sub3A_1399 = arith.subf %get3A_1398, %max3A : vector<8x2048xf32>
    %exp3A_1400 = math.exp %sub3A_1399 : vector<8x2048xf32>
    %add3A_1401 = arith.addf %add3A_1393, %exp3A_1400 : vector<8x2048xf32>
    %get3A_1402 = arith.constant 62 : index
    %get3A_1403 = arith.constant 0 : index
    %get3A_1404 = arith.constant 0 : index
    %get3A_1405 = vector.load %arg1[%get3A_1402, %get3A_1403, %get3A_1404] : memref<92x8x2048xf32, #tpu.memory_space<vmem>>, vector<1x8x2048xf32>
    %get3A_1406 = vector.shape_cast %get3A_1405 : vector<1x8x2048xf32> to vector<8x2048xf32>
    %sub3A_1407 = arith.subf %get3A_1406, %max3A : vector<8x2048xf32>
    %exp3A_1408 = math.exp %sub3A_1407 : vector<8x2048xf32>
    %add3A_1409 = arith.addf %add3A_1401, %exp3A_1408 : vector<8x2048xf32>
    %get3A_1410 = arith.constant 63 : index
    %get3A_1411 = arith.constant 0 : index
    %get3A_1412 = arith.constant 0 : index
    %get3A_1413 = vector.load %arg1[%get3A_1410, %get3A_1411, %get3A_1412] : memref<92x8x2048xf32, #tpu.memory_space<vmem>>, vector<1x8x2048xf32>
    %get3A_1414 = vector.shape_cast %get3A_1413 : vector<1x8x2048xf32> to vector<8x2048xf32>
    %sub3A_1415 = arith.subf %get3A_1414, %max3A : vector<8x2048xf32>
    %exp3A_1416 = math.exp %sub3A_1415 : vector<8x2048xf32>
    %add3A_1417 = arith.addf %add3A_1409, %exp3A_1416 : vector<8x2048xf32>
    %get3A_1418 = arith.constant 64 : index
    %get3A_1419 = arith.constant 0 : index
    %get3A_1420 = arith.constant 0 : index
    %get3A_1421 = vector.load %arg1[%get3A_1418, %get3A_1419, %get3A_1420] : memref<92x8x2048xf32, #tpu.memory_space<vmem>>, vector<1x8x2048xf32>
    %get3A_1422 = vector.shape_cast %get3A_1421 : vector<1x8x2048xf32> to vector<8x2048xf32>
    %sub3A_1423 = arith.subf %get3A_1422, %max3A : vector<8x2048xf32>
    %exp3A_1424 = math.exp %sub3A_1423 : vector<8x2048xf32>
    %add3A_1425 = arith.addf %add3A_1417, %exp3A_1424 : vector<8x2048xf32>
    %get3A_1426 = arith.constant 65 : index
    %get3A_1427 = arith.constant 0 : index
    %get3A_1428 = arith.constant 0 : index
    %get3A_1429 = vector.load %arg1[%get3A_1426, %get3A_1427, %get3A_1428] : memref<92x8x2048xf32, #tpu.memory_space<vmem>>, vector<1x8x2048xf32>
    %get3A_1430 = vector.shape_cast %get3A_1429 : vector<1x8x2048xf32> to vector<8x2048xf32>
    %sub3A_1431 = arith.subf %get3A_1430, %max3A : vector<8x2048xf32>
    %exp3A_1432 = math.exp %sub3A_1431 : vector<8x2048xf32>
    %add3A_1433 = arith.addf %add3A_1425, %exp3A_1432 : vector<8x2048xf32>
    %get3A_1434 = arith.constant 66 : index
    %get3A_1435 = arith.constant 0 : index
    %get3A_1436 = arith.constant 0 : index
    %get3A_1437 = vector.load %arg1[%get3A_1434, %get3A_1435, %get3A_1436] : memref<92x8x2048xf32, #tpu.memory_space<vmem>>, vector<1x8x2048xf32>
    %get3A_1438 = vector.shape_cast %get3A_1437 : vector<1x8x2048xf32> to vector<8x2048xf32>
    %sub3A_1439 = arith.subf %get3A_1438, %max3A : vector<8x2048xf32>
    %exp3A_1440 = math.exp %sub3A_1439 : vector<8x2048xf32>
    %add3A_1441 = arith.addf %add3A_1433, %exp3A_1440 : vector<8x2048xf32>
    %get3A_1442 = arith.constant 67 : index
    %get3A_1443 = arith.constant 0 : index
    %get3A_1444 = arith.constant 0 : index
    %get3A_1445 = vector.load %arg1[%get3A_1442, %get3A_1443, %get3A_1444] : memref<92x8x2048xf32, #tpu.memory_space<vmem>>, vector<1x8x2048xf32>
    %get3A_1446 = vector.shape_cast %get3A_1445 : vector<1x8x2048xf32> to vector<8x2048xf32>
    %sub3A_1447 = arith.subf %get3A_1446, %max3A : vector<8x2048xf32>
    %exp3A_1448 = math.exp %sub3A_1447 : vector<8x2048xf32>
    %add3A_1449 = arith.addf %add3A_1441, %exp3A_1448 : vector<8x2048xf32>
    %get3A_1450 = arith.constant 68 : index
    %get3A_1451 = arith.constant 0 : index
    %get3A_1452 = arith.constant 0 : index
    %get3A_1453 = vector.load %arg1[%get3A_1450, %get3A_1451, %get3A_1452] : memref<92x8x2048xf32, #tpu.memory_space<vmem>>, vector<1x8x2048xf32>
    %get3A_1454 = vector.shape_cast %get3A_1453 : vector<1x8x2048xf32> to vector<8x2048xf32>
    %sub3A_1455 = arith.subf %get3A_1454, %max3A : vector<8x2048xf32>
    %exp3A_1456 = math.exp %sub3A_1455 : vector<8x2048xf32>
    %add3A_1457 = arith.addf %add3A_1449, %exp3A_1456 : vector<8x2048xf32>
    %get3A_1458 = arith.constant 69 : index
    %get3A_1459 = arith.constant 0 : index
    %get3A_1460 = arith.constant 0 : index
    %get3A_1461 = vector.load %arg1[%get3A_1458, %get3A_1459, %get3A_1460] : memref<92x8x2048xf32, #tpu.memory_space<vmem>>, vector<1x8x2048xf32>
    %get3A_1462 = vector.shape_cast %get3A_1461 : vector<1x8x2048xf32> to vector<8x2048xf32>
    %sub3A_1463 = arith.subf %get3A_1462, %max3A : vector<8x2048xf32>
    %exp3A_1464 = math.exp %sub3A_1463 : vector<8x2048xf32>
    %add3A_1465 = arith.addf %add3A_1457, %exp3A_1464 : vector<8x2048xf32>
    %get3A_1466 = arith.constant 70 : index
    %get3A_1467 = arith.constant 0 : index
    %get3A_1468 = arith.constant 0 : index
    %get3A_1469 = vector.load %arg1[%get3A_1466, %get3A_1467, %get3A_1468] : memref<92x8x2048xf32, #tpu.memory_space<vmem>>, vector<1x8x2048xf32>
    %get3A_1470 = vector.shape_cast %get3A_1469 : vector<1x8x2048xf32> to vector<8x2048xf32>
    %sub3A_1471 = arith.subf %get3A_1470, %max3A : vector<8x2048xf32>
    %exp3A_1472 = math.exp %sub3A_1471 : vector<8x2048xf32>
    %add3A_1473 = arith.addf %add3A_1465, %exp3A_1472 : vector<8x2048xf32>
    %get3A_1474 = arith.constant 71 : index
    %get3A_1475 = arith.constant 0 : index
    %get3A_1476 = arith.constant 0 : index
    %get3A_1477 = vector.load %arg1[%get3A_1474, %get3A_1475, %get3A_1476] : memref<92x8x2048xf32, #tpu.memory_space<vmem>>, vector<1x8x2048xf32>
    %get3A_1478 = vector.shape_cast %get3A_1477 : vector<1x8x2048xf32> to vector<8x2048xf32>
    %sub3A_1479 = arith.subf %get3A_1478, %max3A : vector<8x2048xf32>
    %exp3A_1480 = math.exp %sub3A_1479 : vector<8x2048xf32>
    %add3A_1481 = arith.addf %add3A_1473, %exp3A_1480 : vector<8x2048xf32>
    %get3A_1482 = arith.constant 72 : index
    %get3A_1483 = arith.constant 0 : index
    %get3A_1484 = arith.constant 0 : index
    %get3A_1485 = vector.load %arg1[%get3A_1482, %get3A_1483, %get3A_1484] : memref<92x8x2048xf32, #tpu.memory_space<vmem>>, vector<1x8x2048xf32>
    %get3A_1486 = vector.shape_cast %get3A_1485 : vector<1x8x2048xf32> to vector<8x2048xf32>
    %sub3A_1487 = arith.subf %get3A_1486, %max3A : vector<8x2048xf32>
    %exp3A_1488 = math.exp %sub3A_1487 : vector<8x2048xf32>
    %add3A_1489 = arith.addf %add3A_1481, %exp3A_1488 : vector<8x2048xf32>
    %get3A_1490 = arith.constant 73 : index
    %get3A_1491 = arith.constant 0 : index
    %get3A_1492 = arith.constant 0 : index
    %get3A_1493 = vector.load %arg1[%get3A_1490, %get3A_1491, %get3A_1492] : memref<92x8x2048xf32, #tpu.memory_space<vmem>>, vector<1x8x2048xf32>
    %get3A_1494 = vector.shape_cast %get3A_1493 : vector<1x8x2048xf32> to vector<8x2048xf32>
    %sub3A_1495 = arith.subf %get3A_1494, %max3A : vector<8x2048xf32>
    %exp3A_1496 = math.exp %sub3A_1495 : vector<8x2048xf32>
    %add3A_1497 = arith.addf %add3A_1489, %exp3A_1496 : vector<8x2048xf32>
    %get3A_1498 = arith.constant 74 : index
    %get3A_1499 = arith.constant 0 : index
    %get3A_1500 = arith.constant 0 : index
    %get3A_1501 = vector.load %arg1[%get3A_1498, %get3A_1499, %get3A_1500] : memref<92x8x2048xf32, #tpu.memory_space<vmem>>, vector<1x8x2048xf32>
    %get3A_1502 = vector.shape_cast %get3A_1501 : vector<1x8x2048xf32> to vector<8x2048xf32>
    %sub3A_1503 = arith.subf %get3A_1502, %max3A : vector<8x2048xf32>
    %exp3A_1504 = math.exp %sub3A_1503 : vector<8x2048xf32>
    %add3A_1505 = arith.addf %add3A_1497, %exp3A_1504 : vector<8x2048xf32>
    %get3A_1506 = arith.constant 75 : index
    %get3A_1507 = arith.constant 0 : index
    %get3A_1508 = arith.constant 0 : index
    %get3A_1509 = vector.load %arg1[%get3A_1506, %get3A_1507, %get3A_1508] : memref<92x8x2048xf32, #tpu.memory_space<vmem>>, vector<1x8x2048xf32>
    %get3A_1510 = vector.shape_cast %get3A_1509 : vector<1x8x2048xf32> to vector<8x2048xf32>
    %sub3A_1511 = arith.subf %get3A_1510, %max3A : vector<8x2048xf32>
    %exp3A_1512 = math.exp %sub3A_1511 : vector<8x2048xf32>
    %add3A_1513 = arith.addf %add3A_1505, %exp3A_1512 : vector<8x2048xf32>
    %get3A_1514 = arith.constant 76 : index
    %get3A_1515 = arith.constant 0 : index
    %get3A_1516 = arith.constant 0 : index
    %get3A_1517 = vector.load %arg1[%get3A_1514, %get3A_1515, %get3A_1516] : memref<92x8x2048xf32, #tpu.memory_space<vmem>>, vector<1x8x2048xf32>
    %get3A_1518 = vector.shape_cast %get3A_1517 : vector<1x8x2048xf32> to vector<8x2048xf32>
    %sub3A_1519 = arith.subf %get3A_1518, %max3A : vector<8x2048xf32>
    %exp3A_1520 = math.exp %sub3A_1519 : vector<8x2048xf32>
    %add3A_1521 = arith.addf %add3A_1513, %exp3A_1520 : vector<8x2048xf32>
    %get3A_1522 = arith.constant 77 : index
    %get3A_1523 = arith.constant 0 : index
    %get3A_1524 = arith.constant 0 : index
    %get3A_1525 = vector.load %arg1[%get3A_1522, %get3A_1523, %get3A_1524] : memref<92x8x2048xf32, #tpu.memory_space<vmem>>, vector<1x8x2048xf32>
    %get3A_1526 = vector.shape_cast %get3A_1525 : vector<1x8x2048xf32> to vector<8x2048xf32>
    %sub3A_1527 = arith.subf %get3A_1526, %max3A : vector<8x2048xf32>
    %exp3A_1528 = math.exp %sub3A_1527 : vector<8x2048xf32>
    %add3A_1529 = arith.addf %add3A_1521, %exp3A_1528 : vector<8x2048xf32>
    %get3A_1530 = arith.constant 78 : index
    %get3A_1531 = arith.constant 0 : index
    %get3A_1532 = arith.constant 0 : index
    %get3A_1533 = vector.load %arg1[%get3A_1530, %get3A_1531, %get3A_1532] : memref<92x8x2048xf32, #tpu.memory_space<vmem>>, vector<1x8x2048xf32>
    %get3A_1534 = vector.shape_cast %get3A_1533 : vector<1x8x2048xf32> to vector<8x2048xf32>
    %sub3A_1535 = arith.subf %get3A_1534, %max3A : vector<8x2048xf32>
    %exp3A_1536 = math.exp %sub3A_1535 : vector<8x2048xf32>
    %add3A_1537 = arith.addf %add3A_1529, %exp3A_1536 : vector<8x2048xf32>
    %get3A_1538 = arith.constant 79 : index
    %get3A_1539 = arith.constant 0 : index
    %get3A_1540 = arith.constant 0 : index
    %get3A_1541 = vector.load %arg1[%get3A_1538, %get3A_1539, %get3A_1540] : memref<92x8x2048xf32, #tpu.memory_space<vmem>>, vector<1x8x2048xf32>
    %get3A_1542 = vector.shape_cast %get3A_1541 : vector<1x8x2048xf32> to vector<8x2048xf32>
    %sub3A_1543 = arith.subf %get3A_1542, %max3A : vector<8x2048xf32>
    %exp3A_1544 = math.exp %sub3A_1543 : vector<8x2048xf32>
    %add3A_1545 = arith.addf %add3A_1537, %exp3A_1544 : vector<8x2048xf32>
    %get3A_1546 = arith.constant 80 : index
    %get3A_1547 = arith.constant 0 : index
    %get3A_1548 = arith.constant 0 : index
    %get3A_1549 = vector.load %arg1[%get3A_1546, %get3A_1547, %get3A_1548] : memref<92x8x2048xf32, #tpu.memory_space<vmem>>, vector<1x8x2048xf32>
    %get3A_1550 = vector.shape_cast %get3A_1549 : vector<1x8x2048xf32> to vector<8x2048xf32>
    %sub3A_1551 = arith.subf %get3A_1550, %max3A : vector<8x2048xf32>
    %exp3A_1552 = math.exp %sub3A_1551 : vector<8x2048xf32>
    %add3A_1553 = arith.addf %add3A_1545, %exp3A_1552 : vector<8x2048xf32>
    %get3A_1554 = arith.constant 81 : index
    %get3A_1555 = arith.constant 0 : index
    %get3A_1556 = arith.constant 0 : index
    %get3A_1557 = vector.load %arg1[%get3A_1554, %get3A_1555, %get3A_1556] : memref<92x8x2048xf32, #tpu.memory_space<vmem>>, vector<1x8x2048xf32>
    %get3A_1558 = vector.shape_cast %get3A_1557 : vector<1x8x2048xf32> to vector<8x2048xf32>
    %sub3A_1559 = arith.subf %get3A_1558, %max3A : vector<8x2048xf32>
    %exp3A_1560 = math.exp %sub3A_1559 : vector<8x2048xf32>
    %add3A_1561 = arith.addf %add3A_1553, %exp3A_1560 : vector<8x2048xf32>
    %get3A_1562 = arith.constant 82 : index
    %get3A_1563 = arith.constant 0 : index
    %get3A_1564 = arith.constant 0 : index
    %get3A_1565 = vector.load %arg1[%get3A_1562, %get3A_1563, %get3A_1564] : memref<92x8x2048xf32, #tpu.memory_space<vmem>>, vector<1x8x2048xf32>
    %get3A_1566 = vector.shape_cast %get3A_1565 : vector<1x8x2048xf32> to vector<8x2048xf32>
    %sub3A_1567 = arith.subf %get3A_1566, %max3A : vector<8x2048xf32>
    %exp3A_1568 = math.exp %sub3A_1567 : vector<8x2048xf32>
    %add3A_1569 = arith.addf %add3A_1561, %exp3A_1568 : vector<8x2048xf32>
    %get3A_1570 = arith.constant 83 : index
    %get3A_1571 = arith.constant 0 : index
    %get3A_1572 = arith.constant 0 : index
    %get3A_1573 = vector.load %arg1[%get3A_1570, %get3A_1571, %get3A_1572] : memref<92x8x2048xf32, #tpu.memory_space<vmem>>, vector<1x8x2048xf32>
    %get3A_1574 = vector.shape_cast %get3A_1573 : vector<1x8x2048xf32> to vector<8x2048xf32>
    %sub3A_1575 = arith.subf %get3A_1574, %max3A : vector<8x2048xf32>
    %exp3A_1576 = math.exp %sub3A_1575 : vector<8x2048xf32>
    %add3A_1577 = arith.addf %add3A_1569, %exp3A_1576 : vector<8x2048xf32>
    %get3A_1578 = arith.constant 84 : index
    %get3A_1579 = arith.constant 0 : index
    %get3A_1580 = arith.constant 0 : index
    %get3A_1581 = vector.load %arg1[%get3A_1578, %get3A_1579, %get3A_1580] : memref<92x8x2048xf32, #tpu.memory_space<vmem>>, vector<1x8x2048xf32>
    %get3A_1582 = vector.shape_cast %get3A_1581 : vector<1x8x2048xf32> to vector<8x2048xf32>
    %sub3A_1583 = arith.subf %get3A_1582, %max3A : vector<8x2048xf32>
    %exp3A_1584 = math.exp %sub3A_1583 : vector<8x2048xf32>
    %add3A_1585 = arith.addf %add3A_1577, %exp3A_1584 : vector<8x2048xf32>
    %get3A_1586 = arith.constant 85 : index
    %get3A_1587 = arith.constant 0 : index
    %get3A_1588 = arith.constant 0 : index
    %get3A_1589 = vector.load %arg1[%get3A_1586, %get3A_1587, %get3A_1588] : memref<92x8x2048xf32, #tpu.memory_space<vmem>>, vector<1x8x2048xf32>
    %get3A_1590 = vector.shape_cast %get3A_1589 : vector<1x8x2048xf32> to vector<8x2048xf32>
    %sub3A_1591 = arith.subf %get3A_1590, %max3A : vector<8x2048xf32>
    %exp3A_1592 = math.exp %sub3A_1591 : vector<8x2048xf32>
    %add3A_1593 = arith.addf %add3A_1585, %exp3A_1592 : vector<8x2048xf32>
    %get3A_1594 = arith.constant 86 : index
    %get3A_1595 = arith.constant 0 : index
    %get3A_1596 = arith.constant 0 : index
    %get3A_1597 = vector.load %arg1[%get3A_1594, %get3A_1595, %get3A_1596] : memref<92x8x2048xf32, #tpu.memory_space<vmem>>, vector<1x8x2048xf32>
    %get3A_1598 = vector.shape_cast %get3A_1597 : vector<1x8x2048xf32> to vector<8x2048xf32>
    %sub3A_1599 = arith.subf %get3A_1598, %max3A : vector<8x2048xf32>
    %exp3A_1600 = math.exp %sub3A_1599 : vector<8x2048xf32>
    %add3A_1601 = arith.addf %add3A_1593, %exp3A_1600 : vector<8x2048xf32>
    %get3A_1602 = arith.constant 87 : index
    %get3A_1603 = arith.constant 0 : index
    %get3A_1604 = arith.constant 0 : index
    %get3A_1605 = vector.load %arg1[%get3A_1602, %get3A_1603, %get3A_1604] : memref<92x8x2048xf32, #tpu.memory_space<vmem>>, vector<1x8x2048xf32>
    %get3A_1606 = vector.shape_cast %get3A_1605 : vector<1x8x2048xf32> to vector<8x2048xf32>
    %sub3A_1607 = arith.subf %get3A_1606, %max3A : vector<8x2048xf32>
    %exp3A_1608 = math.exp %sub3A_1607 : vector<8x2048xf32>
    %add3A_1609 = arith.addf %add3A_1601, %exp3A_1608 : vector<8x2048xf32>
    %get3A_1610 = arith.constant 88 : index
    %get3A_1611 = arith.constant 0 : index
    %get3A_1612 = arith.constant 0 : index
    %get3A_1613 = vector.load %arg1[%get3A_1610, %get3A_1611, %get3A_1612] : memref<92x8x2048xf32, #tpu.memory_space<vmem>>, vector<1x8x2048xf32>
    %get3A_1614 = vector.shape_cast %get3A_1613 : vector<1x8x2048xf32> to vector<8x2048xf32>
    %sub3A_1615 = arith.subf %get3A_1614, %max3A : vector<8x2048xf32>
    %exp3A_1616 = math.exp %sub3A_1615 : vector<8x2048xf32>
    %add3A_1617 = arith.addf %add3A_1609, %exp3A_1616 : vector<8x2048xf32>
    %get3A_1618 = arith.constant 89 : index
    %get3A_1619 = arith.constant 0 : index
    %get3A_1620 = arith.constant 0 : index
    %get3A_1621 = vector.load %arg1[%get3A_1618, %get3A_1619, %get3A_1620] : memref<92x8x2048xf32, #tpu.memory_space<vmem>>, vector<1x8x2048xf32>
    %get3A_1622 = vector.shape_cast %get3A_1621 : vector<1x8x2048xf32> to vector<8x2048xf32>
    %sub3A_1623 = arith.subf %get3A_1622, %max3A : vector<8x2048xf32>
    %exp3A_1624 = math.exp %sub3A_1623 : vector<8x2048xf32>
    %add3A_1625 = arith.addf %add3A_1617, %exp3A_1624 : vector<8x2048xf32>
    %get3A_1626 = arith.constant 90 : index
    %get3A_1627 = arith.constant 0 : index
    %get3A_1628 = arith.constant 0 : index
    %get3A_1629 = vector.load %arg1[%get3A_1626, %get3A_1627, %get3A_1628] : memref<92x8x2048xf32, #tpu.memory_space<vmem>>, vector<1x8x2048xf32>
    %get3A_1630 = vector.shape_cast %get3A_1629 : vector<1x8x2048xf32> to vector<8x2048xf32>
    %sub3A_1631 = arith.subf %get3A_1630, %max3A : vector<8x2048xf32>
    %exp3A_1632 = math.exp %sub3A_1631 : vector<8x2048xf32>
    %add3A_1633 = arith.addf %add3A_1625, %exp3A_1632 : vector<8x2048xf32>
    %get3A_1634 = arith.constant 91 : index
    %get3A_1635 = arith.constant 0 : index
    %get3A_1636 = arith.constant 0 : index
    %get3A_1637 = vector.load %arg1[%get3A_1634, %get3A_1635, %get3A_1636] : memref<92x8x2048xf32, #tpu.memory_space<vmem>>, vector<1x8x2048xf32>
    %get3A_1638 = vector.shape_cast %get3A_1637 : vector<1x8x2048xf32> to vector<8x2048xf32>
    %sub3A_1639 = arith.subf %get3A_1638, %max3A : vector<8x2048xf32>
    %exp3A_1640 = math.exp %sub3A_1639 : vector<8x2048xf32>
    %add3A_1641 = arith.addf %add3A_1633, %exp3A_1640 : vector<8x2048xf32>
    %sub3A_1642 = arith.subf %select_n3A_898, %max3A : vector<8x2048xf32>
    %exp3A_1643 = math.exp %sub3A_1642 : vector<8x2048xf32>
    %div3A = arith.divf %exp3A_1643, %add3A_1641 : vector<8x2048xf32>
    %swap3A = arith.constant 0 : index
    %swap3A_1644 = arith.constant 0 : index
    %swap3A_1645 = vector.load %arg2[%swap3A, %swap3A_1644] : memref<8x2048xf32, #tpu.memory_space<vmem>>, vector<8x2048xf32>
    tpu.vector_store %arg2[%swap3A, %swap3A_1644], %div3A {strides = array<i32>} : memref<8x2048xf32, #tpu.memory_space<vmem>>, vector<8x2048xf32>,
    %swap3A_1646 = arith.constant 0 : index
    %swap3A_1647 = arith.constant 0 : index
    %swap3A_1648 = vector.load %arg3[%swap3A_1646, %swap3A_1647] : memref<8x2048xi32, #tpu.memory_space<vmem>>, vector<8x2048xi32>
    tpu.vector_store %arg3[%swap3A_1646, %swap3A_1647], %select_n3A_901 {strides = array<i32>} : memref<8x2048xi32, #tpu.memory_space<vmem>>, vector<8x2048xi32>,
    return
  }
  func.func @transform_0(%arg0: i32) -> (i32, i32, i32) {
    %add3A = arith.constant 4 : i32
    %add3A_0 = arith.addi %arg0, %add3A : i32
    %c0_i32 = arith.constant 0 : i32
    %c0_i32_1 = arith.constant 0 : i32
    %c0_i32_2 = arith.constant 0 : i32
    return %c0_i32, %c0_i32_1, %add3A_0 : i32, i32, i32
  }
  func.func @transform_1(%arg0: i32) -> (i32, i32) {
    %c0_i32 = arith.constant 0 : i32
    %c0_i32_0 = arith.constant 0 : i32
    return %c0_i32, %arg0 : i32, i32
  }
  func.func @transform_2(%arg0: i32) -> (i32, i32) {
    %c0_i32 = arith.constant 0 : i32
    %c0_i32_0 = arith.constant 0 : i32
    return %c0_i32, %arg0 : i32, i32
  }
}

</mosaic_0001>

<sc_bundles>
// kernel: kernel.5.cloned.1.call-start
scs
__scs_entry_jumppad:
0x0: {  	(pc) =	sbr.rel $0x88, $3  }
0x1: {  	(tag) =	ssettag $0x0;
	lr =	simm.s32 $0x1  }
0x2: {  	[smem:$0x3F9E] =	sst lr;
	_ =	strace $0xD0000000  }
0x3: {  	_ = 	snop  }
0x4: {  	_ = 	snop  }
0x5: {  	_ = 	snop  }
0x6: {  	_ = 	snop  }
0x7: {  	_ = 	snop  }
__scs_overlays_trampoline_lowered:
0x8: {  	[smem:$0x3FAD] =	sst s0  }
0x9: {  	[smem:$0x3FAE] =	sst s1  }
0xa: {  	[smem:$0x3FAF] =	sst s2  }
0xb: {  	[smem:$0x3FB0] =	sst s3  }
0xc: {  	[smem:$0x3FB1] =	sst s4  }
0xd: {  	[smem:$0x3FB2] =	sst s5  }
0xe: {  	[smem:$0x3FB3] =	sst s6  }
0xf: {  	[smem:$0x3FB4] =	sst s7  }
0x10: {  	[smem:$0x3FB5] =	sst s8  }
0x11: {  	[smem:$0x3FB6] =	sst s9;
	s0 =	simm.s32 @!p0 $0x0  }
0x12: {  	s1 =	sld [smem:$0x3F9C];
	s0 =	simm.s32 @p0 $0x1  }
0x13: {  	[smem:$0x3FB7] =	sst s0;
	s0 =	simm.s32 @!p1 $0x0  }
0x14: {  	s2 =	sld [smem:$0x3F9B];
	s0 =	simm.s32 @p1 $0x1  }
0x15: {  	[smem:$0x3FB8] =	sst s0;
	s0 =	simm.s32 @!p2 $0x0  }
0x16: {  	s3 =	sld [smem:$0x3FDB];
	s0 =	simm.s32 @p2 $0x1  }
0x17: {  	s4 =	simm.s32 $0x1BF5;
	[smem:$0x3FBA] =	sst s0  }
0x18: {  	s0 =	sld [smem:$0x3F9D];
	_ =	swait.ge [sflag:s4], $0x0  }
0x19: {  	s7 =	sld [smem:$0x3F9E]  }
0x1a: {  	s8 =	sadd.s32 $0xFFFFE003, lr  }
0x1b: {  	s9 =	sadd.s32 $0xFFFFFEF7, lr;
	s5 =	simm.s32 $0xFFFFFFFF;
	p2 =	slt.u32 s8, $0xFFFFF086  }
0x1c: {  	p1 =	slt.u32 s9, $0xF7A;
	s5 =	simm.s32 @!p2 $0x0  }
0x1d: {  	s5 =	simm.s32 @p1 $0x1;
	p0 =	seq.s32 s7, s2  }
0x1e: {  	s7 =	smul.u32 @!p0 $0xF7A, s2;
	p2 =	seq.s32 @!p0 s5, $0x0  }
0x1f: {  	s9 =	smul.u32 $0xF7A, s1;
	s8 =	simm.s32 @!p0 $0x1BF5;
	p2 =	por !p2, p0  }
0x20: {  	[sflag:s8] =	ssyncset.s32 @!p0 $0xFFFFF086;
	s6 =	sadd.s32 @!p0 s3, s7;
	s7 =	simm.s32 @!p0 $0x108  }
0x21: {  	s3 =	sadd.s32 s3, s9;
	s6 =	sadd.s32 @!p0 $0x88, s6;
	s7 =	simm.s32 @p2 $0x1082  }
0x22: {  	[simem:s7], [sflag:s8] =	dma.local @!p0 [hbm:s6], $0xF7A  }
0x23: {  	s9 =	sor.u32 $0xD0000000, s2;
	s6 =	simm.s32 $0x108;
	_ =	swait.ge @!p0 [sflag:s8], $0x0  }
0x24: {  	s3 =	sadd.s32 $0x88, s3;
	s6 =	simm.s32 @!p1 $0x1082;
	[sflag:s4] =	ssyncset.s32 $0xFFFFF086  }
0x25: {  	[simem:s6], [sflag:s4] =	dma.local [hbm:s3], $0xF7A  }
0x26: {  	[smem:$0x3F9E] =	sst s1;
	(tag) =	ssettag s2;
	_ =	strace s9  }
0x27: {  	s1 =	sld [smem:$0x3FAE]  }
0x28: {  	s2 =	sld [smem:$0x3FAF]  }
0x29: {  	s4 =	sld [smem:$0x3FB1]  }
0x2a: {  	p0 =	seq.s32 s5, $0x0;
	s5 =	sld [smem:$0x3FB2]  }
0x2b: {  	s6 =	sld [smem:$0x3FB3]  }
0x2c: {  	s7 =	sld [smem:$0x3FB4]  }
0x2d: {  	s3 =	simm.s32 $0x108;
	s8 =	sld [smem:$0x3FB5]  }
0x2e: {  	s3 =	simm.s32 @!p0 $0x1082;
	s9 =	sld [smem:$0x3FB6]  }
0x2f: {  	lr =	sadd.s32 s0, s3;
	s0 =	sld [smem:$0x3FAD]  }
0x30: {  	s3 =	sld [smem:$0x3FB0]  }
0x31: {  	[smem:$0x3FB9] =	sst s10  }
0x32: {  	s10 =	sld [smem:$0x3FB7];
	_ =	sdelay $0x3  }
0x33: {  	p0 =	seq.s32 s10, $0x1;
	s10 =	sld [smem:$0x3FB9];
	_ =	sdelay $0x3  }
0x34: {  	[smem:$0x3FB9] =	sst s10  }
0x35: {  	s10 =	sld [smem:$0x3FB8];
	_ =	sdelay $0x3  }
0x36: {  	p1 =	seq.s32 s10, $0x1;
	s10 =	sld [smem:$0x3FB9];
	_ =	sdelay $0x3  }
0x37: {  	[smem:$0x3FB9] =	sst s10  }
0x38: {  	s10 =	sld [smem:$0x3FBA]  }
0x39: {  	_ = 	snop;
	(pc) =	sbr.ind lr, $3  }
0x3a: {  	_ = 	snop  }
0x3b: {  	_ = 	snop  }
0x3c: {  	p2 =	seq.s32 s10, $0x1;
	s10 =	sld [smem:$0x3FB9]  }
0x3d: {  	_ =	shalt  }
0x3e: {  	_ =	shalt  }
0x3f: {  	_ =	shalt  }
0x40: {  	_ =	shalt  }
0x41: {  	_ =	shalt  }
0x42: {  	_ =	shalt  }
0x43: {  	_ =	shalt  }
0x44: {  	_ =	shalt  }
0x45: {  	_ =	shalt  }
0x46: {  	_ =	shalt  }
0x47: {  	_ =	shalt  }
0x48: {  	_ =	shalt  }
0x49: {  	_ =	shalt  }
0x4a: {  	_ =	shalt  }
0x4b: {  	_ =	shalt  }
0x4c: {  	_ =	shalt  }
0x4d: {  	_ =	shalt  }
0x4e: {  	_ =	shalt  }
0x4f: {  	_ =	shalt  }
0x50: {  	_ =	shalt  }
0x51: {  	_ =	shalt  }
0x52: {  	_ =	shalt  }
0x53: {  	_ =	shalt  }
0x54: {  	_ =	shalt  }
0x55: {  	_ =	shalt  }
0x56: {  	_ =	shalt  }
0x57: {  	_ =	shalt  }
0x58: {  	_ =	shalt  }
0x59: {  	_ =	shalt  }
0x5a: {  	_ =	shalt  }
0x5b: {  	_ =	shalt  }
0x5c: {  	_ =	shalt  }
0x5d: {  	_ =	shalt  }
0x5e: {  	_ =	shalt  }
0x5f: {  	_ =	shalt  }
0x60: {  	_ =	shalt  }
0x61: {  	_ =	shalt  }
0x62: {  	_ =	shalt  }
0x63: {  	_ =	shalt  }
0x64: {  	_ =	shalt  }
0x65: {  	_ =	shalt  }
0x66: {  	_ =	shalt  }
0x67: {  	_ =	shalt  }
0x68: {  	_ =	shalt  }
0x69: {  	_ =	shalt  }
0x6a: {  	_ =	shalt  }
0x6b: {  	_ =	shalt  }
0x6c: {  	_ =	shalt  }
0x6d: {  	_ =	shalt  }
0x6e: {  	_ =	shalt  }
0x6f: {  	_ =	shalt  }
0x70: {  	_ =	shalt  }
0x71: {  	_ =	shalt  }
0x72: {  	_ =	shalt  }
0x73: {  	_ =	shalt  }
0x74: {  	_ =	shalt  }
0x75: {  	_ =	shalt  }
0x76: {  	_ =	shalt  }
0x77: {  	_ =	shalt  }
0x78: {  	_ =	shalt  }
0x79: {  	_ =	shalt  }
0x7a: {  	_ =	shalt  }
0x7b: {  	_ =	shalt  }
0x7c: {  	_ =	shalt  }
0x7d: {  	_ =	shalt  }
0x7e: {  	_ =	shalt  }
0x7f: {  	_ =	shalt  }
0x80: {  	_ =	shalt  }
0x81: {  	_ =	shalt  }
0x82: {  	_ =	shalt  }
0x83: {  	_ =	shalt  }
0x84: {  	_ =	shalt  }
0x85: {  	_ =	shalt  }
0x86: {  	_ =	shalt  }
0x87: {  	_ =	shalt  }
.Lfunc_end0:
.L_simem_size_0:
called_computation_lowered:
.L_overlay_start_0:
0x88: {  	s2 =	sld [smem:$0x3FD9]  }
0x89: {  	s3 =	sld [smem:$0x3FFE];
	_ =	sdelay $0x1  }
0x8a: {  	s1 =	srdreg.scid  }
0x8b: {  	s0 =	sand.u32 $0x1, s1  }
0x8c: {  	s14 =	sshll.u32 s0, $0xA;
	s2 =	sadd.s32 s3, s2  }
0x8d: {  	s2 =	sadd.s32 s2, s14  }
0x8e: {  	[smem:$0x3FC5] =	sst s2  }
0x8f: {  	_ = 	snop  }
0x90: {  	s2 =	sld [smem:$0x3FD0];
	_ =	sdelay $0x2  }
0x91: {  	s4 =	simm.s32 $0xA;
	s5 =	simm.s32 $0x10;
	s15 =	sld [smem:$0x3FC9]  }
0x92: {  	[smem:s5], [sflag:s4] =	dma.local [hbm:s2], $0x1  }
0x93: {  	_ =	swait.eq [sflag:s4], $0x1  }
0x94: {  	[sflag:s4] =	ssyncset.done $0x0  }
0x95: {  	[sflag:s4] =	ssyncadd.s32 $0xFFFFFFFF  }
0x96: {  	s16 =	sld [smem:$0x11];
	(tm) =	ssettm $0x1  }
0x97: {  	s17 =	sld [smem:$0x3FFB];
	_ =	sdelay $0x3  }
0x98: {  	_ =	strace s17  }
0x99: {  	s4 =	sld [smem:$0x3FFC];
	_ =	sdelay $0x3  }
0x9a: {  	_ =	strace s4  }
0x9b: {  	s4 =	sld [smem:$0x3FFD];
	_ =	sdelay $0x3  }
0x9c: {  	_ =	strace s4  }
0x9d: {  	_ =	strace $0x8FFFFFFF  }
0x9e: {  	s18 =	sld [smem:$0x3FDB];
	_ =	sdelay $0x1  }
0x9f: {  	s19 =	simm.s32 $_scs_section_size  }
0xa0: {  	s6 =	simm.s32 $_size__tile_overlayer_lowered;
	s7 =	simm.s32 $_tile_overlayer_lowered  }
0xa1: {  	s22 =	simm.s32 $0x1BFF;
	s21 =	sshll.u32 s7, $0x1;
	s4 =	sadd.s32 s19, s18  }
0xa2: {  	s8 =	simm.s32 $0x0;
	s20 =	sshll.u32 s6, $0x1;
	s6 =	sadd.s32 s21, s4  }
0xa3: {  	[timem:s8], [sflag:s22] =	dma.local [hbm:s6], s20  }
0xa4: {  	_ =	swait.ge [sflag:s22], s20  }
0xa5: {  	s5 =	ssub.s32 $0x0, s20;
	[sflag:s22] =	ssyncset.done $0x0  }
0xa6: {  	[sflag:s22] =	ssyncadd.s32 s5;
	_ =	sdelay $0x1  }
0xa7: {  	s23 =	simm.s32 $0x1B8B  }
0xa8: {  	_ =	swait.ge [sflag:s23], $0x1  }
0xa9: {  	[sflag:s23] =	ssyncset.done $0x0  }
0xaa: {  	s25 =	simm.s32 $0x1B8E;
	s24 =	sld [smem:$0x3FFE];
	[sflag:s23] =	ssyncadd.s32 $0xFFFFFFFF  }
0xab: {  	s26 =	simm.s32 $execute0_lowered;
	[smem:$0x3FD2] =	sst s25  }
0xac: {  	s6 =	sshll.u32 s26, $0x1;
	_ =	strace $0x80000046;
	[dreg:$0x1] =	wrdreg $0xFFFFFFFF  }
0xad: {  	s28 =	simm.s32 $_size_execute0_lowered;
	s4 =	sadd.s32 s4, s6;
	[dreg:$0x0] =	wrdreg $0x0  }
0xae: {  	s6 =	sshll.u32 s28, $0x1;
	[dreg:$0x2] =	wrdreg s4  }
0xaf: {  	[dreg:$0x3] =	wrdreg s6  }
0xb0: {  	[dreg:$0x4] =	wrdreg $0xC0  }
0xb1: {  	_ =	task [dreg:s8], $0x5FFFF  }
0xb2: {  	[dreg:$0x1] =	wrdreg $0xFFFFFFFF  }
0xb3: {  	[dreg:$0x0] =	wrdreg $0x60  }
0xb4: {  	[dreg:$0x2] =	wrdreg s15  }
0xb5: {  	[dreg:$0x3] =	wrdreg s16  }
0xb6: {  	[dreg:$0x4] =	wrdreg s24  }
0xb7: {  	[dreg:$0x5] =	wrdreg $0x9  }
0xb8: {  	_ =	task.clear_ibuf [dreg:s8], $0x6FFFF;
	_ =	strace $0x90000046  }
0xb9: {  	s29 =	simm.s32 $0x9;
	_ =	strace $0x80000048  }
0xba: {  	_ =	swait.ge [sflag:s29], $0x1  }
0xbb: {  	[sflag:s29] =	ssyncadd.s32 $0xFFFFFFFF  }
0xbc: {  	_ =	strace $0x90000048  }
0xbd: {  	_ =	sfence  }
0xbe: {  	s30 =	sld [smem:$0x0];
	_ =	sdelay $0x2  }
0xbf: {  	s31 =	sshll.u32 s1, $0xD;
	s1 =	sshrl.u32 s1, $0x2  }
0xc0: {  	s3 =	sand.u32 $0x4000, s31;
	s1 =	sadd.s32 s1, s30  }
0xc1: {  	s0 =	sor.u32 s3, s0;
	s1 =	sshll.u32 s1, $0x11  }
0xc2: {  	s0 =	sor.u32 s1, s0  }
0xc3: {  	s0 =	sadd.s32 $0x8F2B, s0  }
0xc4: {  	[sflag:s0] =	ssyncadd.remote.s32 $0x1  }
0xc5: {  	_ =	sfence.sel $0xFFFF  }
0xc6: {  	[dreg:$0x0] =	wrdreg $0xFFFFFFFF;
	(pc) =	sbr.abs _section_cstart, $3  }
0xc7: {  	[dreg:$0x1] =	wrdreg $0xFFFFFFFF  }
0xc8: {  	_ =	task.clear_ibuf [dreg:s8], $0x2FFFF;
	_ =	strace $0x9FFFFFFF  }
0xc9: {  	(tm) =	ssettm $0x7FFFFFFF  }
tec
execute0_lowered:
.L_overlay_start_1:
0x0: {  	(tag) =	ssettag $0x1  }
0x1: {  	s0 =	rddreg [dreg:$0x2];
	s1 =	srdreg.scid;
	s3 =	simm.s32 $0x0  }
0x2: {  	s2 =	stileid.u32;
	s9 =	simm.s32 $0x400;
	s4 =	sand.u32 $0x1, s1  }
0x3: {  	s10 =	simm.s32 $0x27400;
	s11 =	simm.s32 $0x1;
	s1 =	ssub.s32 $0x2, s4  }
0x4: {  	s12 =	simm.s32 $0x17000;
	s13 =	simm.s32 $0x2;
	s5 =	sshrl.u32 s1, $0x1  }
0x5: {  	s14 =	simm.s32 $0x17400;
	[smem:$0x7FF] =	sst s3;
	s31 =	ssub.s32 s1, s5  }
0x6: {  	s6 =	sadd.s32 $0x1200, s0;
	s7 =	sshll.u32 s2, $0x1;
	s0 =	smax.u32 s31, $0x1  }
0x7: {  	_ =	strace $0x80000047;
	s1 =	simm.s32 $0x0;
	[dreg:$0x4] =	wrdreg s0  }
.LBB2_1:
0x8: {  	[dreg:$0x5] =	wrdreg s1;
	p1 =	por $0x1, $0x1;
	s0 =	simm.s32 $0x0  }
.LBB2_2:
0x9: {  	s0 =	sor.u32 s0, s7  }
0xa: {  	s0 =	sor.u32 s4, s0  }
0xb: {  	s31 =	rddreg [dreg:$0x0];
	s16 =	sshll.u32 s0, $0x7  }
0xc: {  	s17 =	simm.s32 $0x0;
	s0 =	sadd.s32 s31, s16  }
0xd: {  	[tilespmem:s17], [sflag:$0x1] =	stream.strided.gather [hbm4b:s0+s9], $0x17000, s10, s9, $0x38;
	[tilespmem:$0x17800] =	vst v63  }
0xe: {  	_ =	swait.ge [sflag:s11], $0x17000  }
0xf: {  	[sflag:s11] =	ssyncset.done $0x0  }
0x10: {  	p0 =	por p1, p1;
	s18 =	simm.s32 $0x0;
	[sflag:s11] =	ssyncadd.s32 $0xFFFE9000  }
.LBB2_3:
0x11: {  	s0 =	sshrl.u32 s18, $0x3;
	s1 =	sshll.u32 s18, $0x4  }
0x12: {  	s24 =	sand.u32 $0x70, s1;
	s5 =	sshll.u32 s0, $0x9  }
0x13: {  	s15 =	sand.u32 $0x7, s17;
	s21 =	sor.u32 s24, s5  }
0x14: {  	s8 =	sshll.u32 s0, $0xB;
	s22 =	sshll.u32 s15, $0x6;
	s1 =	sor.u32 s1, s5;
	v0 =	vld [tilespmem:s21+$0x0]  }
0x15: {  	s0 =	sor.u32 s22, s8;
	s20 =	sor.u32 $0x80, s1;
	v2 =	vld [tilespmem:s21+$0x100]  }
0x16: {  	s23 =	sshrl.u32 s0, $0x2;
	s19 =	sor.u32 $0x180, s1;
	v1 =	vld [tilespmem:s20+$0x0]  }
0x17: {  	s0 =	sadd.s32 $0x1000, s23;
	v3 =	vld [tilespmem:s19+$0x0]  }
0x18: {  	v4 =	vld [tilespmem:s0+$0xC00]  }
0x19: {  	v5 =	vld [tilespmem:s0+$0xFFFFF400]  }
0x1a: {  	v11 =	vld [tilespmem:s0+$0xC80]  }
0x1b: {  	v6 =	vld [tilespmem:s0+$0xFFFFF800]  }
0x1c: {  	v7 =	vld [tilespmem:s0+$0x800]  }
0x1d: {  	v8 =	vld [tilespmem:s0+$0xFFFFFC00]  }
0x1e: {  	v13 =	vld [tilespmem:s0+$0x880]  }
0x1f: {  	v9 =	vld [tilespmem:s0+$0x400];
	vm0 =	vgt.f32 v5, v0  }
0x20: {  	v0 =	vsel vm0, v5, v0;
	v5 =	vld [tilespmem:s0+$0x0]  }
0x21: {  	v12 =	vld [tilespmem:s0+$0x480];
	vm1 =	vgt.f32 v6, v0  }
0x22: {  	v10 =	vld [tilespmem:s0+$0xFFFFF880];
	v0 =	vsel vm1, v6, v0  }
0x23: {  	v16 =	vld [tilespmem:s0+$0xFFFFF480];
	vm2 =	vgt.f32 v8, v0  }
0x24: {  	v17 =	vld [tilespmem:s0+$0xFFFFF580];
	v0 =	vsel vm2, v8, v0  }
0x25: {  	v14 =	vimm.s32 $0x0;
	s1 =	simm.s32 $0x1;
	v18 =	vld [tilespmem:s0+$0xFFFFF980];
	vm3 =	vgt.f32 v5, v0  }
0x26: {  	s22 =	simm.s32 $0x2;
	v19 =	vld [tilespmem:s0+$0xFFFFFD80];
	v15 =	vsel vm0, s1, v14;
	v0 =	vsel vm3, v5, v0  }
0x27: {  	s2 =	simm.s32 $0x3;
	v15 =	vsel vm1, s22, v15;
	v5 =	vld [tilespmem:s0+$0xFFFFF500];
	vm0 =	vgt.f32 v9, v0  }
0x28: {  	s29 =	simm.s32 $0x4;
	v20 =	vld [tilespmem:s0+$0x100];
	v15 =	vsel vm2, s2, v15;
	v0 =	vsel vm0, v9, v0  }
0x29: {  	s28 =	simm.s32 $0x5;
	s5 =	sadd.s32 $0x1C00, s0;
	v15 =	vsel vm3, s29, v15;
	v9 =	vld [tilespmem:s0+$0xFFFFF900];
	vm1 =	vgt.f32 v7, v0  }
0x2a: {  	s25 =	simm.s32 $0x6;
	v21 =	vld [tilespmem:s5+$0x400];
	vm4 =	vgt.f32 v17, v3;
	v15 =	vsel vm0, s28, v15;
	v0 =	vsel vm1, v7, v0  }
0x2b: {  	s26 =	simm.s32 $0x7;
	v8 =	vld [tilespmem:s0+$0xFFFFFC80];
	vm2 =	vgt.f32 v16, v1;
	v15 =	vsel vm1, s25, v15;
	vm0 =	vgt.f32 v4, v0  }
0x2c: {  	v7 =	vld [tilespmem:s0+$0xFFFFFD00];
	vm1 =	vgt.f32 v5, v2;
	v4 =	vsel vm0, v4, v0;
	v15 =	vsel vm0, s26, v15  }
0x2d: {  	v6 =	vld [tilespmem:s0+$0x80];
	v0 =	vsel vm2, v16, v1;
	v1 =	vsel vm1, v5, v2;
	v2 =	vsel vm4, v17, v3  }
0x2e: {  	v3 =	vld [tilespmem:s0+$0x180];
	v17 =	vsel vm4, s1, v14;
	vm3 =	vgt.f32 v10, v0;
	vm5 =	vgt.f32 v9, v1  }
0x2f: {  	v5 =	vld [tilespmem:s0+$0x500];
	vm6 =	vgt.f32 v18, v2;
	v0 =	vsel vm3, v10, v0;
	v1 =	vsel vm5, v9, v1  }
0x30: {  	v16 =	vld [tilespmem:s0+$0x900];
	v2 =	vsel vm6, v18, v2;
	v10 =	vsel vm1, s1, v14;
	v17 =	vsel vm6, s22, v17  }
0x31: {  	v9 =	vld [tilespmem:s0+$0x580];
	vm0 =	vgt.f32 v8, v0;
	vm1 =	vgt.f32 v7, v1;
	vm4 =	vgt.f32 v19, v2  }
0x32: {  	v18 =	vld [tilespmem:s0+$0xD80];
	v10 =	vsel vm5, s22, v10;
	v0 =	vsel vm0, v8, v0;
	v1 =	vsel vm1, v7, v1  }
0x33: {  	v8 =	vld [tilespmem:s0+$0x980];
	v2 =	vsel vm4, v19, v2;
	v10 =	vsel vm1, s2, v10;
	v17 =	vsel vm4, s2, v17  }
0x34: {  	v7 =	vld [tilespmem:s0+$0xD00];
	vm8 =	vgt.f32 v6, v0;
	vm5 =	vgt.f32 v20, v1;
	vm1 =	vgt.f32 v3, v2  }
0x35: {  	v19 =	vsel vm8, v6, v0;
	v6 =	vsel vm5, v20, v1;
	v2 =	vsel vm1, v3, v2;
	v3 =	vld [tilespmem:s5+$0xFFFFF400]  }
0x36: {  	v0 =	vld [tilespmem:s5+$0xC00];
	v10 =	vsel vm5, s29, v10;
	vm4 =	vgt.f32 v5, v6;
	vm5 =	vgt.f32 v9, v2  }
0x37: {  	v5 =	vsel vm4, v5, v6;
	v2 =	vsel vm5, v9, v2;
	v6 =	vld [tilespmem:s5+$0xFFFFF800];
	v9 =	vsel vm1, s29, v17  }
0x38: {  	v1 =	vld [tilespmem:s5+$0xC80];
	v17 =	vsel vm4, s28, v10;
	vm1 =	vgt.f32 v16, v5;
	vm4 =	vgt.f32 v8, v2  }
0x39: {  	v9 =	vsel vm5, s28, v9;
	v5 =	vsel vm1, v16, v5;
	v8 =	vsel vm4, v8, v2;
	v16 =	vld [tilespmem:s5+$0xFFFFFC00]  }
0x3a: {  	v20 =	vld [tilespmem:s5+$0x0];
	v17 =	vsel vm1, s25, v17;
	v9 =	vsel vm4, s25, v9;
	vm1 =	vgt.f32 v3, v4  }
0x3b: {  	v10 =	vld [tilespmem:s5+$0x800];
	vm5 =	vgt.f32 v7, v5;
	vm4 =	vgt.f32 v18, v8;
	v4 =	vsel vm1, v3, v4  }
0x3c: {  	v2 =	vld [tilespmem:s5+$0x880];
	v7 =	vsel vm5, v7, v5;
	v3 =	vsel vm5, s26, v17;
	vm5 =	vgt.f32 v6, v4  }
0x3d: {  	s30 =	simm.s32 $0x8;
	vm11 =	vgt.f32 v12, v19;
	v8 =	vsel vm4, v18, v8;
	v5 =	vld [tilespmem:s5+$0x480];
	v17 =	vsel vm5, v6, v4  }
0x3e: {  	v15 =	vsel vm1, s30, v15;
	v18 =	vsel vm11, v12, v19;
	v12 =	vld [tilespmem:s5+$0xFFFFF880];
	vm1 =	vgt.f32 v16, v17  }
0x3f: {  	s31 =	simm.s32 $0x9;
	v14 =	vsel vm2, s1, v14;
	vm10 =	vgt.f32 v13, v18;
	v6 =	vld [tilespmem:s5+$0x80];
	v16 =	vsel vm1, v16, v17  }
0x40: {  	v4 =	vsel vm4, s26, v9;
	v9 =	vld [tilespmem:s5+$0xFFFFFC80];
	v15 =	vsel vm5, s31, v15;
	vm7 =	vgt.f32 v20, v16  }
0x41: {  	v19 =	vsel vm10, v13, v18;
	v13 =	vld [tilespmem:s5+$0xFFFFF480];
	v18 =	vsel vm3, s22, v14;
	v16 =	vsel vm7, v20, v16  }
0x42: {  	s15 =	simm.s32 $0xF;
	s8 =	sshrl.u32 s8, $0x2;
	s0 =	simm.s32 $0xA;
	v14 =	vld [tilespmem:s5+$0xFFFFF500];
	vm3 =	vgt.f32 v11, v19;
	v18 =	vsel vm0, s2, v18;
	vm4 =	vgt.f32 v21, v16  }
0x43: {  	s23 =	sadd.s32 $0x800, s23;
	s1 =	simm.s32 $0xB;
	s22 =	sor.u32 $0x100, s21;
	v17 =	vsel vm1, s0, v15;
	v11 =	vsel vm3, v11, v19;
	v15 =	vld [tilespmem:s5+$0xFFFFF580];
	v16 =	vsel vm4, v21, v16  }
.LBB2_4:
0x44: {  	_ =	sdelay $0x1  }
0x45: {  	v17 =	vsel vm7, s1, v17;
	s2 =	sadd.s32 $0x4, s30  }
0x46: {  	v18 =	vsel vm8, s29, v18;
	v17 =	vsel vm4, s2, v17;
	vm0 =	vgt.f32 v10, v16  }
0x47: {  	s29 =	smov.u32 s1;
	s1 =	sadd.s32 $0x5, s30;
	vm1 =	vgt.f32 v14, v7;
	vm2 =	vgt.f32 v15, v8;
	v10 =	vsel vm0, v10, v16  }
0x48: {  	v19 =	vld [tilespmem:s5+$0xFFFFF900];
	v16 =	vsel vm11, s28, v18;
	v17 =	vsel vm0, s1, v17;
	v7 =	vsel vm1, v14, v7  }
0x49: {  	s28 =	smov.u32 s2;
	s2 =	sadd.s32 $0x6, s30;
	v8 =	vsel vm2, v15, v8;
	v14 =	vimm.s32 $0x0;
	vm0 =	vgt.f32 v0, v10  }
0x4a: {  	v22 =	vsel vm0, v0, v10;
	v17 =	vsel vm0, s2, v17;
	vm0 =	vgt.f32 v13, v11  }
0x4b: {  	v15 =	vimm.s32 $0x0;
	v0 =	vimm.s32 $0x0;
	v10 =	vsel vm0, v13, v11  }
0x4c: {  	v16 =	vsel vm10, s25, v16;
	v0 =	vsel vm0, $0xFFFFFFFF, v0;
	vm0 =	vgt.f32 v12, v10  }
0x4d: {  	v20 =	vld [tilespmem:s5+$0xFFFFF980];
	vm9 =	vgt.f32 v19, v7;
	v13 =	vimm.s32 $0x0;
	v10 =	vsel vm0, v12, v10  }
0x4e: {  	v21 =	vld [tilespmem:s5+$0xFFFFFD80];
	[tilespmem:$0x1FFC0] =	vst v0;
	v0 =	vimm.s32 $0x0;
	v13 =	vsel vm0, $0xFFFFFFFF, v13;
	vm0 =	vgt.f32 v9, v10  }
0x4f: {  	v18 =	vld [tilespmem:s5+$0xFFFFFD00];
	v16 =	vsel vm3, s26, v16;
	v0 =	vsel vm1, $0xFFFFFFFF, v0;
	v9 =	vsel vm0, v9, v10  }
0x50: {  	[tilespmem:$0x1FF90] =	vst v0;
	v0 =	vimm.s32 $0x0;
	v14 =	vsel vm0, $0xFFFFFFFF, v14;
	vm0 =	vgt.f32 v6, v9  }
0x51: {  	v7 =	vsel vm9, v19, v7;
	v11 =	vld [tilespmem:s5+$0x180];
	[tilespmem:$0x1FFE0] =	vst v13;
	v0 =	vsel vm2, $0xFFFFFFFF, v0;
	v6 =	vsel vm0, v6, v9  }
0x52: {  	vm1 =	vgt.f32 v20, v8;
	v13 =	vimm.s32 $0x0;
	[tilespmem:$0x1FFA0] =	vst v0;
	v0 =	vld [tilespmem:s5+$0x100];
	vm11 =	vgt.f32 v5, v6  }
0x53: {  	v12 =	vld [tilespmem:s5+$0x580];
	v8 =	vsel vm1, v20, v8;
	v13 =	vsel vm1, $0xFFFFFFFF, v13;
	v5 =	vsel vm11, v5, v6  }
0x54: {  	vm7 =	vgt.f32 v18, v7;
	vm12 =	vgt.f32 v21, v8;
	[tilespmem:$0x1FFB0] =	vst v13;
	v13 =	vld [tilespmem:s5+$0x500];
	vm10 =	vgt.f32 v2, v5  }
0x55: {  	v7 =	vsel vm7, v18, v7;
	v10 =	vld [tilespmem:s5+$0x980];
	v8 =	vsel vm12, v21, v8;
	v2 =	vsel vm10, v2, v5  }
0x56: {  	[tilespmem:$0x1FFF0] =	vst v14;
	v14 =	vld [tilespmem:s5+$0x900];
	v15 =	vsel vm0, $0xFFFFFFFF, v15;
	vm14 =	vgt.f32 v11, v8;
	vm3 =	vgt.f32 v1, v2  }
0x57: {  	v8 =	vsel vm14, v11, v8;
	vm13 =	vgt.f32 v0, v7;
	v11 =	vsel vm3, v1, v2;
	v1 =	vld [tilespmem:$0x1FF90]  }
0x58: {  	[tilespmem:$0x1FFD0] =	vst v15;
	v15 =	vld [tilespmem:s5+$0xD00];
	v7 =	vsel vm13, v0, v7  }
0x59: {  	vm15 =	vgt.f32 v13, v7  }
0x5a: {  	v6 =	vsel vm15, v13, v7  }
0x5b: {  	v9 =	vld [tilespmem:s5+$0xD80];
	s5 =	sadd.s32 $0x1C00, s5;
	vm0 =	vgt.f32 v12, v8;
	vm4 =	vgt.f32 v14, v6  }
0x5c: {  	v18 =	vld [tilespmem:s5+$0xFFFFF400];
	v7 =	vsel vm0, v12, v8;
	v5 =	vsel vm4, v14, v6;
	vm8 =	vnez.u8 v1  }
0x5d: {  	vm5 =	vgt.f32 v10, v7;
	vm6 =	vgt.f32 v15, v5;
	v1 =	vsel vm8, s30, v3;
	v3 =	vld [tilespmem:$0x1FFA0]  }
0x5e: {  	v6 =	vsel vm5, v10, v7;
	v7 =	vsel vm6, v15, v5;
	v5 =	vsel vm9, s31, v1;
	v1 =	vld [tilespmem:$0x1FFB0]  }
0x5f: {  	v13 =	vld [tilespmem:s5+$0xFFFFF800];
	_ =	sdelay $0x1  }
0x60: {  	v14 =	vld [tilespmem:s5+$0xFFFFFC00]  }
0x61: {  	vm2 =	vgt.f32 v18, v22;
	vm8 =	vnez.u8 v3  }
0x62: {  	v15 =	vld [tilespmem:s5+$0x0];
	v3 =	vsel vm8, s30, v4;
	v4 =	vsel vm2, v18, v22;
	vm8 =	vnez.u8 v1  }
0x63: {  	v3 =	vsel vm8, s31, v3;
	vm8 =	vgt.f32 v13, v4  }
0x64: {  	v4 =	vsel vm8, v13, v4  }
0x65: {  	vm9 =	vgt.f32 v14, v4  }
0x66: {  	vm1 =	vgt.f32 v9, v6;
	v14 =	vsel vm9, v14, v4  }
0x67: {  	v8 =	vsel vm1, v9, v6;
	v6 =	vsel vm7, s0, v5;
	vm7 =	vgt.f32 v15, v14  }
0x68: {  	v19 =	vsel vm7, v15, v14;
	v14 =	vld [tilespmem:$0x1FFC0];
	_ =	sdelay $0x2  }
0x69: {  	v3 =	vsel vm12, s0, v3  }
0x6a: {  	v3 =	vsel vm14, s29, v3  }
0x6b: {  	s25 =	smov.u32 s1;
	s1 =	sadd.s32 $0x1, s15;
	v17 =	vsel vm2, s15, v17;
	v3 =	vsel vm0, s28, v3;
	vm0 =	vnez.u8 v14  }
0x6c: {  	v15 =	vsel vm0, s30, v16;
	v16 =	vsel vm8, s1, v17;
	v17 =	vld [tilespmem:$0x1FFD0];
	_ =	sdelay $0x2  }
0x6d: {  	v12 =	vld [tilespmem:s5+$0xC80]  }
0x6e: {  	v18 =	vld [tilespmem:s5+$0x400]  }
0x6f: {  	vm8 =	vnez.u8 v17;
	v17 =	vld [tilespmem:$0x1FFE0]  }
0x70: {  	v0 =	vld [tilespmem:s5+$0xC00]  }
0x71: {  	v2 =	vld [tilespmem:s5+$0x880];
	v9 =	vsel vm13, s29, v6  }
0x72: {  	v10 =	vld [tilespmem:s5+$0x800];
	v1 =	vmov v12;
	v12 =	vsel vm15, s28, v9  }
0x73: {  	s26 =	smov.u32 s2;
	s2 =	sadd.s32 $0x2, s15;
	v5 =	vld [tilespmem:s5+$0x480];
	v4 =	vsel vm4, s25, v12;
	vm4 =	vgt.f32 v18, v19  }
0x74: {  	vm0 =	vnez.u8 v17;
	v17 =	vsel vm9, s2, v16;
	v16 =	vsel vm4, v18, v19;
	v18 =	vld [tilespmem:$0x1FFF0]  }
0x75: {  	p1 =	slt.u32 s15, $0x4E;
	v6 =	vld [tilespmem:s5+$0x80]  }
.Ltmp0:
0x76: {  	v9 =	vld [tilespmem:s5+$0xFFFFFC80];
	(pc) =	sbr.rel @p1 .LBB2_4-.Ltmp0, $4  }
0x77: {  	v12 =	vld [tilespmem:s5+$0xFFFFF880];
	v13 =	vsel vm5, s25, v3  }
0x78: {  	v3 =	vsel vm6, s26, v4;
	v4 =	vsel vm1, s26, v13;
	v13 =	vld [tilespmem:s5+$0xFFFFF480]  }
0x79: {  	v14 =	vld [tilespmem:s5+$0xFFFFF500];
	s30 =	smov.u32 s15;
	s15 =	sadd.s32 $0x7, s15;
	v20 =	vsel vm0, s31, v15;
	vm0 =	vnez.u8 v18  }
0x7a: {  	s31 =	smov.u32 s1;
	v15 =	vld [tilespmem:s5+$0xFFFFF580];
	s1 =	sadd.s32 $0x3, s30;
	v18 =	vsel vm0, s0, v20;
	s0 =	smov.u32 s2  }
0x7b: {  	v17 =	vsel vm7, s1, v17;
	s15 =	sadd.s32 $0x4, s30;
	vm0 =	vgt.f32 v10, v16  }
0x7c: {  	v19 =	vld [tilespmem:s5+$0xFFFFF900];
	v18 =	vsel vm8, s29, v18;
	s29 =	sadd.s32 $0x5, s30;
	v17 =	vsel vm4, s15, v17;
	v10 =	vsel vm0, v10, v16  }
0x7d: {  	v20 =	vld [tilespmem:s5+$0xFFFFF980];
	s2 =	sadd.s32 $0x6, s30;
	v16 =	vsel vm11, s28, v18;
	v17 =	vsel vm0, s29, v17;
	vm0 =	vgt.f32 v0, v10  }
0x7e: {  	v16 =	vsel vm10, s25, v16;
	v10 =	vsel vm0, v0, v10;
	v0 =	vsel vm0, s2, v17  }
0x7f: {  	v21 =	vld [tilespmem:s5+$0xFFFFFD00];
	v16 =	vsel vm3, s26, v16;
	vm0 =	vgt.f32 v13, v11;
	vm10 =	vgt.f32 v14, v7  }
0x80: {  	v22 =	vld [tilespmem:s5+$0xFFFFFD80];
	vm7 =	vgt.f32 v15, v8;
	v11 =	vsel vm0, v13, v11;
	v7 =	vsel vm10, v14, v7  }
0x81: {  	v23 =	vld [tilespmem:s5+$0x100];
	v3 =	vsel vm10, s30, v3;
	v8 =	vsel vm7, v15, v8;
	vm1 =	vgt.f32 v12, v11  }
0x82: {  	v24 =	vld [tilespmem:s5+$0x180];
	vm8 =	vgt.f32 v19, v7;
	v4 =	vsel vm7, s30, v4;
	vm6 =	vgt.f32 v20, v8  }
0x83: {  	v25 =	vld [tilespmem:s5+$0x580];
	v11 =	vsel vm1, v12, v11;
	v7 =	vsel vm8, v19, v7;
	v3 =	vsel vm8, s31, v3  }
0x84: {  	v18 =	vld [tilespmem:s5+$0x500];
	v8 =	vsel vm6, v20, v8;
	vm2 =	vgt.f32 v9, v11;
	vm13 =	vgt.f32 v21, v7  }
0x85: {  	v26 =	vld [tilespmem:s5+$0x980];
	v4 =	vsel vm6, s31, v4;
	vm4 =	vgt.f32 v22, v8;
	v9 =	vsel vm2, v9, v11  }
0x86: {  	v17 =	vld [tilespmem:s5+$0x900];
	v7 =	vsel vm13, v21, v7;
	v3 =	vsel vm13, s0, v3;
	v8 =	vsel vm4, v22, v8  }
0x87: {  	v13 =	vld [tilespmem:s5+$0xD00];
	vm3 =	vgt.f32 v6, v9;
	vm12 =	vgt.f32 v23, v7;
	vm9 =	vgt.f32 v24, v8  }
0x88: {  	s26 =	sadd.s32 s24, s8;
	v14 =	vld [tilespmem:s5+$0xD80];
	v6 =	vsel vm3, v6, v9;
	v7 =	vsel vm12, v23, v7;
	v3 =	vsel vm12, s1, v3  }
0x89: {  	v15 =	vld [tilespmem:s26+$0x15480];
	v8 =	vsel vm9, v24, v8;
	vm5 =	vgt.f32 v5, v6;
	vm15 =	vgt.f32 v18, v7  }
0x8a: {  	v12 =	vld [tilespmem:s26+$0x15400];
	vm14 =	vgt.f32 v25, v8;
	v5 =	vsel vm5, v5, v6;
	v6 =	vsel vm15, v18, v7  }
0x8b: {  	v19 =	vld [tilespmem:s26+$0x15580];
	v3 =	vsel vm15, s15, v3;
	v7 =	vsel vm14, v25, v8;
	vm11 =	vgt.f32 v2, v5  }
0x8c: {  	v20 =	vld [tilespmem:s26+$0x15880];
	vm10 =	vgt.f32 v17, v6;
	vm7 =	vgt.f32 v26, v7;
	v2 =	vsel vm11, v2, v5  }
0x8d: {  	v11 =	vld [tilespmem:s26+$0x15500];
	v6 =	vsel vm10, v17, v6;
	v3 =	vsel vm10, s29, v3;
	v7 =	vsel vm7, v26, v7  }
0x8e: {  	v21 =	vld [tilespmem:s26+$0x15D00];
	vm8 =	vgt.f32 v1, v2;
	vm6 =	vgt.f32 v13, v6;
	v26 =	vimm.s32 $0x0  }
0x8f: {  	v9 =	vld [tilespmem:s26+$0x15800];
	vm13 =	vgt.f32 v14, v7;
	v22 =	vsel vm8, v1, v2;
	v6 =	vsel vm6, v13, v6  }
0x90: {  	v23 =	vld [tilespmem:s26+$0x15D80];
	v1 =	vsel vm0, s30, v16;
	v2 =	vsel vm4, s0, v4;
	vm0 =	vgt.f32 v12, v10  }
0x91: {  	v24 =	vld [tilespmem:s26+$0x16180];
	v7 =	vsel vm13, v14, v7;
	v1 =	vsel vm1, s31, v1;
	v2 =	vsel vm9, s1, v2  }
0x92: {  	v18 =	vld [tilespmem:s26+$0x15980];
	v26 =	vsel vm0, $0xFFFFFFFF, v26;
	v10 =	vsel vm0, v12, v10;
	vm1 =	vgt.f32 v15, v22  }
0x93: {  	v8 =	vld [tilespmem:s26+$0x15900];
	vm0 =	vgt.f32 v11, v6;
	v1 =	vsel vm2, s0, v1;
	v2 =	vsel vm14, s15, v2  }
0x94: {  	v5 =	vld [tilespmem:s26+$0x15C00];
	[tilespmem:$0x1FF00] =	vst v26;
	v26 =	vimm.s32 $0x0;
	v15 =	vsel vm1, v15, v22;
	v22 =	vimm.s32 $0x0  }
0x95: {  	v17 =	vld [tilespmem:s26+$0x15C80];
	v6 =	vsel vm0, v11, v6;
	vm9 =	vgt.f32 v9, v10;
	v16 =	vsel vm3, s1, v1  }
0x96: {  	v13 =	vld [tilespmem:s26+$0x16000];
	v2 =	vsel vm7, s29, v2;
	v1 =	vsel vm6, s2, v3;
	v26 =	vsel vm1, $0xFFFFFFFF, v26  }
0x97: {  	v4 =	vld [tilespmem:s26+$0x16080];
	v22 =	vsel vm0, $0xFFFFFFFF, v22;
	vm0 =	vgt.f32 v19, v7;
	v9 =	vsel vm9, v9, v10  }
0x98: {  	v14 =	vld [tilespmem:s26+$0x16100];
	v10 =	vimm.s32 $0x0;
	v3 =	vsel vm5, s15, v16;
	v2 =	vsel vm13, s2, v2  }
0x99: {  	v12 =	vld [tilespmem:s26+$0x16500];
	[tilespmem:$0x1FF20] =	vst v22;
	v22 =	vimm.s32 $0x0;
	v7 =	vsel vm0, v19, v7;
	vm13 =	vgt.f32 v5, v9  }
0x9a: {  	v11 =	vld [tilespmem:s26+$0x16580];
	v22 =	vsel vm0, $0xFFFFFFFF, v22;
	vm0 =	vgt.f32 v20, v15;
	v5 =	vsel vm13, v5, v9  }
0x9b: {  	v16 =	vld [tilespmem:s26+$0x16400];
	v25 =	vsel vm11, s29, v3;
	v10 =	vsel vm0, $0xFFFFFFFF, v10;
	vm2 =	vgt.f32 v13, v5  }
0x9c: {  	v19 =	vld [tilespmem:s26+$0x16800];
	[tilespmem:$0x1FF40] =	vst v10;
	v10 =	vsel vm0, v20, v15;
	vm0 =	vgt.f32 v8, v6;
	v20 =	vimm.s32 $0x0  }
0x9d: {  	v3 =	vld [tilespmem:s26+$0x16480];
	v5 =	vsel vm2, v13, v5;
	v20 =	vsel vm0, $0xFFFFFFFF, v20;
	v6 =	vsel vm0, v8, v6  }
0x9e: {  	v9 =	vld [tilespmem:s26+$0x16980];
	vm0 =	vgt.f32 v18, v7;
	v8 =	vimm.s32 $0x0;
	vm12 =	vgt.f32 v17, v10  }
0x9f: {  	v15 =	vld [tilespmem:s26+$0x16880];
	v8 =	vsel vm0, $0xFFFFFFFF, v8;
	v7 =	vsel vm0, v18, v7;
	vm1 =	vgt.f32 v21, v6  }
0xa0: {  	v13 =	vld [tilespmem:s26+$0x16D00];
	vm4 =	vgt.f32 v16, v5;
	[tilespmem:$0x1FF60] =	vst v8;
	v8 =	vsel vm12, v17, v10;
	vm0 =	vgt.f32 v23, v7  }
0xa1: {  	[tilespmem:$0x1FF50] =	vst v20;
	v20 =	vld [tilespmem:s26+$0x16900];
	v17 =	vimm.s32 $0x0;
	v6 =	vsel vm1, v21, v6;
	v5 =	vsel vm4, v16, v5  }
0xa2: {  	v10 =	vld [tilespmem:s26+$0x16C00];
	v17 =	vsel vm1, $0xFFFFFFFF, v17;
	v7 =	vsel vm0, v23, v7;
	vm11 =	vgt.f32 v14, v6  }
0xa3: {  	vm15 =	vgt.f32 v4, v8;
	vm6 =	vgt.f32 v19, v5;
	v6 =	vsel vm11, v14, v6;
	v14 =	vld [tilespmem:s23+$0xFFFFF800]  }
0xa4: {  	v16 =	vld [tilespmem:s23+$0x0];
	[tilespmem:$0x1FF70] =	vst v17;
	v17 =	vimm.s32 $0x0;
	v4 =	vsel vm15, v4, v8;
	vm10 =	vgt.f32 v24, v7  }
0xa5: {  	v18 =	vld [tilespmem:s23+$0xFFFFFC00];
	v17 =	vsel vm0, $0xFFFFFFFF, v17;
	vm1 =	vgt.f32 v3, v4;
	v7 =	vsel vm10, v24, v7  }
0xa6: {  	vm0 =	vgt.f32 v12, v6;
	[tilespmem:$0x1FF80] =	vst v17;
	v17 =	vld [tilespmem:s26+$0x16C80];
	v3 =	vsel vm1, v3, v4;
	v4 =	vsel vm6, v19, v5  }
0xa7: {  	v19 =	vld [tilespmem:s26+$0x16D80];
	vm14 =	vgt.f32 v11, v7;
	v5 =	vsel vm0, v12, v6;
	v8 =	vmax.f32 v4, v10  }
0xa8: {  	v6 =	vsel vm14, v11, v7;
	vm7 =	vgt.f32 v15, v3;
	v10 =	vsub.f32 v14, v8;
	v14 =	vld [tilespmem:s23+$0x400]  }
0xa9: {  	vm3 =	vgt.f32 v20, v5;
	v7 =	vsel vm7, v15, v3;
	v15 =	vsub.f32 v16, v8;
	v16 =	vld [tilespmem:s23+$0xFFFFF880]  }
0xaa: {  	v21 =	vld [tilespmem:s23+$0xFFFFF900];
	v3 =	vsel vm3, v20, v5;
	v18 =	vsub.f32 v18, v8  }
0xab: {  	vm5 =	vgt.f32 v9, v6;
	v20 =	vmul.f32 $1.442695020e+00, v10;
	v11 =	vmax.f32 v7, v17;
	v17 =	vld [tilespmem:s23+$0xFFFFFC80]  }
0xac: {  	v5 =	vsel vm5, v9, v6;
	v6 =	vmul.f32 $1.442695020e+00, v15;
	v10 =	vmax.f32 v3, v13;
	v13 =	vld [tilespmem:s23+$0xFFFFFD00]  }
0xad: {  	v12 =	vld [tilespmem:s23+$0xFFFFFD80];
	v15 =	vmul.f32 $1.442695020e+00, v18;
	(erf) = vpow2.f32 v20;
	v14 =	vsub.f32 v14, v8  }
0xae: {  	v18 =	vld [tilespmem:s23+$0xFFFFF980];
	v9 =	vmax.f32 v5, v19;
	v16 =	vsub.f32 v16, v11;
	(erf) = vpow2.f32 v6  }
0xaf: {  	v19 =	vld [tilespmem:s23+$0x100];
	(erf) = vpow2.f32 v15;
	v15 =	vsub.f32 v21, v10;
	v14 =	vmul.f32 $1.442695020e+00, v14  }
0xb0: {  	v16 =	vmul.f32 $1.442695020e+00, v16;
	v21 =	vld [tilespmem:s23+$0x500];
	v17 =	vsub.f32 v17, v11  }
0xb1: {  	s31 =	sadd.s32 $0x1000, s23;
	v20 =	vld [tilespmem:s23+$0x80];
	v13 =	vsub.f32 v13, v10;
	(erf) = vpow2.f32 v14;
	v14 =	vmul.f32 $1.442695020e+00, v15  }
0xb2: {  	v23 =	vld [tilespmem:s31+$0xFFFFF800];
	v15 =	vmul.f32 $1.442695020e+00, v17;
	(erf) = vpow2.f32 v16  }
0xb3: {  	v18 =	vsub.f32 v18, v9;
	v17 =	vld [tilespmem:s23+$0x180];
	v13 =	vmul.f32 $1.442695020e+00, v13;
	(erf) = vpow2.f32 v14  }
0xb4: {  	v12 =	vsub.f32 v12, v9;
	v19 =	vsub.f32 v19, v10;
	v16 =	vld [tilespmem:s23+$0x480];
	(erf) = vpow2.f32 v15  }
0xb5: {  	v18 =	vmul.f32 $1.442695020e+00, v18;
	(erf) = vpow2.f32 v13;
	v13 =	vsub.f32 v21, v10  }
0xb6: {  	[tilespmem:$0x1FF30] =	vst v22;
	v22 =	vld [tilespmem:s23+$0x580];
	v19 =	vmul.f32 $1.442695020e+00, v19;
	v14 =	vimm.f32 $0.0e+00;
	v15 =	vsub.f32 v20, v11;
	v20 =	vpop (erf)  }
0xb7: {  	v20 =	vadd.f32 v20, v14;
	(erf) = vpow2.f32 v18;
	v13 =	vmul.f32 $1.442695020e+00, v13  }
0xb8: {  	v21 =	vpop (erf);
	v17 =	vsub.f32 v17, v9;
	v15 =	vmul.f32 $1.442695020e+00, v15;
	(erf) = vpow2.f32 v19;
	v19 =	vld [tilespmem:s31+$0x0]  }
0xb9: {  	v23 =	vsub.f32 v23, v8;
	v12 =	vmul.f32 $1.442695020e+00, v12;
	v18 =	vpop (erf);
	v16 =	vsub.f32 v16, v11  }
0xba: {  	v27 =	vld [tilespmem:s31+$0xFFFFF880];
	v18 =	vadd.f32 v18, v20;
	v17 =	vmul.f32 $1.442695020e+00, v17;
	(erf) = vpow2.f32 v15;
	v24 =	vpop (erf)  }
0xbb: {  	v20 =	vsub.f32 v22, v9;
	v22 =	vld [tilespmem:s31+$0x80];
	v16 =	vmul.f32 $1.442695020e+00, v16;
	(erf) = vpow2.f32 v13;
	v13 =	vpop (erf)  }
0xbc: {  	v18 =	vadd.f32 v21, v18;
	v21 =	vld [tilespmem:s31+$0xFFFFFC00];
	(erf) = vpow2.f32 v17;
	v17 =	vadd.f32 v13, v14  }
0xbd: {  	v15 =	vld [tilespmem:s31+$0xFFFFFD80];
	v13 =	vpop (erf);
	(erf) = vpow2.f32 v16;
	v16 =	vmul.f32 $1.442695020e+00, v23;
	v19 =	vsub.f32 v19, v8  }
0xbe: {  	v20 =	vmul.f32 $1.442695020e+00, v20;
	v18 =	vadd.f32 v24, v18;
	v23 =	vld [tilespmem:s31+$0xFFFFFC80];
	v24 =	vadd.f32 v13, v14  }
0xbf: {  	[tilespmem:$0x1FF10] =	vst v26;
	v6 =	vsel vm8, s2, v25;
	v25 =	vld [tilespmem:s31+$0x400];
	v26 =	vpop (erf);
	(erf) = vpow2.f32 v12;
	v19 =	vmul.f32 $1.442695020e+00, v19  }
0xc0: {  	v13 =	vsub.f32 v22, v11;
	v17 =	vadd.f32 v26, v17;
	v22 =	vpop (erf);
	v26 =	vld [tilespmem:s31+$0xFFFFF900];
	(erf) = vpow2.f32 v16  }
0xc1: {  	v27 =	vsub.f32 v27, v11;
	v21 =	vsub.f32 v21, v8;
	v16 =	vpop (erf);
	(erf) = vpow2.f32 v20;
	v20 =	vld [tilespmem:s31+$0xFFFFFD00]  }
0xc2: {  	v12 =	vsub.f32 v15, v9;
	v15 =	vadd.f32 v22, v24;
	v24 =	vpop (erf)  }
0xc3: {  	v28 =	vld [tilespmem:s31+$0x100];
	v21 =	vmul.f32 $1.442695020e+00, v21;
	v23 =	vsub.f32 v23, v11;
	(erf) = vpow2.f32 v19;
	v19 =	vpop (erf)  }
0xc4: {  	v25 =	vsub.f32 v25, v8;
	v19 =	vadd.f32 v19, v17  }
0xc5: {  	v22 =	vld [tilespmem:s31+$0x500];
	v17 =	vsub.f32 v26, v10;
	v26 =	vmul.f32 $1.442695020e+00, v23;
	v23 =	vmul.f32 $1.442695020e+00, v27  }
0xc6: {  	v25 =	vmul.f32 $1.442695020e+00, v25;
	v15 =	vadd.f32 v24, v15;
	v24 =	vld [tilespmem:s31+$0xFFFFF980];
	v29 =	vpop (erf);
	v20 =	vsub.f32 v20, v10  }
0xc7: {  	v14 =	vadd.f32 v16, v14;
	(erf) = vpow2.f32 v21;
	v21 =	vpop (erf)  }
0xc8: {  	(erf) = vpow2.f32 v25;
	v16 =	vpop (erf);
	v62 =	vmul.f32 $1.442695020e+00, v20;
	v20 =	vsub.f32 v28, v10  }
0xc9: {  	v27 =	vld [tilespmem:s31+$0x180];
	(erf) = vpow2.f32 v23;
	v23 =	vpop (erf)  }
0xca: {  	v25 =	vmul.f32 $1.442695020e+00, v17;
	v63 =	vadd.f32 v23, v14;
	v23 =	vmul.f32 $1.442695020e+00, v20;
	v20 =	vld [tilespmem:s31+$0x580]  }
0xcb: {  	v12 =	vmul.f32 $1.442695020e+00, v12;
	v17 =	vsub.f32 v22, v10;
	v22 =	vsub.f32 v24, v9;
	v14 =	vld [tilespmem:s31+$0x480]  }
0xcc: {  	v15 =	vadd.f32 v29, v15;
	(erf) = vpow2.f32 v25;
	v16 =	vadd.f32 v16, v19;
	v30 =	vpop (erf)  }
0xcd: {  	(erf) = vpow2.f32 v26;
	v24 =	vmul.f32 $1.442695020e+00, v22;
	v19 =	vpop (erf);
	v22 =	vadd.f32 v21, v63  }
0xce: {  	s0 =	simm.s32 $0x4;
	s5 =	sadd.s32 $0x1000, s31;
	v25 =	vsub.f32 v27, v9;
	(erf) = vpow2.f32 v62;
	v21 =	vadd.f32 v30, v18;
	v18 =	vpop (erf)  }
.LBB2_6:
0xcf: {  	v26 =	vld [tilespmem:s5+$0xFFFFF800];
	s0 =	sadd.s32 $0x4, s0;
	v20 =	vsub.f32 v20, v9;
	(erf) = vpow2.f32 v24;
	v19 =	vadd.f32 v19, v22  }
0xd0: {  	v13 =	vmul.f32 $1.442695020e+00, v13;
	v14 =	vsub.f32 v14, v11;
	v22 =	vld [tilespmem:s5+$0xFFFFFD80];
	p1 =	slt.u32 s0, $0x58;
	v24 =	vpop (erf);
	(erf) = vpow2.f32 v23  }
0xd1: {  	v17 =	vmul.f32 $1.442695020e+00, v17;
	v23 =	vld [tilespmem:s5+$0x0];
	v29 =	vadd.f32 v24, v21;
	v24 =	vmul.f32 $1.442695020e+00, v25;
	v25 =	vpop (erf)  }
0xd2: {  	v20 =	vmul.f32 $1.442695020e+00, v20;
	v27 =	vld [tilespmem:s5+$0x80];
	(erf) = vpow2.f32 v13  }
0xd3: {  	v28 =	vld [tilespmem:s5+$0xFFFFFC00];
	v29 =	vadd.f32 v18, v29;
	v18 =	vmul.f32 $1.442695020e+00, v14;
	v21 =	vpop (erf);
	(erf) = vpow2.f32 v17  }
0xd4: {  	v17 =	vsub.f32 v26, v8;
	v14 =	vld [tilespmem:s5+$0x480];
	v16 =	vadd.f32 v21, v16;
	(erf) = vpow2.f32 v24  }
0xd5: {  	v21 =	vld [tilespmem:s5+$0x400];
	v25 =	vadd.f32 v25, v29;
	v13 =	vpop (erf);
	(erf) = vpow2.f32 v18  }
0xd6: {  	v29 =	vmul.f32 $1.442695020e+00, v17;
	v18 =	vld [tilespmem:s5+$0xFFFFFC80];
	v23 =	vsub.f32 v23, v8;
	v15 =	vadd.f32 v13, v15;
	v24 =	vpop (erf)  }
0xd7: {  	v26 =	vld [tilespmem:s5+$0xFFFFF880];
	v13 =	vsub.f32 v27, v11;
	v16 =	vadd.f32 v24, v16;
	v24 =	vpop (erf);
	(erf) = vpow2.f32 v12  }
0xd8: {  	v12 =	vsub.f32 v22, v9;
	v27 =	vld [tilespmem:s5+$0xFFFFF900];
	(erf) = vpow2.f32 v29;
	v15 =	vadd.f32 v24, v15;
	v17 =	vpop (erf)  }
0xd9: {  	v22 =	vsub.f32 v28, v8;
	v29 =	vmul.f32 $1.442695020e+00, v23;
	v24 =	vld [tilespmem:s5+$0x500];
	v28 =	vpop (erf);
	(erf) = vpow2.f32 v20  }
0xda: {  	v12 =	vmul.f32 $1.442695020e+00, v12;
	v20 =	vld [tilespmem:s5+$0xFFFFFD00];
	v21 =	vsub.f32 v21, v8;
	v15 =	vadd.f32 v28, v15  }
0xdb: {  	v30 =	vmul.f32 $1.442695020e+00, v22;
	v28 =	vld [tilespmem:s5+$0xFFFFF980];
	v18 =	vsub.f32 v18, v11;
	(erf) = vpow2.f32 v29;
	v23 =	vpop (erf)  }
0xdc: {  	v26 =	vsub.f32 v26, v11;
	v29 =	vld [tilespmem:s5+$0x100];
	v31 =	vmul.f32 $1.442695020e+00, v21;
	v16 =	vadd.f32 v23, v16;
	v23 =	vpop (erf)  }
0xdd: {  	v27 =	vsub.f32 v27, v10;
	v18 =	vmul.f32 $1.442695020e+00, v18;
	(erf) = vpow2.f32 v30;
	v22 =	vpop (erf)  }
0xde: {  	v19 =	vadd.f32 v17, v19;
	v26 =	vmul.f32 $1.442695020e+00, v26;
	(erf) = vpow2.f32 v31;
	v21 =	vpop (erf)  }
0xdf: {  	v17 =	vsub.f32 v24, v10;
	v27 =	vmul.f32 $1.442695020e+00, v27;
	v30 =	vsub.f32 v20, v10;
	v31 =	vld [tilespmem:s5+$0x180]  }
.Ltmp1:
0xe0: {  	v15 =	vadd.f32 v23, v15;
	v24 =	vsub.f32 v28, v9;
	v20 =	vld [tilespmem:s5+$0x580];
	(erf) = vpow2.f32 v26;
	v23 =	vpop (erf);
	(pc) =	sbr.rel @p1 .LBB2_6-.Ltmp1, $4  }
0xe1: {  	v26 =	vmul.f32 $1.442695020e+00, v30;
	v28 =	vsub.f32 v29, v10;
	v29 =	vpop (erf);
	v30 =	vadd.f32 v23, v19  }
0xe2: {  	v16 =	vadd.f32 v21, v16;
	v24 =	vmul.f32 $1.442695020e+00, v24;
	(erf) = vpow2.f32 v27;
	v19 =	vpop (erf)  }
0xe3: {  	v23 =	vmul.f32 $1.442695020e+00, v28;
	(erf) = vpow2.f32 v18;
	v22 =	vadd.f32 v22, v30  }
0xe4: {  	s5 =	sadd.s32 $0x1000, s5;
	v21 =	vadd.f32 v29, v25;
	v25 =	vsub.f32 v31, v9;
	(erf) = vpow2.f32 v26;
	v18 =	vpop (erf)  }
0xe5: {  	(erf) = vpow2.f32 v24;
	v13 =	vmul.f32 $1.442695020e+00, v13  }
0xe6: {  	v14 =	vsub.f32 v14, v11;
	v17 =	vmul.f32 $1.442695020e+00, v17;
	(erf) = vpow2.f32 v23  }
0xe7: {  	v57 =	vmul.f32 $1.442695020e+00, v25;
	(erf) = vpow2.f32 v13  }
0xe8: {  	v58 =	vpop (erf);
	v14 =	vmul.f32 $1.442695020e+00, v14;
	(erf) = vpow2.f32 v17  }
0xe9: {  	v59 =	vpop (erf);
	(erf) = vpow2.f32 v57  }
0xea: {  	v60 =	vpop (erf);
	(erf) = vpow2.f32 v14  }
0xeb: {  	v61 =	vsub.f32 v20, v9;
	v62 =	vpop (erf);
	(erf) = vpow2.f32 v12  }
0xec: {  	v19 =	vadd.f32 v19, v22;
	v63 =	vpop (erf)  }
0xed: {  	v4 =	vsub.f32 v4, v8;
	v7 =	vsub.f32 v7, v11;
	v14 =	vmul.f32 $1.442695020e+00, v61;
	v24 =	vpop (erf)  }
0xee: {  	v3 =	vsub.f32 v3, v10;
	v44 =	vld [tilespmem:$0x1FF00];
	v13 =	vadd.f32 v58, v21;
	v25 =	vpop (erf)  }
0xef: {  	v39 =	vsub.f32 v5, v9;
	v16 =	vadd.f32 v60, v16;
	v26 =	vpop (erf);
	(erf) = vpow2.f32 v14  }
0xf0: {  	v4 =	vmul.f32 $1.442695020e+00, v4;
	v13 =	vadd.f32 v18, v13;
	v15 =	vadd.f32 v62, v15;
	v28 =	vpop (erf)  }
0xf1: {  	v45 =	vld [tilespmem:$0x1FF10];
	v36 =	vmul.f32 $1.442695020e+00, v7;
	v3 =	vmul.f32 $1.442695020e+00, v3;
	v12 =	vadd.f32 v63, v16;
	v30 =	vpop (erf)  }
0xf2: {  	v42 =	vmul.f32 $1.442695020e+00, v39;
	v29 =	vadd.f32 v59, v13;
	v27 =	vadd.f32 v24, v15;
	v31 =	vpop (erf)  }
0xf3: {  	v52 =	vld [tilespmem:$0x1FF50];
	vm8 =	vnez.u8 v44;
	v33 =	vadd.f32 v25, v19;
	v32 =	vadd.f32 v28, v12;
	v34 =	vpop (erf)  }
0xf4: {  	v0 =	vsel vm8, $0x55, v0;
	v14 =	vadd.f32 v26, v27;
	(erf) = vpow2.f32 v4;
	v35 =	vpop (erf)  }
0xf5: {  	v50 =	vld [tilespmem:$0x1FF40];
	(erf) = vrcp.f32 v29;
	v38 =	vadd.f32 v34, v32;
	v37 =	vadd.f32 v35, v33  }
0xf6: {  	v47 =	vld [tilespmem:$0x1FF20];
	vm8 =	vnez.u8 v45;
	v0 =	vsel vm9, $0x56, v0;
	(erf) = vpow2.f32 v36  }
0xf7: {  	v48 =	vld [tilespmem:$0x1FF30];
	v40 =	vadd.f32 v30, v14;
	(erf) = vrcp.f32 v38;
	v7 =	vadd.f32 v31, v37  }
0xf8: {  	v57 =	vld [tilespmem:$0x1FF70];
	vm9 =	vnez.u8 v52;
	v0 =	vsel vm13, $0x57, v0;
	(erf) = vpow2.f32 v3;
	v41 =	vpop (erf)  }
0xf9: {  	v56 =	vld [tilespmem:$0x1FF60];
	v0 =	vsel vm2, $0x58, v0;
	(erf) = vrcp.f32 v40;
	v43 =	vadd.f32 v41, v7  }
0xfa: {  	vm13 =	vnez.u8 v50;
	v0 =	vsel vm4, $0x59, v0;
	(erf) = vpow2.f32 v42  }
0xfb: {  	v60 =	vld [tilespmem:$0x1FF80];
	v3 =	vsel vm8, $0x55, v6;
	vm8 =	vnez.u8 v47;
	(erf) = vrcp.f32 v43  }
0xfc: {  	v0 =	vsel vm6, $0x5A, v0;
	v1 =	vsel vm8, $0x55, v1;
	vm8 =	vnez.u8 v48  }
0xfd: {  	v3 =	vsel vm13, $0x56, v3;
	vm13 =	vnez.u8 v57;
	v2 =	vsel vm8, $0x55, v2;
	v46 =	vpop (erf)  }
0xfe: {  	v1 =	vsel vm9, $0x56, v1;
	v3 =	vsel vm12, $0x57, v3;
	vm12 =	vnez.u8 v56;
	v49 =	vpop (erf)  }
0xff: {  	v3 =	vsel vm15, $0x58, v3;
	v2 =	vsel vm12, $0x56, v2;
	v4 =	vmul.f32 v49, v46;
	v51 =	vpop (erf)  }
0x100: {  	[tilespmem:s21+$0x17400] =	vst v0;
	v1 =	vsel vm13, $0x57, v1;
	vm15 =	vnez.u8 v60;
	v3 =	vsel vm1, $0x59, v3;
	v53 =	vpop (erf)  }
0x101: {  	s18 =	sadd.s32 $0x1, s18;
	v1 =	vsel vm11, $0x58, v1;
	v3 =	vsel vm7, $0x5A, v3;
	[tilespmem:s21+$0x17000] =	vst v4;
	v54 =	vmul.f32 v53, v51;
	v55 =	vpop (erf)  }
0x102: {  	p1 =	sne.s32 s18, $0x10;
	v2 =	vsel vm15, $0x57, v2;
	v1 =	vsel vm0, $0x59, v1;
	[tilespmem:s20+$0x17400] =	vst v3;
	v58 =	vpop (erf)  }
.Ltmp2:
0x103: {  	v2 =	vsel vm10, $0x58, v2;
	v1 =	vsel vm3, $0x5A, v1;
	[tilespmem:s20+$0x17000] =	vst v54;
	v0 =	vmul.f32 v58, v55;
	v59 =	vpop (erf);
	(pc) =	sbr.rel @p1 .LBB2_3-.Ltmp2, $4  }
0x104: {  	v2 =	vsel vm14, $0x59, v2;
	[tilespmem:s22+$0x17400] =	vst v1;
	v61 =	vpop (erf)  }
0x105: {  	v63 =	vsel vm5, $0x5A, v2;
	[tilespmem:s22+$0x17000] =	vst v0;
	v62 =	vmul.f32 v61, v59  }
0x106: {  	[tilespmem:s19+$0x17400] =	vst v63  }
0x107: {  	s17 =	sadd.s32 $0x1, s17;
	[tilespmem:s19+$0x17000] =	vst v62  }
0x108: {  	s0 =	rddreg [dreg:$0x1]  }
0x109: {  	s0 =	sadd.s32 s0, s16  }
0x10a: {  	[hbm4b:s0+s3] =	stream.linear.scatter [tilespmem:s12], [sflag:$0x2], $0x400, $0x38;
	[tilespmem:$0x17800] =	vst v63  }
0x10b: {  	_ =	swait.ge [sflag:s13], $0x400  }
0x10c: {  	[sflag:s13] =	ssyncset.done $0x0  }
.Ltmp3:
0x10d: {  	s31 =	sadd.s32 s6, s16;
	[sflag:s13] =	ssyncadd.s32 $0xFFFFFC00;
	(pc) =	sbr.rel @p0 .LBB2_2-.Ltmp3, $4  }
0x10e: {  	[hbm4b:s31+s3] =	stream.linear.scatter [tilespmem:s14], [sflag:$0x2], $0x400, $0x38;
	[tilespmem:$0x17800] =	vst v63  }
0x10f: {  	_ =	swait.ge [sflag:s13], $0x400  }
0x110: {  	[sflag:s13] =	ssyncset.done $0x0  }
0x111: {  	p1 =	por $0x0, $0x0;
	s0 =	simm.s32 $0x20;
	[sflag:s13] =	ssyncadd.s32 $0xFFFFFC00  }
0x112: {  	s1 =	rddreg [dreg:$0x5]  }
0x113: {  	s0 =	rddreg [dreg:$0x4];
	s1 =	sadd.s32 $0x1, s1  }
0x114: {  	p0 =	sne.s32 s1, s0  }
.Ltmp4:
0x115: {  	_ = 	snop;
	(pc) =	sbr.rel @p0 .LBB2_1-.Ltmp4, $1  }
0x116: {  	_ =	sdelay $0x3  }
0x117: {  	_ =	sfence.sel $0x180000  }
0x118: {  	[bflag:$0x0] =	sbarrier.arrive $0xFFFF  }
0x119: {  	_ =	strace $0x90000047  }
0x11a: {  	s0 =	stileid.u32;
	[bflag:$0x2] =	sbarrier.arrive $0xFFFF  }
0x11b: {  	p0 =	sne.s32 s0, $0x0;
	s0 =	rddreg [dreg:$0x3]  }
0x11c: {  	s0 =	sadd.s32 @!p0 $0x100000, s0  }
0x11d: {  	[sflag:s0] =	ssyncadd.tile.s32 @!p0 $0x1;
	_ =	shalt  }
.Lfunc_end2:
_tile_overlayer_lowered:
.L_overlay_start_2:
0x11e: {  	(tag) =	ssettag $0x2  }
0x11f: {  	s0 =	rddreg [dreg:$0x0];
	s2 =	stileid.u32  }
0x120: {  	s1 =	rddreg [dreg:$0x1];
	p0 =	sne.s32 s2, $0x0  }
0x121: {  	s3 =	rddreg [dreg:$0x2];
	[bflag:$0x3] =	sbarrier.arrive $0xFFFF;
	s2 =	simm.s32 @!p0 $0x1C03  }
0x122: {  	[timem:s3], [sflag:s2] =	dma.local @!p0 [hbm:s0], s1  }
0x123: {  	s0 =	simm.s32 @!p0 $0x3  }
0x124: {  	_ =	swait.ge @!p0 [sflag:s0], s1  }
0x125: {  	s1 =	ssub.s32 @!p0 $0x0, s1;
	[sflag:s0] =	ssyncset.done @!p0 $0x0  }
0x126: {  	[sflag:s0] =	ssyncadd.s32 @!p0 s1  }
0x127: {  	[bflag:$0x3] =	sbarrier.arrive $0xFFFF  }
0x128: {  	_ =	shalt  }

</sc_bundles>
